<compile_context>
chip_gen: v7x
topology: tpu7x:2x2x1
jax: 0.10.2.dev20260603
libtpu: 0.0.44.dev20260713+nightly
codegen_flags: <defaults>
</compile_context>

<pallas_src>
import functools

import jax
import jax.numpy as jnp
from jax import lax
from jax.experimental import pallas as pl
from jax.experimental.pallas import tpu as pltpu
from jax.experimental.pallas import tpu_sc as plsc

B = 16384
D = 128
LANES = 16
NUM_CORES = 2
NUM_SUBCORES = 16
NW = NUM_CORES * NUM_SUBCORES
BPW = B // NW
CHUNK = 64
NCHUNK = BPW // CHUNK
NSUPER = NCHUNK // 2
NGROUP = CHUNK // LANES


def _row_acc(hb, rb, tb, i):
    acc = (hb[i, pl.ds(0, LANES)]
           * rb[i, pl.ds(0, LANES)]
           * tb[i, pl.ds(0, LANES)])
    for k in range(1, D // LANES):
        o = k * LANES
        acc = acc + (hb[i, pl.ds(o, LANES)]
                     * rb[i, pl.ds(o, LANES)]
                     * tb[i, pl.ds(o, LANES)])
    return acc


def _perm(x, idx):
    return jnp.take_along_axis(x, idx, axis=0, mode="promise_in_bounds")


def _compute_chunk(hb, rb, tb, partials, scores, cb, lane):

    def merge(a, b, s):
        mask = (lane & s) == 0
        return jnp.where(mask, a, b) + _perm(jnp.where(mask, b, a),
                                             lane ^ s)

    def packet_body(p, carry):
        i = p * 4
        v0 = _row_acc(hb, rb, tb, i)
        v1 = _row_acc(hb, rb, tb, i + 1)
        v2 = _row_acc(hb, rb, tb, i + 2)
        v3 = _row_acc(hb, rb, tb, i + 3)
        m = merge(merge(v0, v1, 1), merge(v2, v3, 1), 2)
        partials[p, pl.ds(0, LANES)] = m
        return carry

    lax.fori_loop(0, CHUNK // 4, packet_body, 0, unroll=2)

    def group_body(g, carry):
        pb = g * 4
        p0 = partials[pb, pl.ds(0, LANES)]
        p1 = partials[pb + 1, pl.ds(0, LANES)]
        p2 = partials[pb + 2, pl.ds(0, LANES)]
        p3 = partials[pb + 3, pl.ds(0, LANES)]
        vec = merge(merge(p0, p1, 4), merge(p2, p3, 4), 8)
        scores[pl.ds(cb + g * LANES, LANES)] = vec
        return carry

    lax.fori_loop(0, NGROUP, group_body, 0, unroll=2)


def _sc_kernel(head_hbm, rel_hbm, tail_hbm, ent_hbm, relemb_hbm, out_hbm,
               hidx, ridx, tidx, scores, partials, bufs, sems, sem_out):
    wid = lax.axis_index("s") * NUM_CORES + lax.axis_index("c")
    base = wid * BPW

    idx_a = (
        pltpu.make_async_copy(head_hbm.at[pl.ds(base, CHUNK)],
                              hidx.at[pl.ds(0, CHUNK)], sems[0][0]),
        pltpu.make_async_copy(rel_hbm.at[pl.ds(base, CHUNK)],
                              ridx.at[pl.ds(0, CHUNK)], sems[0][1]),
        pltpu.make_async_copy(tail_hbm.at[pl.ds(base, CHUNK)],
                              tidx.at[pl.ds(0, CHUNK)], sems[0][2]),
    )
    rest = BPW - CHUNK
    idx_b = (
        pltpu.make_async_copy(head_hbm.at[pl.ds(base + CHUNK, rest)],
                              hidx.at[pl.ds(CHUNK, rest)], sems[1][0]),
        pltpu.make_async_copy(rel_hbm.at[pl.ds(base + CHUNK, rest)],
                              ridx.at[pl.ds(CHUNK, rest)], sems[1][1]),
        pltpu.make_async_copy(tail_hbm.at[pl.ds(base + CHUNK, rest)],
                              tidx.at[pl.ds(CHUNK, rest)], sems[1][2]),
    )
    for c in idx_a + idx_b:
        c.start()
    for c in idx_a:
        c.wait()

    lane = lax.iota(jnp.int32, LANES)

    def copies(ci, bset, sset):
        cb = ci * CHUNK
        hb, rb, tb = bset
        sh, sr, st = sset
        return (
            pltpu.make_async_copy(ent_hbm.at[hidx.at[pl.ds(cb, CHUNK)]], hb, sh),
            pltpu.make_async_copy(relemb_hbm.at[ridx.at[pl.ds(cb, CHUNK)]], rb, sr),
            pltpu.make_async_copy(ent_hbm.at[tidx.at[pl.ds(cb, CHUNK)]], tb, st),
        )

    def start(ci, bset, sset):
        for c in copies(ci, bset, sset):
            c.start()

    def wait(ci, bset, sset):
        for c in copies(ci, bset, sset):
            c.wait()

    start(0, bufs[0], sems[0])
    for c in idx_b:
        c.wait()

    def superstep(t, carry):
        c0 = 2 * t
        start(c0 + 1, bufs[1], sems[1])
        wait(c0, bufs[0], sems[0])
        _compute_chunk(bufs[0][0], bufs[0][1], bufs[0][2],
                       partials, scores, c0 * CHUNK, lane)

        @pl.when(t + 1 < NSUPER)
        def _():
            start(c0 + 2, bufs[0], sems[0])

        wait(c0 + 1, bufs[1], sems[1])
        _compute_chunk(bufs[1][0], bufs[1][1], bufs[1][2],
                       partials, scores, (c0 + 1) * CHUNK, lane)
        pltpu.make_async_copy(
            scores.at[pl.ds(c0 * CHUNK, 2 * CHUNK)],
            out_hbm.at[pl.ds(base + c0 * CHUNK, 2 * CHUNK)],
            sem_out).start()
        return carry

    lax.fori_loop(0, NSUPER, superstep, 0)
    for _ in range(NSUPER):
        pltpu.make_async_copy(
            scores.at[pl.ds(0, 2 * CHUNK)],
            out_hbm.at[pl.ds(base, 2 * CHUNK)],
            sem_out).wait()


@functools.partial(
    pl.kernel,
    mesh=plsc.VectorSubcoreMesh(core_axis_name="c", subcore_axis_name="s"),
    out_type=jax.ShapeDtypeStruct((B,), jnp.float32),
    scratch_types=[
        pltpu.VMEM((BPW,), jnp.int32),
        pltpu.VMEM((BPW,), jnp.int32),
        pltpu.VMEM((BPW,), jnp.int32),
        pltpu.VMEM((BPW,), jnp.float32),
        pltpu.VMEM((CHUNK // 4, LANES), jnp.float32),
    ] + [pltpu.VMEM((CHUNK, D), jnp.float32) for _ in range(6)]
      + [pltpu.SemaphoreType.DMA for _ in range(7)],
)
def _distmult_sc(head_hbm, rel_hbm, tail_hbm, ent_hbm, relemb_hbm, out_hbm,
                 hidx, ridx, tidx, scores, partials,
                 hb0, rb0, tb0, hb1, rb1, tb1,
                 sh0, sr0, st0, sh1, sr1, st1, sem_out):
    _sc_kernel(head_hbm, rel_hbm, tail_hbm, ent_hbm, relemb_hbm, out_hbm,
               hidx, ridx, tidx, scores, partials,
               ((hb0, rb0, tb0), (hb1, rb1, tb1)),
               ((sh0, sr0, st0), (sh1, sr1, st1)), sem_out)


def kernel(head, relation, tail, entity_emb, relation_emb):
    head = head.astype(jnp.int32)
    relation = relation.astype(jnp.int32)
    tail = tail.astype(jnp.int32)
    return _distmult_sc(head, relation, tail, entity_emb, relation_emb)

# --- scband reference (transcript-rebuilt; emitter-appended) ---
"""Pipeline reference for scband-kgembedding-model-15006615733807 (READ-ONLY COPY).

The authoritative reference and input builder live on the scoring server;
editing this copy changes nothing except your own understanding.
"""

import jax, jax.numpy as jnp
import numpy as np

B = 16384
NUM_ENTITIES = 1000000
NUM_RELATIONS = 1000
EMBED_DIM = 128


def setup_inputs(seed: int = 0) -> dict:
    key = jax.random.key(seed)
    k1, k2, k3, k4, k5 = jax.random.split(key, 5)
    head = jax.random.randint(k1, (B,), 0, NUM_ENTITIES)
    relation = jax.random.randint(k2, (B,), 0, NUM_RELATIONS)
    tail = jax.random.randint(k3, (B,), 0, NUM_ENTITIES)
    entity_emb = jax.random.uniform(k4, (NUM_ENTITIES, EMBED_DIM), minval=-0.1, maxval=0.1, dtype=jnp.float32)
    relation_emb = jax.random.uniform(k5, (NUM_RELATIONS, EMBED_DIM), minval=-0.1, maxval=0.1, dtype=jnp.float32)
    return {"head": head, "relation": relation, "tail": tail,
            "entity_emb": entity_emb, "relation_emb": relation_emb}


def reference(head, relation, tail, entity_emb, relation_emb):
    # DistMult scoring: score(h, r, t) = sum_d h_d * r_d * t_d
    h = jnp.take(entity_emb, head, axis=0)
    r = jnp.take(relation_emb, relation, axis=0)
    t = jnp.take(entity_emb, tail, axis=0)
    score = (h * r * t).sum(axis=-1)
    return score

if __name__ == "__main__":
    import jax
    _d = setup_inputs()
    print(jax.jit(kernel)(*tuple(_d.values())))

</pallas_src>

<mosaic_0001>
#map = affine_map<(d0, d1) -> (0)>
#map1 = affine_map<(d0, d1) -> (0, 0)>
module attributes {stable_mosaic.version = 14 : i64} {
  func.func @_distmult_sc(%arg0: i32, %arg1: i32, %arg2: memref<16384xi32, #tpu.memory_space<hbm>>, %arg3: memref<16384xi32, #tpu.memory_space<hbm>>, %arg4: memref<16384xi32, #tpu.memory_space<hbm>>, %arg5: memref<1000000x128xf32, #tpu.memory_space<hbm>>, %arg6: memref<1000x128xf32, #tpu.memory_space<hbm>>, %arg7: memref<16384xf32, #tpu.memory_space<hbm>>, %arg8: memref<512xi32, #tpu.memory_space<vmem>>, %arg9: memref<512xi32, #tpu.memory_space<vmem>>, %arg10: memref<512xi32, #tpu.memory_space<vmem>>, %arg11: memref<512xf32, #tpu.memory_space<vmem>>, %arg12: memref<16x16xf32, #tpu.memory_space<vmem>>, %arg13: memref<64x128xf32, #tpu.memory_space<vmem>>, %arg14: memref<64x128xf32, #tpu.memory_space<vmem>>, %arg15: memref<64x128xf32, #tpu.memory_space<vmem>>, %arg16: memref<64x128xf32, #tpu.memory_space<vmem>>, %arg17: memref<64x128xf32, #tpu.memory_space<vmem>>, %arg18: memref<64x128xf32, #tpu.memory_space<vmem>>, %arg19: memref<!tpu.dma_semaphore, #tpu.memory_space<semaphore_mem>>, %arg20: memref<!tpu.dma_semaphore, #tpu.memory_space<semaphore_mem>>, %arg21: memref<!tpu.dma_semaphore, #tpu.memory_space<semaphore_mem>>, %arg22: memref<!tpu.dma_semaphore, #tpu.memory_space<semaphore_mem>>, %arg23: memref<!tpu.dma_semaphore, #tpu.memory_space<semaphore_mem>>, %arg24: memref<!tpu.dma_semaphore, #tpu.memory_space<semaphore_mem>>, %arg25: memref<!tpu.dma_semaphore, #tpu.memory_space<semaphore_mem>>) attributes {dimension_semantics = [#tpu.dimension_semantics<core_parallel>, #tpu.dimension_semantics<subcore_parallel>], iteration_bounds = array<i64: 2, 16>, scalar_prefetch = 0 : i64, scratch_operands = 18 : i64, tpu.core_type = #tpu.core_type<sc_vector_subcore>, window_params = [{transform_indices = #map}, {transform_indices = #map}, {transform_indices = #map}, {transform_indices = #map1}, {transform_indices = #map1}, {transform_indices = #map}]} {
    %mul3A = arith.constant 2 : i32
    %mul3A_0 = arith.muli %arg1, %mul3A : i32
    %add3A = arith.addi %mul3A_0, %arg0 : i32
    %mul3A_1 = arith.constant 512 : i32
    %mul3A_2 = arith.muli %add3A, %mul3A_1 : i32
    %add3A_3 = arith.constant 64 : i32
    %add3A_4 = arith.addi %mul3A_2, %add3A_3 : i32
    %add3A_5 = arith.constant 64 : i32
    %add3A_6 = arith.addi %mul3A_2, %add3A_5 : i32
    %add3A_7 = arith.constant 64 : i32
    %add3A_8 = arith.addi %mul3A_2, %add3A_7 : i32
    %dma_start3A = arith.constant 0 : i32
    %dma_start3A_9 = tpu.memref_slice %arg8[%dma_start3A] : memref<512xi32, #tpu.memory_space<vmem>> -> memref<64xi32, #tpu.memory_space<vmem>>
    %dma_start3A_10 = tpu.memref_slice %arg2[%mul3A_2] : memref<16384xi32, #tpu.memory_space<hbm>> -> memref<64xi32, #tpu.memory_space<hbm>>
    %dma_start3A_11 = arith.constant 0 : i32
    %dma_start3A_12 = tpu.memref_slice %arg8[%dma_start3A_11] : memref<512xi32, #tpu.memory_space<vmem>> -> memref<64xi32, #tpu.memory_space<vmem>>
    %dma_start3A_13 = tpu.memref_slice %arg2[%mul3A_2] : memref<16384xi32, #tpu.memory_space<hbm>> -> memref<64xi32, #tpu.memory_space<hbm>>
    tpu.enqueue_dma source(%dma_start3A_13 : memref<64xi32, #tpu.memory_space<hbm>>) target(%dma_start3A_12 : memref<64xi32, #tpu.memory_space<vmem>>) target_semaphore(%arg19 : memref<!tpu.dma_semaphore, #tpu.memory_space<semaphore_mem>>)
    %dma_start3A_14 = arith.constant 0 : i32
    %dma_start3A_15 = tpu.memref_slice %arg9[%dma_start3A_14] : memref<512xi32, #tpu.memory_space<vmem>> -> memref<64xi32, #tpu.memory_space<vmem>>
    %dma_start3A_16 = tpu.memref_slice %arg3[%mul3A_2] : memref<16384xi32, #tpu.memory_space<hbm>> -> memref<64xi32, #tpu.memory_space<hbm>>
    %dma_start3A_17 = arith.constant 0 : i32
    %dma_start3A_18 = tpu.memref_slice %arg9[%dma_start3A_17] : memref<512xi32, #tpu.memory_space<vmem>> -> memref<64xi32, #tpu.memory_space<vmem>>
    %dma_start3A_19 = tpu.memref_slice %arg3[%mul3A_2] : memref<16384xi32, #tpu.memory_space<hbm>> -> memref<64xi32, #tpu.memory_space<hbm>>
    tpu.enqueue_dma source(%dma_start3A_19 : memref<64xi32, #tpu.memory_space<hbm>>) target(%dma_start3A_18 : memref<64xi32, #tpu.memory_space<vmem>>) target_semaphore(%arg20 : memref<!tpu.dma_semaphore, #tpu.memory_space<semaphore_mem>>)
    %dma_start3A_20 = arith.constant 0 : i32
    %dma_start3A_21 = tpu.memref_slice %arg10[%dma_start3A_20] : memref<512xi32, #tpu.memory_space<vmem>> -> memref<64xi32, #tpu.memory_space<vmem>>
    %dma_start3A_22 = tpu.memref_slice %arg4[%mul3A_2] : memref<16384xi32, #tpu.memory_space<hbm>> -> memref<64xi32, #tpu.memory_space<hbm>>
    %dma_start3A_23 = arith.constant 0 : i32
    %dma_start3A_24 = tpu.memref_slice %arg10[%dma_start3A_23] : memref<512xi32, #tpu.memory_space<vmem>> -> memref<64xi32, #tpu.memory_space<vmem>>
    %dma_start3A_25 = tpu.memref_slice %arg4[%mul3A_2] : memref<16384xi32, #tpu.memory_space<hbm>> -> memref<64xi32, #tpu.memory_space<hbm>>
    tpu.enqueue_dma source(%dma_start3A_25 : memref<64xi32, #tpu.memory_space<hbm>>) target(%dma_start3A_24 : memref<64xi32, #tpu.memory_space<vmem>>) target_semaphore(%arg21 : memref<!tpu.dma_semaphore, #tpu.memory_space<semaphore_mem>>)
    %dma_start3A_26 = arith.constant 64 : i32
    %dma_start3A_27 = tpu.memref_slice %arg8[%dma_start3A_26] : memref<512xi32, #tpu.memory_space<vmem>> -> memref<448xi32, #tpu.memory_space<vmem>>
    %dma_start3A_28 = tpu.memref_slice %arg2[%add3A_4] : memref<16384xi32, #tpu.memory_space<hbm>> -> memref<448xi32, #tpu.memory_space<hbm>>
    %dma_start3A_29 = arith.constant 64 : i32
    %dma_start3A_30 = tpu.memref_slice %arg8[%dma_start3A_29] : memref<512xi32, #tpu.memory_space<vmem>> -> memref<448xi32, #tpu.memory_space<vmem>>
    %dma_start3A_31 = tpu.memref_slice %arg2[%add3A_4] : memref<16384xi32, #tpu.memory_space<hbm>> -> memref<448xi32, #tpu.memory_space<hbm>>
    tpu.enqueue_dma source(%dma_start3A_31 : memref<448xi32, #tpu.memory_space<hbm>>) target(%dma_start3A_30 : memref<448xi32, #tpu.memory_space<vmem>>) target_semaphore(%arg22 : memref<!tpu.dma_semaphore, #tpu.memory_space<semaphore_mem>>)
    %dma_start3A_32 = arith.constant 64 : i32
    %dma_start3A_33 = tpu.memref_slice %arg9[%dma_start3A_32] : memref<512xi32, #tpu.memory_space<vmem>> -> memref<448xi32, #tpu.memory_space<vmem>>
    %dma_start3A_34 = tpu.memref_slice %arg3[%add3A_6] : memref<16384xi32, #tpu.memory_space<hbm>> -> memref<448xi32, #tpu.memory_space<hbm>>
    %dma_start3A_35 = arith.constant 64 : i32
    %dma_start3A_36 = tpu.memref_slice %arg9[%dma_start3A_35] : memref<512xi32, #tpu.memory_space<vmem>> -> memref<448xi32, #tpu.memory_space<vmem>>
    %dma_start3A_37 = tpu.memref_slice %arg3[%add3A_6] : memref<16384xi32, #tpu.memory_space<hbm>> -> memref<448xi32, #tpu.memory_space<hbm>>
    tpu.enqueue_dma source(%dma_start3A_37 : memref<448xi32, #tpu.memory_space<hbm>>) target(%dma_start3A_36 : memref<448xi32, #tpu.memory_space<vmem>>) target_semaphore(%arg23 : memref<!tpu.dma_semaphore, #tpu.memory_space<semaphore_mem>>)
    %dma_start3A_38 = arith.constant 64 : i32
    %dma_start3A_39 = tpu.memref_slice %arg10[%dma_start3A_38] : memref<512xi32, #tpu.memory_space<vmem>> -> memref<448xi32, #tpu.memory_space<vmem>>
    %dma_start3A_40 = tpu.memref_slice %arg4[%add3A_8] : memref<16384xi32, #tpu.memory_space<hbm>> -> memref<448xi32, #tpu.memory_space<hbm>>
    %dma_start3A_41 = arith.constant 64 : i32
    %dma_start3A_42 = tpu.memref_slice %arg10[%dma_start3A_41] : memref<512xi32, #tpu.memory_space<vmem>> -> memref<448xi32, #tpu.memory_space<vmem>>
    %dma_start3A_43 = tpu.memref_slice %arg4[%add3A_8] : memref<16384xi32, #tpu.memory_space<hbm>> -> memref<448xi32, #tpu.memory_space<hbm>>
    tpu.enqueue_dma source(%dma_start3A_43 : memref<448xi32, #tpu.memory_space<hbm>>) target(%dma_start3A_42 : memref<448xi32, #tpu.memory_space<vmem>>) target_semaphore(%arg24 : memref<!tpu.dma_semaphore, #tpu.memory_space<semaphore_mem>>)
    %dma_wait3A = arith.constant 0 : i32
    %dma_wait3A_44 = tpu.memref_slice %arg8[%dma_wait3A] : memref<512xi32, #tpu.memory_space<vmem>> -> memref<64xi32, #tpu.memory_space<vmem>>
    %dma_wait3A_45 = tpu.memref_slice %arg2[%mul3A_2] : memref<16384xi32, #tpu.memory_space<hbm>> -> memref<64xi32, #tpu.memory_space<hbm>>
    %dma_wait3A_46 = arith.constant 0 : i32
    %dma_wait3A_47 = tpu.memref_slice %arg8[%dma_wait3A_46] : memref<512xi32, #tpu.memory_space<vmem>> -> memref<64xi32, #tpu.memory_space<vmem>>
    %dma_wait3A_48 = tpu.memref_slice %arg2[%mul3A_2] : memref<16384xi32, #tpu.memory_space<hbm>> -> memref<64xi32, #tpu.memory_space<hbm>>
    tpu.wait_dma2 semaphore(%arg19 : memref<!tpu.dma_semaphore, #tpu.memory_space<semaphore_mem>>) src(%dma_wait3A_48 : memref<64xi32, #tpu.memory_space<hbm>>) dst(%dma_wait3A_47 : memref<64xi32, #tpu.memory_space<vmem>>)
    %dma_wait3A_49 = arith.constant 0 : i32
    %dma_wait3A_50 = tpu.memref_slice %arg9[%dma_wait3A_49] : memref<512xi32, #tpu.memory_space<vmem>> -> memref<64xi32, #tpu.memory_space<vmem>>
    %dma_wait3A_51 = tpu.memref_slice %arg3[%mul3A_2] : memref<16384xi32, #tpu.memory_space<hbm>> -> memref<64xi32, #tpu.memory_space<hbm>>
    %dma_wait3A_52 = arith.constant 0 : i32
    %dma_wait3A_53 = tpu.memref_slice %arg9[%dma_wait3A_52] : memref<512xi32, #tpu.memory_space<vmem>> -> memref<64xi32, #tpu.memory_space<vmem>>
    %dma_wait3A_54 = tpu.memref_slice %arg3[%mul3A_2] : memref<16384xi32, #tpu.memory_space<hbm>> -> memref<64xi32, #tpu.memory_space<hbm>>
    tpu.wait_dma2 semaphore(%arg20 : memref<!tpu.dma_semaphore, #tpu.memory_space<semaphore_mem>>) src(%dma_wait3A_54 : memref<64xi32, #tpu.memory_space<hbm>>) dst(%dma_wait3A_53 : memref<64xi32, #tpu.memory_space<vmem>>)
    %dma_wait3A_55 = arith.constant 0 : i32
    %dma_wait3A_56 = tpu.memref_slice %arg10[%dma_wait3A_55] : memref<512xi32, #tpu.memory_space<vmem>> -> memref<64xi32, #tpu.memory_space<vmem>>
    %dma_wait3A_57 = tpu.memref_slice %arg4[%mul3A_2] : memref<16384xi32, #tpu.memory_space<hbm>> -> memref<64xi32, #tpu.memory_space<hbm>>
    %dma_wait3A_58 = arith.constant 0 : i32
    %dma_wait3A_59 = tpu.memref_slice %arg10[%dma_wait3A_58] : memref<512xi32, #tpu.memory_space<vmem>> -> memref<64xi32, #tpu.memory_space<vmem>>
    %dma_wait3A_60 = tpu.memref_slice %arg4[%mul3A_2] : memref<16384xi32, #tpu.memory_space<hbm>> -> memref<64xi32, #tpu.memory_space<hbm>>
    tpu.wait_dma2 semaphore(%arg21 : memref<!tpu.dma_semaphore, #tpu.memory_space<semaphore_mem>>) src(%dma_wait3A_60 : memref<64xi32, #tpu.memory_space<hbm>>) dst(%dma_wait3A_59 : memref<64xi32, #tpu.memory_space<vmem>>)
    %iota3A = tpu.iota {dimensions = array<i32: 0>} : vector<16xi32>
    %dma_start3A_61 = arith.constant 0 : i32
    %dma_start3A_62 = tpu.memref_slice %arg8[%dma_start3A_61] : memref<512xi32, #tpu.memory_space<vmem>> -> memref<64xi32, #tpu.memory_space<vmem>>
    %dma_start3A_63 = arith.constant 0 : i32
    %dma_start3A_64 = arith.constant 0 : i32
    %dma_start3A_65 = tpu.memref_slice %arg5[%dma_start3A_63, %dma_start3A_64] : memref<1000000x128xf32, #tpu.memory_space<hbm>> -> memref<1000000x128xf32, #tpu.memory_space<hbm>>
    tpu.enqueue_indirect_dma source(%dma_start3A_65 : memref<1000000x128xf32, #tpu.memory_space<hbm>>) target(%arg13 : memref<64x128xf32, #tpu.memory_space<vmem>>) offsets(%dma_start3A_62 : memref<64xi32, #tpu.memory_space<vmem>>) semaphore(%arg19 : memref<!tpu.dma_semaphore, #tpu.memory_space<semaphore_mem>>)
    %dma_start3A_66 = arith.constant 0 : i32
    %dma_start3A_67 = tpu.memref_slice %arg9[%dma_start3A_66] : memref<512xi32, #tpu.memory_space<vmem>> -> memref<64xi32, #tpu.memory_space<vmem>>
    %dma_start3A_68 = arith.constant 0 : i32
    %dma_start3A_69 = arith.constant 0 : i32
    %dma_start3A_70 = tpu.memref_slice %arg6[%dma_start3A_68, %dma_start3A_69] : memref<1000x128xf32, #tpu.memory_space<hbm>> -> memref<1000x128xf32, #tpu.memory_space<hbm>>
    tpu.enqueue_indirect_dma source(%dma_start3A_70 : memref<1000x128xf32, #tpu.memory_space<hbm>>) target(%arg14 : memref<64x128xf32, #tpu.memory_space<vmem>>) offsets(%dma_start3A_67 : memref<64xi32, #tpu.memory_space<vmem>>) semaphore(%arg20 : memref<!tpu.dma_semaphore, #tpu.memory_space<semaphore_mem>>)
    %dma_start3A_71 = arith.constant 0 : i32
    %dma_start3A_72 = tpu.memref_slice %arg10[%dma_start3A_71] : memref<512xi32, #tpu.memory_space<vmem>> -> memref<64xi32, #tpu.memory_space<vmem>>
    %dma_start3A_73 = arith.constant 0 : i32
    %dma_start3A_74 = arith.constant 0 : i32
    %dma_start3A_75 = tpu.memref_slice %arg5[%dma_start3A_73, %dma_start3A_74] : memref<1000000x128xf32, #tpu.memory_space<hbm>> -> memref<1000000x128xf32, #tpu.memory_space<hbm>>
    tpu.enqueue_indirect_dma source(%dma_start3A_75 : memref<1000000x128xf32, #tpu.memory_space<hbm>>) target(%arg15 : memref<64x128xf32, #tpu.memory_space<vmem>>) offsets(%dma_start3A_72 : memref<64xi32, #tpu.memory_space<vmem>>) semaphore(%arg21 : memref<!tpu.dma_semaphore, #tpu.memory_space<semaphore_mem>>)
    %dma_wait3A_76 = arith.constant 64 : i32
    %dma_wait3A_77 = tpu.memref_slice %arg8[%dma_wait3A_76] : memref<512xi32, #tpu.memory_space<vmem>> -> memref<448xi32, #tpu.memory_space<vmem>>
    %dma_wait3A_78 = tpu.memref_slice %arg2[%add3A_4] : memref<16384xi32, #tpu.memory_space<hbm>> -> memref<448xi32, #tpu.memory_space<hbm>>
    %dma_wait3A_79 = arith.constant 64 : i32
    %dma_wait3A_80 = tpu.memref_slice %arg8[%dma_wait3A_79] : memref<512xi32, #tpu.memory_space<vmem>> -> memref<448xi32, #tpu.memory_space<vmem>>
    %dma_wait3A_81 = tpu.memref_slice %arg2[%add3A_4] : memref<16384xi32, #tpu.memory_space<hbm>> -> memref<448xi32, #tpu.memory_space<hbm>>
    tpu.wait_dma2 semaphore(%arg22 : memref<!tpu.dma_semaphore, #tpu.memory_space<semaphore_mem>>) src(%dma_wait3A_81 : memref<448xi32, #tpu.memory_space<hbm>>) dst(%dma_wait3A_80 : memref<448xi32, #tpu.memory_space<vmem>>)
    %dma_wait3A_82 = arith.constant 64 : i32
    %dma_wait3A_83 = tpu.memref_slice %arg9[%dma_wait3A_82] : memref<512xi32, #tpu.memory_space<vmem>> -> memref<448xi32, #tpu.memory_space<vmem>>
    %dma_wait3A_84 = tpu.memref_slice %arg3[%add3A_6] : memref<16384xi32, #tpu.memory_space<hbm>> -> memref<448xi32, #tpu.memory_space<hbm>>
    %dma_wait3A_85 = arith.constant 64 : i32
    %dma_wait3A_86 = tpu.memref_slice %arg9[%dma_wait3A_85] : memref<512xi32, #tpu.memory_space<vmem>> -> memref<448xi32, #tpu.memory_space<vmem>>
    %dma_wait3A_87 = tpu.memref_slice %arg3[%add3A_6] : memref<16384xi32, #tpu.memory_space<hbm>> -> memref<448xi32, #tpu.memory_space<hbm>>
    tpu.wait_dma2 semaphore(%arg23 : memref<!tpu.dma_semaphore, #tpu.memory_space<semaphore_mem>>) src(%dma_wait3A_87 : memref<448xi32, #tpu.memory_space<hbm>>) dst(%dma_wait3A_86 : memref<448xi32, #tpu.memory_space<vmem>>)
    %dma_wait3A_88 = arith.constant 64 : i32
    %dma_wait3A_89 = tpu.memref_slice %arg10[%dma_wait3A_88] : memref<512xi32, #tpu.memory_space<vmem>> -> memref<448xi32, #tpu.memory_space<vmem>>
    %dma_wait3A_90 = tpu.memref_slice %arg4[%add3A_8] : memref<16384xi32, #tpu.memory_space<hbm>> -> memref<448xi32, #tpu.memory_space<hbm>>
    %dma_wait3A_91 = arith.constant 64 : i32
    %dma_wait3A_92 = tpu.memref_slice %arg10[%dma_wait3A_91] : memref<512xi32, #tpu.memory_space<vmem>> -> memref<448xi32, #tpu.memory_space<vmem>>
    %dma_wait3A_93 = tpu.memref_slice %arg4[%add3A_8] : memref<16384xi32, #tpu.memory_space<hbm>> -> memref<448xi32, #tpu.memory_space<hbm>>
    tpu.wait_dma2 semaphore(%arg24 : memref<!tpu.dma_semaphore, #tpu.memory_space<semaphore_mem>>) src(%dma_wait3A_93 : memref<448xi32, #tpu.memory_space<hbm>>) dst(%dma_wait3A_92 : memref<448xi32, #tpu.memory_space<vmem>>)
    %scan3A = arith.constant 0 : i32
    %scan3A_94 = arith.constant 0 : i32
    %scan3A_95 = arith.constant 4 : i32
    %scan3A_96 = arith.addi %scan3A_94, %scan3A_95 : i32
    %scan3A_97 = arith.constant 1 : i32
    scf.for %scan3A_123 = %scan3A_94 to %scan3A_96 step %scan3A_97  : i32 {
      %mul3A_124 = arith.constant 2 : i32
      %mul3A_125 = arith.muli %mul3A_124, %scan3A_123 : i32
      %add3A_126 = arith.constant 1 : i32
      %add3A_127 = arith.addi %mul3A_125, %add3A_126 : i32
      %mul3A_128 = arith.constant 64 : i32
      %mul3A_129 = arith.muli %add3A_127, %mul3A_128 : i32
      %dma_start3A_130 = tpu.memref_slice %arg8[%mul3A_129] : memref<512xi32, #tpu.memory_space<vmem>> -> memref<64xi32, #tpu.memory_space<vmem>>
      %dma_start3A_131 = arith.constant 0 : i32
      %dma_start3A_132 = arith.constant 0 : i32
      %dma_start3A_133 = tpu.memref_slice %arg5[%dma_start3A_131, %dma_start3A_132] : memref<1000000x128xf32, #tpu.memory_space<hbm>> -> memref<1000000x128xf32, #tpu.memory_space<hbm>>
      tpu.enqueue_indirect_dma source(%dma_start3A_133 : memref<1000000x128xf32, #tpu.memory_space<hbm>>) target(%arg16 : memref<64x128xf32, #tpu.memory_space<vmem>>) offsets(%dma_start3A_130 : memref<64xi32, #tpu.memory_space<vmem>>) semaphore(%arg22 : memref<!tpu.dma_semaphore, #tpu.memory_space<semaphore_mem>>)
      %dma_start3A_134 = tpu.memref_slice %arg9[%mul3A_129] : memref<512xi32, #tpu.memory_space<vmem>> -> memref<64xi32, #tpu.memory_space<vmem>>
      %dma_start3A_135 = arith.constant 0 : i32
      %dma_start3A_136 = arith.constant 0 : i32
      %dma_start3A_137 = tpu.memref_slice %arg6[%dma_start3A_135, %dma_start3A_136] : memref<1000x128xf32, #tpu.memory_space<hbm>> -> memref<1000x128xf32, #tpu.memory_space<hbm>>
      tpu.enqueue_indirect_dma source(%dma_start3A_137 : memref<1000x128xf32, #tpu.memory_space<hbm>>) target(%arg17 : memref<64x128xf32, #tpu.memory_space<vmem>>) offsets(%dma_start3A_134 : memref<64xi32, #tpu.memory_space<vmem>>) semaphore(%arg23 : memref<!tpu.dma_semaphore, #tpu.memory_space<semaphore_mem>>)
      %dma_start3A_138 = tpu.memref_slice %arg10[%mul3A_129] : memref<512xi32, #tpu.memory_space<vmem>> -> memref<64xi32, #tpu.memory_space<vmem>>
      %dma_start3A_139 = arith.constant 0 : i32
      %dma_start3A_140 = arith.constant 0 : i32
      %dma_start3A_141 = tpu.memref_slice %arg5[%dma_start3A_139, %dma_start3A_140] : memref<1000000x128xf32, #tpu.memory_space<hbm>> -> memref<1000000x128xf32, #tpu.memory_space<hbm>>
      tpu.enqueue_indirect_dma source(%dma_start3A_141 : memref<1000000x128xf32, #tpu.memory_space<hbm>>) target(%arg18 : memref<64x128xf32, #tpu.memory_space<vmem>>) offsets(%dma_start3A_138 : memref<64xi32, #tpu.memory_space<vmem>>) semaphore(%arg24 : memref<!tpu.dma_semaphore, #tpu.memory_space<semaphore_mem>>)
      %mul3A_142 = arith.constant 64 : i32
      %mul3A_143 = arith.muli %mul3A_125, %mul3A_142 : i32
      %dma_wait3A_144 = tpu.memref_slice %arg8[%mul3A_143] : memref<512xi32, #tpu.memory_space<vmem>> -> memref<64xi32, #tpu.memory_space<vmem>>
      %dma_wait3A_145 = arith.constant 0 : i32
      %dma_wait3A_146 = arith.constant 0 : i32
      %dma_wait3A_147 = tpu.memref_slice %arg5[%dma_wait3A_145, %dma_wait3A_146] : memref<1000000x128xf32, #tpu.memory_space<hbm>> -> memref<1000000x128xf32, #tpu.memory_space<hbm>>
      tpu.wait_indirect_dma semaphore(%arg19 : memref<!tpu.dma_semaphore, #tpu.memory_space<semaphore_mem>>) src(%dma_wait3A_147 : memref<1000000x128xf32, #tpu.memory_space<hbm>>) dst(%arg13 : memref<64x128xf32, #tpu.memory_space<vmem>>)
      %dma_wait3A_148 = tpu.memref_slice %arg9[%mul3A_143] : memref<512xi32, #tpu.memory_space<vmem>> -> memref<64xi32, #tpu.memory_space<vmem>>
      %dma_wait3A_149 = arith.constant 0 : i32
      %dma_wait3A_150 = arith.constant 0 : i32
      %dma_wait3A_151 = tpu.memref_slice %arg6[%dma_wait3A_149, %dma_wait3A_150] : memref<1000x128xf32, #tpu.memory_space<hbm>> -> memref<1000x128xf32, #tpu.memory_space<hbm>>
      tpu.wait_indirect_dma semaphore(%arg20 : memref<!tpu.dma_semaphore, #tpu.memory_space<semaphore_mem>>) src(%dma_wait3A_151 : memref<1000x128xf32, #tpu.memory_space<hbm>>) dst(%arg14 : memref<64x128xf32, #tpu.memory_space<vmem>>)
      %dma_wait3A_152 = tpu.memref_slice %arg10[%mul3A_143] : memref<512xi32, #tpu.memory_space<vmem>> -> memref<64xi32, #tpu.memory_space<vmem>>
      %dma_wait3A_153 = arith.constant 0 : i32
      %dma_wait3A_154 = arith.constant 0 : i32
      %dma_wait3A_155 = tpu.memref_slice %arg5[%dma_wait3A_153, %dma_wait3A_154] : memref<1000000x128xf32, #tpu.memory_space<hbm>> -> memref<1000000x128xf32, #tpu.memory_space<hbm>>
      tpu.wait_indirect_dma semaphore(%arg21 : memref<!tpu.dma_semaphore, #tpu.memory_space<semaphore_mem>>) src(%dma_wait3A_155 : memref<1000000x128xf32, #tpu.memory_space<hbm>>) dst(%arg15 : memref<64x128xf32, #tpu.memory_space<vmem>>)
      %mul3A_156 = arith.constant 64 : i32
      %mul3A_157 = arith.muli %mul3A_125, %mul3A_156 : i32
      %scan3A_158 = arith.constant 0 : i32
      %scan3A_159 = arith.constant 0 : i32
      %scan3A_160 = arith.constant 16 : i32
      %scan3A_161 = arith.addi %scan3A_159, %scan3A_160 : i32
      %scan3A_162 = arith.constant 2 : i32
      scf.for %scan3A_215 = %scan3A_159 to %scan3A_161 step %scan3A_162  : i32 {
        %mul3A_216 = arith.constant 4 : i32
        %mul3A_217 = arith.muli %scan3A_215, %mul3A_216 : i32
        %get3A = arith.index_cast %mul3A_217 : i32 to index
        %get3A_218 = arith.constant 0 : index
        %get3A_219 = tpu.vector_load %arg13[%get3A, %get3A_218] {strides = array<i32>} : memref<64x128xf32, #tpu.memory_space<vmem>>, vector<1x16xf32>,
        %get3A_220 = vector.shape_cast %get3A_219 : vector<1x16xf32> to vector<16xf32>
        %get3A_221 = arith.index_cast %mul3A_217 : i32 to index
        %get3A_222 = arith.constant 0 : index
        %get3A_223 = tpu.vector_load %arg14[%get3A_221, %get3A_222] {strides = array<i32>} : memref<64x128xf32, #tpu.memory_space<vmem>>, vector<1x16xf32>,
        %get3A_224 = vector.shape_cast %get3A_223 : vector<1x16xf32> to vector<16xf32>
        %mul3A_225 = arith.mulf %get3A_220, %get3A_224 : vector<16xf32>
        %get3A_226 = arith.index_cast %mul3A_217 : i32 to index
        %get3A_227 = arith.constant 0 : index
        %get3A_228 = tpu.vector_load %arg15[%get3A_226, %get3A_227] {strides = array<i32>} : memref<64x128xf32, #tpu.memory_space<vmem>>, vector<1x16xf32>,
        %get3A_229 = vector.shape_cast %get3A_228 : vector<1x16xf32> to vector<16xf32>
        %mul3A_230 = arith.mulf %mul3A_225, %get3A_229 : vector<16xf32>
        %get3A_231 = arith.index_cast %mul3A_217 : i32 to index
        %get3A_232 = arith.constant 16 : index
        %get3A_233 = tpu.vector_load %arg13[%get3A_231, %get3A_232] {strides = array<i32>} : memref<64x128xf32, #tpu.memory_space<vmem>>, vector<1x16xf32>,
        %get3A_234 = vector.shape_cast %get3A_233 : vector<1x16xf32> to vector<16xf32>
        %get3A_235 = arith.index_cast %mul3A_217 : i32 to index
        %get3A_236 = arith.constant 16 : index
        %get3A_237 = tpu.vector_load %arg14[%get3A_235, %get3A_236] {strides = array<i32>} : memref<64x128xf32, #tpu.memory_space<vmem>>, vector<1x16xf32>,
        %get3A_238 = vector.shape_cast %get3A_237 : vector<1x16xf32> to vector<16xf32>
        %mul3A_239 = arith.mulf %get3A_234, %get3A_238 : vector<16xf32>
        %get3A_240 = arith.index_cast %mul3A_217 : i32 to index
        %get3A_241 = arith.constant 16 : index
        %get3A_242 = tpu.vector_load %arg15[%get3A_240, %get3A_241] {strides = array<i32>} : memref<64x128xf32, #tpu.memory_space<vmem>>, vector<1x16xf32>,
        %get3A_243 = vector.shape_cast %get3A_242 : vector<1x16xf32> to vector<16xf32>
        %mul3A_244 = arith.mulf %mul3A_239, %get3A_243 : vector<16xf32>
        %add3A_245 = arith.addf %mul3A_230, %mul3A_244 : vector<16xf32>
        %get3A_246 = arith.index_cast %mul3A_217 : i32 to index
        %get3A_247 = arith.constant 32 : index
        %get3A_248 = tpu.vector_load %arg13[%get3A_246, %get3A_247] {strides = array<i32>} : memref<64x128xf32, #tpu.memory_space<vmem>>, vector<1x16xf32>,
        %get3A_249 = vector.shape_cast %get3A_248 : vector<1x16xf32> to vector<16xf32>
        %get3A_250 = arith.index_cast %mul3A_217 : i32 to index
        %get3A_251 = arith.constant 32 : index
        %get3A_252 = tpu.vector_load %arg14[%get3A_250, %get3A_251] {strides = array<i32>} : memref<64x128xf32, #tpu.memory_space<vmem>>, vector<1x16xf32>,
        %get3A_253 = vector.shape_cast %get3A_252 : vector<1x16xf32> to vector<16xf32>
        %mul3A_254 = arith.mulf %get3A_249, %get3A_253 : vector<16xf32>
        %get3A_255 = arith.index_cast %mul3A_217 : i32 to index
        %get3A_256 = arith.constant 32 : index
        %get3A_257 = tpu.vector_load %arg15[%get3A_255, %get3A_256] {strides = array<i32>} : memref<64x128xf32, #tpu.memory_space<vmem>>, vector<1x16xf32>,
        %get3A_258 = vector.shape_cast %get3A_257 : vector<1x16xf32> to vector<16xf32>
        %mul3A_259 = arith.mulf %mul3A_254, %get3A_258 : vector<16xf32>
        %add3A_260 = arith.addf %add3A_245, %mul3A_259 : vector<16xf32>
        %get3A_261 = arith.index_cast %mul3A_217 : i32 to index
        %get3A_262 = arith.constant 48 : index
        %get3A_263 = tpu.vector_load %arg13[%get3A_261, %get3A_262] {strides = array<i32>} : memref<64x128xf32, #tpu.memory_space<vmem>>, vector<1x16xf32>,
        %get3A_264 = vector.shape_cast %get3A_263 : vector<1x16xf32> to vector<16xf32>
        %get3A_265 = arith.index_cast %mul3A_217 : i32 to index
        %get3A_266 = arith.constant 48 : index
        %get3A_267 = tpu.vector_load %arg14[%get3A_265, %get3A_266] {strides = array<i32>} : memref<64x128xf32, #tpu.memory_space<vmem>>, vector<1x16xf32>,
        %get3A_268 = vector.shape_cast %get3A_267 : vector<1x16xf32> to vector<16xf32>
        %mul3A_269 = arith.mulf %get3A_264, %get3A_268 : vector<16xf32>
        %get3A_270 = arith.index_cast %mul3A_217 : i32 to index
        %get3A_271 = arith.constant 48 : index
        %get3A_272 = tpu.vector_load %arg15[%get3A_270, %get3A_271] {strides = array<i32>} : memref<64x128xf32, #tpu.memory_space<vmem>>, vector<1x16xf32>,
        %get3A_273 = vector.shape_cast %get3A_272 : vector<1x16xf32> to vector<16xf32>
        %mul3A_274 = arith.mulf %mul3A_269, %get3A_273 : vector<16xf32>
        %add3A_275 = arith.addf %add3A_260, %mul3A_274 : vector<16xf32>
        %get3A_276 = arith.index_cast %mul3A_217 : i32 to index
        %get3A_277 = arith.constant 64 : index
        %get3A_278 = tpu.vector_load %arg13[%get3A_276, %get3A_277] {strides = array<i32>} : memref<64x128xf32, #tpu.memory_space<vmem>>, vector<1x16xf32>,
        %get3A_279 = vector.shape_cast %get3A_278 : vector<1x16xf32> to vector<16xf32>
        %get3A_280 = arith.index_cast %mul3A_217 : i32 to index
        %get3A_281 = arith.constant 64 : index
        %get3A_282 = tpu.vector_load %arg14[%get3A_280, %get3A_281] {strides = array<i32>} : memref<64x128xf32, #tpu.memory_space<vmem>>, vector<1x16xf32>,
        %get3A_283 = vector.shape_cast %get3A_282 : vector<1x16xf32> to vector<16xf32>
        %mul3A_284 = arith.mulf %get3A_279, %get3A_283 : vector<16xf32>
        %get3A_285 = arith.index_cast %mul3A_217 : i32 to index
        %get3A_286 = arith.constant 64 : index
        %get3A_287 = tpu.vector_load %arg15[%get3A_285, %get3A_286] {strides = array<i32>} : memref<64x128xf32, #tpu.memory_space<vmem>>, vector<1x16xf32>,
        %get3A_288 = vector.shape_cast %get3A_287 : vector<1x16xf32> to vector<16xf32>
        %mul3A_289 = arith.mulf %mul3A_284, %get3A_288 : vector<16xf32>
        %add3A_290 = arith.addf %add3A_275, %mul3A_289 : vector<16xf32>
        %get3A_291 = arith.index_cast %mul3A_217 : i32 to index
        %get3A_292 = arith.constant 80 : index
        %get3A_293 = tpu.vector_load %arg13[%get3A_291, %get3A_292] {strides = array<i32>} : memref<64x128xf32, #tpu.memory_space<vmem>>, vector<1x16xf32>,
        %get3A_294 = vector.shape_cast %get3A_293 : vector<1x16xf32> to vector<16xf32>
        %get3A_295 = arith.index_cast %mul3A_217 : i32 to index
        %get3A_296 = arith.constant 80 : index
        %get3A_297 = tpu.vector_load %arg14[%get3A_295, %get3A_296] {strides = array<i32>} : memref<64x128xf32, #tpu.memory_space<vmem>>, vector<1x16xf32>,
        %get3A_298 = vector.shape_cast %get3A_297 : vector<1x16xf32> to vector<16xf32>
        %mul3A_299 = arith.mulf %get3A_294, %get3A_298 : vector<16xf32>
        %get3A_300 = arith.index_cast %mul3A_217 : i32 to index
        %get3A_301 = arith.constant 80 : index
        %get3A_302 = tpu.vector_load %arg15[%get3A_300, %get3A_301] {strides = array<i32>} : memref<64x128xf32, #tpu.memory_space<vmem>>, vector<1x16xf32>,
        %get3A_303 = vector.shape_cast %get3A_302 : vector<1x16xf32> to vector<16xf32>
        %mul3A_304 = arith.mulf %mul3A_299, %get3A_303 : vector<16xf32>
        %add3A_305 = arith.addf %add3A_290, %mul3A_304 : vector<16xf32>
        %get3A_306 = arith.index_cast %mul3A_217 : i32 to index
        %get3A_307 = arith.constant 96 : index
        %get3A_308 = tpu.vector_load %arg13[%get3A_306, %get3A_307] {strides = array<i32>} : memref<64x128xf32, #tpu.memory_space<vmem>>, vector<1x16xf32>,
        %get3A_309 = vector.shape_cast %get3A_308 : vector<1x16xf32> to vector<16xf32>
        %get3A_310 = arith.index_cast %mul3A_217 : i32 to index
        %get3A_311 = arith.constant 96 : index
        %get3A_312 = tpu.vector_load %arg14[%get3A_310, %get3A_311] {strides = array<i32>} : memref<64x128xf32, #tpu.memory_space<vmem>>, vector<1x16xf32>,
        %get3A_313 = vector.shape_cast %get3A_312 : vector<1x16xf32> to vector<16xf32>
        %mul3A_314 = arith.mulf %get3A_309, %get3A_313 : vector<16xf32>
        %get3A_315 = arith.index_cast %mul3A_217 : i32 to index
        %get3A_316 = arith.constant 96 : index
        %get3A_317 = tpu.vector_load %arg15[%get3A_315, %get3A_316] {strides = array<i32>} : memref<64x128xf32, #tpu.memory_space<vmem>>, vector<1x16xf32>,
        %get3A_318 = vector.shape_cast %get3A_317 : vector<1x16xf32> to vector<16xf32>
        %mul3A_319 = arith.mulf %mul3A_314, %get3A_318 : vector<16xf32>
        %add3A_320 = arith.addf %add3A_305, %mul3A_319 : vector<16xf32>
        %get3A_321 = arith.index_cast %mul3A_217 : i32 to index
        %get3A_322 = arith.constant 112 : index
        %get3A_323 = tpu.vector_load %arg13[%get3A_321, %get3A_322] {strides = array<i32>} : memref<64x128xf32, #tpu.memory_space<vmem>>, vector<1x16xf32>,
        %get3A_324 = vector.shape_cast %get3A_323 : vector<1x16xf32> to vector<16xf32>
        %get3A_325 = arith.index_cast %mul3A_217 : i32 to index
        %get3A_326 = arith.constant 112 : index
        %get3A_327 = tpu.vector_load %arg14[%get3A_325, %get3A_326] {strides = array<i32>} : memref<64x128xf32, #tpu.memory_space<vmem>>, vector<1x16xf32>,
        %get3A_328 = vector.shape_cast %get3A_327 : vector<1x16xf32> to vector<16xf32>
        %mul3A_329 = arith.mulf %get3A_324, %get3A_328 : vector<16xf32>
        %get3A_330 = arith.index_cast %mul3A_217 : i32 to index
        %get3A_331 = arith.constant 112 : index
        %get3A_332 = tpu.vector_load %arg15[%get3A_330, %get3A_331] {strides = array<i32>} : memref<64x128xf32, #tpu.memory_space<vmem>>, vector<1x16xf32>,
        %get3A_333 = vector.shape_cast %get3A_332 : vector<1x16xf32> to vector<16xf32>
        %mul3A_334 = arith.mulf %mul3A_329, %get3A_333 : vector<16xf32>
        %add3A_335 = arith.addf %add3A_320, %mul3A_334 : vector<16xf32>
        %add3A_336 = arith.constant 1 : i32
        %add3A_337 = arith.addi %mul3A_217, %add3A_336 : i32
        %get3A_338 = arith.index_cast %add3A_337 : i32 to index
        %get3A_339 = arith.constant 0 : index
        %get3A_340 = tpu.vector_load %arg13[%get3A_338, %get3A_339] {strides = array<i32>} : memref<64x128xf32, #tpu.memory_space<vmem>>, vector<1x16xf32>,
        %get3A_341 = vector.shape_cast %get3A_340 : vector<1x16xf32> to vector<16xf32>
        %get3A_342 = arith.index_cast %add3A_337 : i32 to index
        %get3A_343 = arith.constant 0 : index
        %get3A_344 = tpu.vector_load %arg14[%get3A_342, %get3A_343] {strides = array<i32>} : memref<64x128xf32, #tpu.memory_space<vmem>>, vector<1x16xf32>,
        %get3A_345 = vector.shape_cast %get3A_344 : vector<1x16xf32> to vector<16xf32>
        %mul3A_346 = arith.mulf %get3A_341, %get3A_345 : vector<16xf32>
        %get3A_347 = arith.index_cast %add3A_337 : i32 to index
        %get3A_348 = arith.constant 0 : index
        %get3A_349 = tpu.vector_load %arg15[%get3A_347, %get3A_348] {strides = array<i32>} : memref<64x128xf32, #tpu.memory_space<vmem>>, vector<1x16xf32>,
        %get3A_350 = vector.shape_cast %get3A_349 : vector<1x16xf32> to vector<16xf32>
        %mul3A_351 = arith.mulf %mul3A_346, %get3A_350 : vector<16xf32>
        %get3A_352 = arith.index_cast %add3A_337 : i32 to index
        %get3A_353 = arith.constant 16 : index
        %get3A_354 = tpu.vector_load %arg13[%get3A_352, %get3A_353] {strides = array<i32>} : memref<64x128xf32, #tpu.memory_space<vmem>>, vector<1x16xf32>,
        %get3A_355 = vector.shape_cast %get3A_354 : vector<1x16xf32> to vector<16xf32>
        %get3A_356 = arith.index_cast %add3A_337 : i32 to index
        %get3A_357 = arith.constant 16 : index
        %get3A_358 = tpu.vector_load %arg14[%get3A_356, %get3A_357] {strides = array<i32>} : memref<64x128xf32, #tpu.memory_space<vmem>>, vector<1x16xf32>,
        %get3A_359 = vector.shape_cast %get3A_358 : vector<1x16xf32> to vector<16xf32>
        %mul3A_360 = arith.mulf %get3A_355, %get3A_359 : vector<16xf32>
        %get3A_361 = arith.index_cast %add3A_337 : i32 to index
        %get3A_362 = arith.constant 16 : index
        %get3A_363 = tpu.vector_load %arg15[%get3A_361, %get3A_362] {strides = array<i32>} : memref<64x128xf32, #tpu.memory_space<vmem>>, vector<1x16xf32>,
        %get3A_364 = vector.shape_cast %get3A_363 : vector<1x16xf32> to vector<16xf32>
        %mul3A_365 = arith.mulf %mul3A_360, %get3A_364 : vector<16xf32>
        %add3A_366 = arith.addf %mul3A_351, %mul3A_365 : vector<16xf32>
        %get3A_367 = arith.index_cast %add3A_337 : i32 to index
        %get3A_368 = arith.constant 32 : index
        %get3A_369 = tpu.vector_load %arg13[%get3A_367, %get3A_368] {strides = array<i32>} : memref<64x128xf32, #tpu.memory_space<vmem>>, vector<1x16xf32>,
        %get3A_370 = vector.shape_cast %get3A_369 : vector<1x16xf32> to vector<16xf32>
        %get3A_371 = arith.index_cast %add3A_337 : i32 to index
        %get3A_372 = arith.constant 32 : index
        %get3A_373 = tpu.vector_load %arg14[%get3A_371, %get3A_372] {strides = array<i32>} : memref<64x128xf32, #tpu.memory_space<vmem>>, vector<1x16xf32>,
        %get3A_374 = vector.shape_cast %get3A_373 : vector<1x16xf32> to vector<16xf32>
        %mul3A_375 = arith.mulf %get3A_370, %get3A_374 : vector<16xf32>
        %get3A_376 = arith.index_cast %add3A_337 : i32 to index
        %get3A_377 = arith.constant 32 : index
        %get3A_378 = tpu.vector_load %arg15[%get3A_376, %get3A_377] {strides = array<i32>} : memref<64x128xf32, #tpu.memory_space<vmem>>, vector<1x16xf32>,
        %get3A_379 = vector.shape_cast %get3A_378 : vector<1x16xf32> to vector<16xf32>
        %mul3A_380 = arith.mulf %mul3A_375, %get3A_379 : vector<16xf32>
        %add3A_381 = arith.addf %add3A_366, %mul3A_380 : vector<16xf32>
        %get3A_382 = arith.index_cast %add3A_337 : i32 to index
        %get3A_383 = arith.constant 48 : index
        %get3A_384 = tpu.vector_load %arg13[%get3A_382, %get3A_383] {strides = array<i32>} : memref<64x128xf32, #tpu.memory_space<vmem>>, vector<1x16xf32>,
        %get3A_385 = vector.shape_cast %get3A_384 : vector<1x16xf32> to vector<16xf32>
        %get3A_386 = arith.index_cast %add3A_337 : i32 to index
        %get3A_387 = arith.constant 48 : index
        %get3A_388 = tpu.vector_load %arg14[%get3A_386, %get3A_387] {strides = array<i32>} : memref<64x128xf32, #tpu.memory_space<vmem>>, vector<1x16xf32>,
        %get3A_389 = vector.shape_cast %get3A_388 : vector<1x16xf32> to vector<16xf32>
        %mul3A_390 = arith.mulf %get3A_385, %get3A_389 : vector<16xf32>
        %get3A_391 = arith.index_cast %add3A_337 : i32 to index
        %get3A_392 = arith.constant 48 : index
        %get3A_393 = tpu.vector_load %arg15[%get3A_391, %get3A_392] {strides = array<i32>} : memref<64x128xf32, #tpu.memory_space<vmem>>, vector<1x16xf32>,
        %get3A_394 = vector.shape_cast %get3A_393 : vector<1x16xf32> to vector<16xf32>
        %mul3A_395 = arith.mulf %mul3A_390, %get3A_394 : vector<16xf32>
        %add3A_396 = arith.addf %add3A_381, %mul3A_395 : vector<16xf32>
        %get3A_397 = arith.index_cast %add3A_337 : i32 to index
        %get3A_398 = arith.constant 64 : index
        %get3A_399 = tpu.vector_load %arg13[%get3A_397, %get3A_398] {strides = array<i32>} : memref<64x128xf32, #tpu.memory_space<vmem>>, vector<1x16xf32>,
        %get3A_400 = vector.shape_cast %get3A_399 : vector<1x16xf32> to vector<16xf32>
        %get3A_401 = arith.index_cast %add3A_337 : i32 to index
        %get3A_402 = arith.constant 64 : index
        %get3A_403 = tpu.vector_load %arg14[%get3A_401, %get3A_402] {strides = array<i32>} : memref<64x128xf32, #tpu.memory_space<vmem>>, vector<1x16xf32>,
        %get3A_404 = vector.shape_cast %get3A_403 : vector<1x16xf32> to vector<16xf32>
        %mul3A_405 = arith.mulf %get3A_400, %get3A_404 : vector<16xf32>
        %get3A_406 = arith.index_cast %add3A_337 : i32 to index
        %get3A_407 = arith.constant 64 : index
        %get3A_408 = tpu.vector_load %arg15[%get3A_406, %get3A_407] {strides = array<i32>} : memref<64x128xf32, #tpu.memory_space<vmem>>, vector<1x16xf32>,
        %get3A_409 = vector.shape_cast %get3A_408 : vector<1x16xf32> to vector<16xf32>
        %mul3A_410 = arith.mulf %mul3A_405, %get3A_409 : vector<16xf32>
        %add3A_411 = arith.addf %add3A_396, %mul3A_410 : vector<16xf32>
        %get3A_412 = arith.index_cast %add3A_337 : i32 to index
        %get3A_413 = arith.constant 80 : index
        %get3A_414 = tpu.vector_load %arg13[%get3A_412, %get3A_413] {strides = array<i32>} : memref<64x128xf32, #tpu.memory_space<vmem>>, vector<1x16xf32>,
        %get3A_415 = vector.shape_cast %get3A_414 : vector<1x16xf32> to vector<16xf32>
        %get3A_416 = arith.index_cast %add3A_337 : i32 to index
        %get3A_417 = arith.constant 80 : index
        %get3A_418 = tpu.vector_load %arg14[%get3A_416, %get3A_417] {strides = array<i32>} : memref<64x128xf32, #tpu.memory_space<vmem>>, vector<1x16xf32>,
        %get3A_419 = vector.shape_cast %get3A_418 : vector<1x16xf32> to vector<16xf32>
        %mul3A_420 = arith.mulf %get3A_415, %get3A_419 : vector<16xf32>
        %get3A_421 = arith.index_cast %add3A_337 : i32 to index
        %get3A_422 = arith.constant 80 : index
        %get3A_423 = tpu.vector_load %arg15[%get3A_421, %get3A_422] {strides = array<i32>} : memref<64x128xf32, #tpu.memory_space<vmem>>, vector<1x16xf32>,
        %get3A_424 = vector.shape_cast %get3A_423 : vector<1x16xf32> to vector<16xf32>
        %mul3A_425 = arith.mulf %mul3A_420, %get3A_424 : vector<16xf32>
        %add3A_426 = arith.addf %add3A_411, %mul3A_425 : vector<16xf32>
        %get3A_427 = arith.index_cast %add3A_337 : i32 to index
        %get3A_428 = arith.constant 96 : index
        %get3A_429 = tpu.vector_load %arg13[%get3A_427, %get3A_428] {strides = array<i32>} : memref<64x128xf32, #tpu.memory_space<vmem>>, vector<1x16xf32>,
        %get3A_430 = vector.shape_cast %get3A_429 : vector<1x16xf32> to vector<16xf32>
        %get3A_431 = arith.index_cast %add3A_337 : i32 to index
        %get3A_432 = arith.constant 96 : index
        %get3A_433 = tpu.vector_load %arg14[%get3A_431, %get3A_432] {strides = array<i32>} : memref<64x128xf32, #tpu.memory_space<vmem>>, vector<1x16xf32>,
        %get3A_434 = vector.shape_cast %get3A_433 : vector<1x16xf32> to vector<16xf32>
        %mul3A_435 = arith.mulf %get3A_430, %get3A_434 : vector<16xf32>
        %get3A_436 = arith.index_cast %add3A_337 : i32 to index
        %get3A_437 = arith.constant 96 : index
        %get3A_438 = tpu.vector_load %arg15[%get3A_436, %get3A_437] {strides = array<i32>} : memref<64x128xf32, #tpu.memory_space<vmem>>, vector<1x16xf32>,
        %get3A_439 = vector.shape_cast %get3A_438 : vector<1x16xf32> to vector<16xf32>
        %mul3A_440 = arith.mulf %mul3A_435, %get3A_439 : vector<16xf32>
        %add3A_441 = arith.addf %add3A_426, %mul3A_440 : vector<16xf32>
        %get3A_442 = arith.index_cast %add3A_337 : i32 to index
        %get3A_443 = arith.constant 112 : index
        %get3A_444 = tpu.vector_load %arg13[%get3A_442, %get3A_443] {strides = array<i32>} : memref<64x128xf32, #tpu.memory_space<vmem>>, vector<1x16xf32>,
        %get3A_445 = vector.shape_cast %get3A_444 : vector<1x16xf32> to vector<16xf32>
        %get3A_446 = arith.index_cast %add3A_337 : i32 to index
        %get3A_447 = arith.constant 112 : index
        %get3A_448 = tpu.vector_load %arg14[%get3A_446, %get3A_447] {strides = array<i32>} : memref<64x128xf32, #tpu.memory_space<vmem>>, vector<1x16xf32>,
        %get3A_449 = vector.shape_cast %get3A_448 : vector<1x16xf32> to vector<16xf32>
        %mul3A_450 = arith.mulf %get3A_445, %get3A_449 : vector<16xf32>
        %get3A_451 = arith.index_cast %add3A_337 : i32 to index
        %get3A_452 = arith.constant 112 : index
        %get3A_453 = tpu.vector_load %arg15[%get3A_451, %get3A_452] {strides = array<i32>} : memref<64x128xf32, #tpu.memory_space<vmem>>, vector<1x16xf32>,
        %get3A_454 = vector.shape_cast %get3A_453 : vector<1x16xf32> to vector<16xf32>
        %mul3A_455 = arith.mulf %mul3A_450, %get3A_454 : vector<16xf32>
        %add3A_456 = arith.addf %add3A_441, %mul3A_455 : vector<16xf32>
        %add3A_457 = arith.constant 2 : i32
        %add3A_458 = arith.addi %mul3A_217, %add3A_457 : i32
        %get3A_459 = arith.index_cast %add3A_458 : i32 to index
        %get3A_460 = arith.constant 0 : index
        %get3A_461 = tpu.vector_load %arg13[%get3A_459, %get3A_460] {strides = array<i32>} : memref<64x128xf32, #tpu.memory_space<vmem>>, vector<1x16xf32>,
        %get3A_462 = vector.shape_cast %get3A_461 : vector<1x16xf32> to vector<16xf32>
        %get3A_463 = arith.index_cast %add3A_458 : i32 to index
        %get3A_464 = arith.constant 0 : index
        %get3A_465 = tpu.vector_load %arg14[%get3A_463, %get3A_464] {strides = array<i32>} : memref<64x128xf32, #tpu.memory_space<vmem>>, vector<1x16xf32>,
        %get3A_466 = vector.shape_cast %get3A_465 : vector<1x16xf32> to vector<16xf32>
        %mul3A_467 = arith.mulf %get3A_462, %get3A_466 : vector<16xf32>
        %get3A_468 = arith.index_cast %add3A_458 : i32 to index
        %get3A_469 = arith.constant 0 : index
        %get3A_470 = tpu.vector_load %arg15[%get3A_468, %get3A_469] {strides = array<i32>} : memref<64x128xf32, #tpu.memory_space<vmem>>, vector<1x16xf32>,
        %get3A_471 = vector.shape_cast %get3A_470 : vector<1x16xf32> to vector<16xf32>
        %mul3A_472 = arith.mulf %mul3A_467, %get3A_471 : vector<16xf32>
        %get3A_473 = arith.index_cast %add3A_458 : i32 to index
        %get3A_474 = arith.constant 16 : index
        %get3A_475 = tpu.vector_load %arg13[%get3A_473, %get3A_474] {strides = array<i32>} : memref<64x128xf32, #tpu.memory_space<vmem>>, vector<1x16xf32>,
        %get3A_476 = vector.shape_cast %get3A_475 : vector<1x16xf32> to vector<16xf32>
        %get3A_477 = arith.index_cast %add3A_458 : i32 to index
        %get3A_478 = arith.constant 16 : index
        %get3A_479 = tpu.vector_load %arg14[%get3A_477, %get3A_478] {strides = array<i32>} : memref<64x128xf32, #tpu.memory_space<vmem>>, vector<1x16xf32>,
        %get3A_480 = vector.shape_cast %get3A_479 : vector<1x16xf32> to vector<16xf32>
        %mul3A_481 = arith.mulf %get3A_476, %get3A_480 : vector<16xf32>
        %get3A_482 = arith.index_cast %add3A_458 : i32 to index
        %get3A_483 = arith.constant 16 : index
        %get3A_484 = tpu.vector_load %arg15[%get3A_482, %get3A_483] {strides = array<i32>} : memref<64x128xf32, #tpu.memory_space<vmem>>, vector<1x16xf32>,
        %get3A_485 = vector.shape_cast %get3A_484 : vector<1x16xf32> to vector<16xf32>
        %mul3A_486 = arith.mulf %mul3A_481, %get3A_485 : vector<16xf32>
        %add3A_487 = arith.addf %mul3A_472, %mul3A_486 : vector<16xf32>
        %get3A_488 = arith.index_cast %add3A_458 : i32 to index
        %get3A_489 = arith.constant 32 : index
        %get3A_490 = tpu.vector_load %arg13[%get3A_488, %get3A_489] {strides = array<i32>} : memref<64x128xf32, #tpu.memory_space<vmem>>, vector<1x16xf32>,
        %get3A_491 = vector.shape_cast %get3A_490 : vector<1x16xf32> to vector<16xf32>
        %get3A_492 = arith.index_cast %add3A_458 : i32 to index
        %get3A_493 = arith.constant 32 : index
        %get3A_494 = tpu.vector_load %arg14[%get3A_492, %get3A_493] {strides = array<i32>} : memref<64x128xf32, #tpu.memory_space<vmem>>, vector<1x16xf32>,
        %get3A_495 = vector.shape_cast %get3A_494 : vector<1x16xf32> to vector<16xf32>
        %mul3A_496 = arith.mulf %get3A_491, %get3A_495 : vector<16xf32>
        %get3A_497 = arith.index_cast %add3A_458 : i32 to index
        %get3A_498 = arith.constant 32 : index
        %get3A_499 = tpu.vector_load %arg15[%get3A_497, %get3A_498] {strides = array<i32>} : memref<64x128xf32, #tpu.memory_space<vmem>>, vector<1x16xf32>,
        %get3A_500 = vector.shape_cast %get3A_499 : vector<1x16xf32> to vector<16xf32>
        %mul3A_501 = arith.mulf %mul3A_496, %get3A_500 : vector<16xf32>
        %add3A_502 = arith.addf %add3A_487, %mul3A_501 : vector<16xf32>
        %get3A_503 = arith.index_cast %add3A_458 : i32 to index
        %get3A_504 = arith.constant 48 : index
        %get3A_505 = tpu.vector_load %arg13[%get3A_503, %get3A_504] {strides = array<i32>} : memref<64x128xf32, #tpu.memory_space<vmem>>, vector<1x16xf32>,
        %get3A_506 = vector.shape_cast %get3A_505 : vector<1x16xf32> to vector<16xf32>
        %get3A_507 = arith.index_cast %add3A_458 : i32 to index
        %get3A_508 = arith.constant 48 : index
        %get3A_509 = tpu.vector_load %arg14[%get3A_507, %get3A_508] {strides = array<i32>} : memref<64x128xf32, #tpu.memory_space<vmem>>, vector<1x16xf32>,
        %get3A_510 = vector.shape_cast %get3A_509 : vector<1x16xf32> to vector<16xf32>
        %mul3A_511 = arith.mulf %get3A_506, %get3A_510 : vector<16xf32>
        %get3A_512 = arith.index_cast %add3A_458 : i32 to index
        %get3A_513 = arith.constant 48 : index
        %get3A_514 = tpu.vector_load %arg15[%get3A_512, %get3A_513] {strides = array<i32>} : memref<64x128xf32, #tpu.memory_space<vmem>>, vector<1x16xf32>,
        %get3A_515 = vector.shape_cast %get3A_514 : vector<1x16xf32> to vector<16xf32>
        %mul3A_516 = arith.mulf %mul3A_511, %get3A_515 : vector<16xf32>
        %add3A_517 = arith.addf %add3A_502, %mul3A_516 : vector<16xf32>
        %get3A_518 = arith.index_cast %add3A_458 : i32 to index
        %get3A_519 = arith.constant 64 : index
        %get3A_520 = tpu.vector_load %arg13[%get3A_518, %get3A_519] {strides = array<i32>} : memref<64x128xf32, #tpu.memory_space<vmem>>, vector<1x16xf32>,
        %get3A_521 = vector.shape_cast %get3A_520 : vector<1x16xf32> to vector<16xf32>
        %get3A_522 = arith.index_cast %add3A_458 : i32 to index
        %get3A_523 = arith.constant 64 : index
        %get3A_524 = tpu.vector_load %arg14[%get3A_522, %get3A_523] {strides = array<i32>} : memref<64x128xf32, #tpu.memory_space<vmem>>, vector<1x16xf32>,
        %get3A_525 = vector.shape_cast %get3A_524 : vector<1x16xf32> to vector<16xf32>
        %mul3A_526 = arith.mulf %get3A_521, %get3A_525 : vector<16xf32>
        %get3A_527 = arith.index_cast %add3A_458 : i32 to index
        %get3A_528 = arith.constant 64 : index
        %get3A_529 = tpu.vector_load %arg15[%get3A_527, %get3A_528] {strides = array<i32>} : memref<64x128xf32, #tpu.memory_space<vmem>>, vector<1x16xf32>,
        %get3A_530 = vector.shape_cast %get3A_529 : vector<1x16xf32> to vector<16xf32>
        %mul3A_531 = arith.mulf %mul3A_526, %get3A_530 : vector<16xf32>
        %add3A_532 = arith.addf %add3A_517, %mul3A_531 : vector<16xf32>
        %get3A_533 = arith.index_cast %add3A_458 : i32 to index
        %get3A_534 = arith.constant 80 : index
        %get3A_535 = tpu.vector_load %arg13[%get3A_533, %get3A_534] {strides = array<i32>} : memref<64x128xf32, #tpu.memory_space<vmem>>, vector<1x16xf32>,
        %get3A_536 = vector.shape_cast %get3A_535 : vector<1x16xf32> to vector<16xf32>
        %get3A_537 = arith.index_cast %add3A_458 : i32 to index
        %get3A_538 = arith.constant 80 : index
        %get3A_539 = tpu.vector_load %arg14[%get3A_537, %get3A_538] {strides = array<i32>} : memref<64x128xf32, #tpu.memory_space<vmem>>, vector<1x16xf32>,
        %get3A_540 = vector.shape_cast %get3A_539 : vector<1x16xf32> to vector<16xf32>
        %mul3A_541 = arith.mulf %get3A_536, %get3A_540 : vector<16xf32>
        %get3A_542 = arith.index_cast %add3A_458 : i32 to index
        %get3A_543 = arith.constant 80 : index
        %get3A_544 = tpu.vector_load %arg15[%get3A_542, %get3A_543] {strides = array<i32>} : memref<64x128xf32, #tpu.memory_space<vmem>>, vector<1x16xf32>,
        %get3A_545 = vector.shape_cast %get3A_544 : vector<1x16xf32> to vector<16xf32>
        %mul3A_546 = arith.mulf %mul3A_541, %get3A_545 : vector<16xf32>
        %add3A_547 = arith.addf %add3A_532, %mul3A_546 : vector<16xf32>
        %get3A_548 = arith.index_cast %add3A_458 : i32 to index
        %get3A_549 = arith.constant 96 : index
        %get3A_550 = tpu.vector_load %arg13[%get3A_548, %get3A_549] {strides = array<i32>} : memref<64x128xf32, #tpu.memory_space<vmem>>, vector<1x16xf32>,
        %get3A_551 = vector.shape_cast %get3A_550 : vector<1x16xf32> to vector<16xf32>
        %get3A_552 = arith.index_cast %add3A_458 : i32 to index
        %get3A_553 = arith.constant 96 : index
        %get3A_554 = tpu.vector_load %arg14[%get3A_552, %get3A_553] {strides = array<i32>} : memref<64x128xf32, #tpu.memory_space<vmem>>, vector<1x16xf32>,
        %get3A_555 = vector.shape_cast %get3A_554 : vector<1x16xf32> to vector<16xf32>
        %mul3A_556 = arith.mulf %get3A_551, %get3A_555 : vector<16xf32>
        %get3A_557 = arith.index_cast %add3A_458 : i32 to index
        %get3A_558 = arith.constant 96 : index
        %get3A_559 = tpu.vector_load %arg15[%get3A_557, %get3A_558] {strides = array<i32>} : memref<64x128xf32, #tpu.memory_space<vmem>>, vector<1x16xf32>,
        %get3A_560 = vector.shape_cast %get3A_559 : vector<1x16xf32> to vector<16xf32>
        %mul3A_561 = arith.mulf %mul3A_556, %get3A_560 : vector<16xf32>
        %add3A_562 = arith.addf %add3A_547, %mul3A_561 : vector<16xf32>
        %get3A_563 = arith.index_cast %add3A_458 : i32 to index
        %get3A_564 = arith.constant 112 : index
        %get3A_565 = tpu.vector_load %arg13[%get3A_563, %get3A_564] {strides = array<i32>} : memref<64x128xf32, #tpu.memory_space<vmem>>, vector<1x16xf32>,
        %get3A_566 = vector.shape_cast %get3A_565 : vector<1x16xf32> to vector<16xf32>
        %get3A_567 = arith.index_cast %add3A_458 : i32 to index
        %get3A_568 = arith.constant 112 : index
        %get3A_569 = tpu.vector_load %arg14[%get3A_567, %get3A_568] {strides = array<i32>} : memref<64x128xf32, #tpu.memory_space<vmem>>, vector<1x16xf32>,
        %get3A_570 = vector.shape_cast %get3A_569 : vector<1x16xf32> to vector<16xf32>
        %mul3A_571 = arith.mulf %get3A_566, %get3A_570 : vector<16xf32>
        %get3A_572 = arith.index_cast %add3A_458 : i32 to index
        %get3A_573 = arith.constant 112 : index
        %get3A_574 = tpu.vector_load %arg15[%get3A_572, %get3A_573] {strides = array<i32>} : memref<64x128xf32, #tpu.memory_space<vmem>>, vector<1x16xf32>,
        %get3A_575 = vector.shape_cast %get3A_574 : vector<1x16xf32> to vector<16xf32>
        %mul3A_576 = arith.mulf %mul3A_571, %get3A_575 : vector<16xf32>
        %add3A_577 = arith.addf %add3A_562, %mul3A_576 : vector<16xf32>
        %add3A_578 = arith.constant 3 : i32
        %add3A_579 = arith.addi %mul3A_217, %add3A_578 : i32
        %get3A_580 = arith.index_cast %add3A_579 : i32 to index
        %get3A_581 = arith.constant 0 : index
        %get3A_582 = tpu.vector_load %arg13[%get3A_580, %get3A_581] {strides = array<i32>} : memref<64x128xf32, #tpu.memory_space<vmem>>, vector<1x16xf32>,
        %get3A_583 = vector.shape_cast %get3A_582 : vector<1x16xf32> to vector<16xf32>
        %get3A_584 = arith.index_cast %add3A_579 : i32 to index
        %get3A_585 = arith.constant 0 : index
        %get3A_586 = tpu.vector_load %arg14[%get3A_584, %get3A_585] {strides = array<i32>} : memref<64x128xf32, #tpu.memory_space<vmem>>, vector<1x16xf32>,
        %get3A_587 = vector.shape_cast %get3A_586 : vector<1x16xf32> to vector<16xf32>
        %mul3A_588 = arith.mulf %get3A_583, %get3A_587 : vector<16xf32>
        %get3A_589 = arith.index_cast %add3A_579 : i32 to index
        %get3A_590 = arith.constant 0 : index
        %get3A_591 = tpu.vector_load %arg15[%get3A_589, %get3A_590] {strides = array<i32>} : memref<64x128xf32, #tpu.memory_space<vmem>>, vector<1x16xf32>,
        %get3A_592 = vector.shape_cast %get3A_591 : vector<1x16xf32> to vector<16xf32>
        %mul3A_593 = arith.mulf %mul3A_588, %get3A_592 : vector<16xf32>
        %get3A_594 = arith.index_cast %add3A_579 : i32 to index
        %get3A_595 = arith.constant 16 : index
        %get3A_596 = tpu.vector_load %arg13[%get3A_594, %get3A_595] {strides = array<i32>} : memref<64x128xf32, #tpu.memory_space<vmem>>, vector<1x16xf32>,
        %get3A_597 = vector.shape_cast %get3A_596 : vector<1x16xf32> to vector<16xf32>
        %get3A_598 = arith.index_cast %add3A_579 : i32 to index
        %get3A_599 = arith.constant 16 : index
        %get3A_600 = tpu.vector_load %arg14[%get3A_598, %get3A_599] {strides = array<i32>} : memref<64x128xf32, #tpu.memory_space<vmem>>, vector<1x16xf32>,
        %get3A_601 = vector.shape_cast %get3A_600 : vector<1x16xf32> to vector<16xf32>
        %mul3A_602 = arith.mulf %get3A_597, %get3A_601 : vector<16xf32>
        %get3A_603 = arith.index_cast %add3A_579 : i32 to index
        %get3A_604 = arith.constant 16 : index
        %get3A_605 = tpu.vector_load %arg15[%get3A_603, %get3A_604] {strides = array<i32>} : memref<64x128xf32, #tpu.memory_space<vmem>>, vector<1x16xf32>,
        %get3A_606 = vector.shape_cast %get3A_605 : vector<1x16xf32> to vector<16xf32>
        %mul3A_607 = arith.mulf %mul3A_602, %get3A_606 : vector<16xf32>
        %add3A_608 = arith.addf %mul3A_593, %mul3A_607 : vector<16xf32>
        %get3A_609 = arith.index_cast %add3A_579 : i32 to index
        %get3A_610 = arith.constant 32 : index
        %get3A_611 = tpu.vector_load %arg13[%get3A_609, %get3A_610] {strides = array<i32>} : memref<64x128xf32, #tpu.memory_space<vmem>>, vector<1x16xf32>,
        %get3A_612 = vector.shape_cast %get3A_611 : vector<1x16xf32> to vector<16xf32>
        %get3A_613 = arith.index_cast %add3A_579 : i32 to index
        %get3A_614 = arith.constant 32 : index
        %get3A_615 = tpu.vector_load %arg14[%get3A_613, %get3A_614] {strides = array<i32>} : memref<64x128xf32, #tpu.memory_space<vmem>>, vector<1x16xf32>,
        %get3A_616 = vector.shape_cast %get3A_615 : vector<1x16xf32> to vector<16xf32>
        %mul3A_617 = arith.mulf %get3A_612, %get3A_616 : vector<16xf32>
        %get3A_618 = arith.index_cast %add3A_579 : i32 to index
        %get3A_619 = arith.constant 32 : index
        %get3A_620 = tpu.vector_load %arg15[%get3A_618, %get3A_619] {strides = array<i32>} : memref<64x128xf32, #tpu.memory_space<vmem>>, vector<1x16xf32>,
        %get3A_621 = vector.shape_cast %get3A_620 : vector<1x16xf32> to vector<16xf32>
        %mul3A_622 = arith.mulf %mul3A_617, %get3A_621 : vector<16xf32>
        %add3A_623 = arith.addf %add3A_608, %mul3A_622 : vector<16xf32>
        %get3A_624 = arith.index_cast %add3A_579 : i32 to index
        %get3A_625 = arith.constant 48 : index
        %get3A_626 = tpu.vector_load %arg13[%get3A_624, %get3A_625] {strides = array<i32>} : memref<64x128xf32, #tpu.memory_space<vmem>>, vector<1x16xf32>,
        %get3A_627 = vector.shape_cast %get3A_626 : vector<1x16xf32> to vector<16xf32>
        %get3A_628 = arith.index_cast %add3A_579 : i32 to index
        %get3A_629 = arith.constant 48 : index
        %get3A_630 = tpu.vector_load %arg14[%get3A_628, %get3A_629] {strides = array<i32>} : memref<64x128xf32, #tpu.memory_space<vmem>>, vector<1x16xf32>,
        %get3A_631 = vector.shape_cast %get3A_630 : vector<1x16xf32> to vector<16xf32>
        %mul3A_632 = arith.mulf %get3A_627, %get3A_631 : vector<16xf32>
        %get3A_633 = arith.index_cast %add3A_579 : i32 to index
        %get3A_634 = arith.constant 48 : index
        %get3A_635 = tpu.vector_load %arg15[%get3A_633, %get3A_634] {strides = array<i32>} : memref<64x128xf32, #tpu.memory_space<vmem>>, vector<1x16xf32>,
        %get3A_636 = vector.shape_cast %get3A_635 : vector<1x16xf32> to vector<16xf32>
        %mul3A_637 = arith.mulf %mul3A_632, %get3A_636 : vector<16xf32>
        %add3A_638 = arith.addf %add3A_623, %mul3A_637 : vector<16xf32>
        %get3A_639 = arith.index_cast %add3A_579 : i32 to index
        %get3A_640 = arith.constant 64 : index
        %get3A_641 = tpu.vector_load %arg13[%get3A_639, %get3A_640] {strides = array<i32>} : memref<64x128xf32, #tpu.memory_space<vmem>>, vector<1x16xf32>,
        %get3A_642 = vector.shape_cast %get3A_641 : vector<1x16xf32> to vector<16xf32>
        %get3A_643 = arith.index_cast %add3A_579 : i32 to index
        %get3A_644 = arith.constant 64 : index
        %get3A_645 = tpu.vector_load %arg14[%get3A_643, %get3A_644] {strides = array<i32>} : memref<64x128xf32, #tpu.memory_space<vmem>>, vector<1x16xf32>,
        %get3A_646 = vector.shape_cast %get3A_645 : vector<1x16xf32> to vector<16xf32>
        %mul3A_647 = arith.mulf %get3A_642, %get3A_646 : vector<16xf32>
        %get3A_648 = arith.index_cast %add3A_579 : i32 to index
        %get3A_649 = arith.constant 64 : index
        %get3A_650 = tpu.vector_load %arg15[%get3A_648, %get3A_649] {strides = array<i32>} : memref<64x128xf32, #tpu.memory_space<vmem>>, vector<1x16xf32>,
        %get3A_651 = vector.shape_cast %get3A_650 : vector<1x16xf32> to vector<16xf32>
        %mul3A_652 = arith.mulf %mul3A_647, %get3A_651 : vector<16xf32>
        %add3A_653 = arith.addf %add3A_638, %mul3A_652 : vector<16xf32>
        %get3A_654 = arith.index_cast %add3A_579 : i32 to index
        %get3A_655 = arith.constant 80 : index
        %get3A_656 = tpu.vector_load %arg13[%get3A_654, %get3A_655] {strides = array<i32>} : memref<64x128xf32, #tpu.memory_space<vmem>>, vector<1x16xf32>,
        %get3A_657 = vector.shape_cast %get3A_656 : vector<1x16xf32> to vector<16xf32>
        %get3A_658 = arith.index_cast %add3A_579 : i32 to index
        %get3A_659 = arith.constant 80 : index
        %get3A_660 = tpu.vector_load %arg14[%get3A_658, %get3A_659] {strides = array<i32>} : memref<64x128xf32, #tpu.memory_space<vmem>>, vector<1x16xf32>,
        %get3A_661 = vector.shape_cast %get3A_660 : vector<1x16xf32> to vector<16xf32>
        %mul3A_662 = arith.mulf %get3A_657, %get3A_661 : vector<16xf32>
        %get3A_663 = arith.index_cast %add3A_579 : i32 to index
        %get3A_664 = arith.constant 80 : index
        %get3A_665 = tpu.vector_load %arg15[%get3A_663, %get3A_664] {strides = array<i32>} : memref<64x128xf32, #tpu.memory_space<vmem>>, vector<1x16xf32>,
        %get3A_666 = vector.shape_cast %get3A_665 : vector<1x16xf32> to vector<16xf32>
        %mul3A_667 = arith.mulf %mul3A_662, %get3A_666 : vector<16xf32>
        %add3A_668 = arith.addf %add3A_653, %mul3A_667 : vector<16xf32>
        %get3A_669 = arith.index_cast %add3A_579 : i32 to index
        %get3A_670 = arith.constant 96 : index
        %get3A_671 = tpu.vector_load %arg13[%get3A_669, %get3A_670] {strides = array<i32>} : memref<64x128xf32, #tpu.memory_space<vmem>>, vector<1x16xf32>,
        %get3A_672 = vector.shape_cast %get3A_671 : vector<1x16xf32> to vector<16xf32>
        %get3A_673 = arith.index_cast %add3A_579 : i32 to index
        %get3A_674 = arith.constant 96 : index
        %get3A_675 = tpu.vector_load %arg14[%get3A_673, %get3A_674] {strides = array<i32>} : memref<64x128xf32, #tpu.memory_space<vmem>>, vector<1x16xf32>,
        %get3A_676 = vector.shape_cast %get3A_675 : vector<1x16xf32> to vector<16xf32>
        %mul3A_677 = arith.mulf %get3A_672, %get3A_676 : vector<16xf32>
        %get3A_678 = arith.index_cast %add3A_579 : i32 to index
        %get3A_679 = arith.constant 96 : index
        %get3A_680 = tpu.vector_load %arg15[%get3A_678, %get3A_679] {strides = array<i32>} : memref<64x128xf32, #tpu.memory_space<vmem>>, vector<1x16xf32>,
        %get3A_681 = vector.shape_cast %get3A_680 : vector<1x16xf32> to vector<16xf32>
        %mul3A_682 = arith.mulf %mul3A_677, %get3A_681 : vector<16xf32>
        %add3A_683 = arith.addf %add3A_668, %mul3A_682 : vector<16xf32>
        %get3A_684 = arith.index_cast %add3A_579 : i32 to index
        %get3A_685 = arith.constant 112 : index
        %get3A_686 = tpu.vector_load %arg13[%get3A_684, %get3A_685] {strides = array<i32>} : memref<64x128xf32, #tpu.memory_space<vmem>>, vector<1x16xf32>,
        %get3A_687 = vector.shape_cast %get3A_686 : vector<1x16xf32> to vector<16xf32>
        %get3A_688 = arith.index_cast %add3A_579 : i32 to index
        %get3A_689 = arith.constant 112 : index
        %get3A_690 = tpu.vector_load %arg14[%get3A_688, %get3A_689] {strides = array<i32>} : memref<64x128xf32, #tpu.memory_space<vmem>>, vector<1x16xf32>,
        %get3A_691 = vector.shape_cast %get3A_690 : vector<1x16xf32> to vector<16xf32>
        %mul3A_692 = arith.mulf %get3A_687, %get3A_691 : vector<16xf32>
        %get3A_693 = arith.index_cast %add3A_579 : i32 to index
        %get3A_694 = arith.constant 112 : index
        %get3A_695 = tpu.vector_load %arg15[%get3A_693, %get3A_694] {strides = array<i32>} : memref<64x128xf32, #tpu.memory_space<vmem>>, vector<1x16xf32>,
        %get3A_696 = vector.shape_cast %get3A_695 : vector<1x16xf32> to vector<16xf32>
        %mul3A_697 = arith.mulf %mul3A_692, %get3A_696 : vector<16xf32>
        %add3A_698 = arith.addf %add3A_683, %mul3A_697 : vector<16xf32>
        %and3A = arith.constant 1 : i32
        %and3A_699 = vector.broadcast %and3A : i32 to vector<16xi32>
        %and3A_700 = arith.andi %iota3A, %and3A_699 : vector<16xi32>
        %eq3A = arith.constant 0 : i32
        %eq3A_701 = vector.broadcast %eq3A : i32 to vector<16xi32>
        %eq3A_702 = arith.cmpi eq, %and3A_700, %eq3A_701 : vector<16xi32>
        %select_n3A = arith.select %eq3A_702, %add3A_335, %add3A_456 : vector<16xi1>, vector<16xf32>
        %select_n3A_703 = arith.select %eq3A_702, %add3A_456, %add3A_335 : vector<16xi1>, vector<16xf32>
        %xor3A = arith.constant 1 : i32
        %xor3A_704 = vector.broadcast %xor3A : i32 to vector<16xi32>
        %xor3A_705 = arith.xori %iota3A, %xor3A_704 : vector<16xi32>
        %reshape3A = vector.shape_cast %xor3A_705 : vector<16xi32> to vector<16x1xi32>
        %gather3A = vector.shape_cast %reshape3A : vector<16x1xi32> to vector<16xi32>
        %gather3A_706 = tpu.dynamic_gather %select_n3A_703[%gather3A] in [0] : vector<16xf32>, vector<16xi32> -> vector<16xf32>
        %add3A_707 = arith.addf %select_n3A, %gather3A_706 : vector<16xf32>
        %and3A_708 = arith.constant 1 : i32
        %and3A_709 = vector.broadcast %and3A_708 : i32 to vector<16xi32>
        %and3A_710 = arith.andi %iota3A, %and3A_709 : vector<16xi32>
        %eq3A_711 = arith.constant 0 : i32
        %eq3A_712 = vector.broadcast %eq3A_711 : i32 to vector<16xi32>
        %eq3A_713 = arith.cmpi eq, %and3A_710, %eq3A_712 : vector<16xi32>
        %select_n3A_714 = arith.select %eq3A_713, %add3A_577, %add3A_698 : vector<16xi1>, vector<16xf32>
        %select_n3A_715 = arith.select %eq3A_713, %add3A_698, %add3A_577 : vector<16xi1>, vector<16xf32>
        %xor3A_716 = arith.constant 1 : i32
        %xor3A_717 = vector.broadcast %xor3A_716 : i32 to vector<16xi32>
        %xor3A_718 = arith.xori %iota3A, %xor3A_717 : vector<16xi32>
        %reshape3A_719 = vector.shape_cast %xor3A_718 : vector<16xi32> to vector<16x1xi32>
        %gather3A_720 = vector.shape_cast %reshape3A_719 : vector<16x1xi32> to vector<16xi32>
        %gather3A_721 = tpu.dynamic_gather %select_n3A_715[%gather3A_720] in [0] : vector<16xf32>, vector<16xi32> -> vector<16xf32>
        %add3A_722 = arith.addf %select_n3A_714, %gather3A_721 : vector<16xf32>
        %and3A_723 = arith.constant 2 : i32
        %and3A_724 = vector.broadcast %and3A_723 : i32 to vector<16xi32>
        %and3A_725 = arith.andi %iota3A, %and3A_724 : vector<16xi32>
        %eq3A_726 = arith.constant 0 : i32
        %eq3A_727 = vector.broadcast %eq3A_726 : i32 to vector<16xi32>
        %eq3A_728 = arith.cmpi eq, %and3A_725, %eq3A_727 : vector<16xi32>
        %select_n3A_729 = arith.select %eq3A_728, %add3A_707, %add3A_722 : vector<16xi1>, vector<16xf32>
        %select_n3A_730 = arith.select %eq3A_728, %add3A_722, %add3A_707 : vector<16xi1>, vector<16xf32>
        %xor3A_731 = arith.constant 2 : i32
        %xor3A_732 = vector.broadcast %xor3A_731 : i32 to vector<16xi32>
        %xor3A_733 = arith.xori %iota3A, %xor3A_732 : vector<16xi32>
        %reshape3A_734 = vector.shape_cast %xor3A_733 : vector<16xi32> to vector<16x1xi32>
        %gather3A_735 = vector.shape_cast %reshape3A_734 : vector<16x1xi32> to vector<16xi32>
        %gather3A_736 = tpu.dynamic_gather %select_n3A_730[%gather3A_735] in [0] : vector<16xf32>, vector<16xi32> -> vector<16xf32>
        %add3A_737 = arith.addf %select_n3A_729, %gather3A_736 : vector<16xf32>
        %swap3A = arith.index_cast %scan3A_215 : i32 to index
        %swap3A_738 = arith.constant 0 : index
        %swap3A_739 = tpu.vector_load %arg12[%swap3A, %swap3A_738] {strides = array<i32>} : memref<16x16xf32, #tpu.memory_space<vmem>>, vector<1x16xf32>,
        %swap3A_740 = vector.shape_cast %swap3A_739 : vector<1x16xf32> to vector<16xf32>
        %swap3A_741 = vector.shape_cast %add3A_737 : vector<16xf32> to vector<1x16xf32>
        tpu.vector_store %arg12[%swap3A, %swap3A_738], %swap3A_741 {strides = array<i32>} : memref<16x16xf32, #tpu.memory_space<vmem>>, vector<1x16xf32>,
        %scan3A_742 = arith.constant 1 : i32
        %scan3A_743 = arith.addi %scan3A_215, %scan3A_742 : i32
        %mul3A_744 = arith.constant 4 : i32
        %mul3A_745 = arith.muli %scan3A_743, %mul3A_744 : i32
        %get3A_746 = arith.index_cast %mul3A_745 : i32 to index
        %get3A_747 = arith.constant 0 : index
        %get3A_748 = tpu.vector_load %arg13[%get3A_746, %get3A_747] {strides = array<i32>} : memref<64x128xf32, #tpu.memory_space<vmem>>, vector<1x16xf32>,
        %get3A_749 = vector.shape_cast %get3A_748 : vector<1x16xf32> to vector<16xf32>
        %get3A_750 = arith.index_cast %mul3A_745 : i32 to index
        %get3A_751 = arith.constant 0 : index
        %get3A_752 = tpu.vector_load %arg14[%get3A_750, %get3A_751] {strides = array<i32>} : memref<64x128xf32, #tpu.memory_space<vmem>>, vector<1x16xf32>,
        %get3A_753 = vector.shape_cast %get3A_752 : vector<1x16xf32> to vector<16xf32>
        %mul3A_754 = arith.mulf %get3A_749, %get3A_753 : vector<16xf32>
        %get3A_755 = arith.index_cast %mul3A_745 : i32 to index
        %get3A_756 = arith.constant 0 : index
        %get3A_757 = tpu.vector_load %arg15[%get3A_755, %get3A_756] {strides = array<i32>} : memref<64x128xf32, #tpu.memory_space<vmem>>, vector<1x16xf32>,
        %get3A_758 = vector.shape_cast %get3A_757 : vector<1x16xf32> to vector<16xf32>
        %mul3A_759 = arith.mulf %mul3A_754, %get3A_758 : vector<16xf32>
        %get3A_760 = arith.index_cast %mul3A_745 : i32 to index
        %get3A_761 = arith.constant 16 : index
        %get3A_762 = tpu.vector_load %arg13[%get3A_760, %get3A_761] {strides = array<i32>} : memref<64x128xf32, #tpu.memory_space<vmem>>, vector<1x16xf32>,
        %get3A_763 = vector.shape_cast %get3A_762 : vector<1x16xf32> to vector<16xf32>
        %get3A_764 = arith.index_cast %mul3A_745 : i32 to index
        %get3A_765 = arith.constant 16 : index
        %get3A_766 = tpu.vector_load %arg14[%get3A_764, %get3A_765] {strides = array<i32>} : memref<64x128xf32, #tpu.memory_space<vmem>>, vector<1x16xf32>,
        %get3A_767 = vector.shape_cast %get3A_766 : vector<1x16xf32> to vector<16xf32>
        %mul3A_768 = arith.mulf %get3A_763, %get3A_767 : vector<16xf32>
        %get3A_769 = arith.index_cast %mul3A_745 : i32 to index
        %get3A_770 = arith.constant 16 : index
        %get3A_771 = tpu.vector_load %arg15[%get3A_769, %get3A_770] {strides = array<i32>} : memref<64x128xf32, #tpu.memory_space<vmem>>, vector<1x16xf32>,
        %get3A_772 = vector.shape_cast %get3A_771 : vector<1x16xf32> to vector<16xf32>
        %mul3A_773 = arith.mulf %mul3A_768, %get3A_772 : vector<16xf32>
        %add3A_774 = arith.addf %mul3A_759, %mul3A_773 : vector<16xf32>
        %get3A_775 = arith.index_cast %mul3A_745 : i32 to index
        %get3A_776 = arith.constant 32 : index
        %get3A_777 = tpu.vector_load %arg13[%get3A_775, %get3A_776] {strides = array<i32>} : memref<64x128xf32, #tpu.memory_space<vmem>>, vector<1x16xf32>,
        %get3A_778 = vector.shape_cast %get3A_777 : vector<1x16xf32> to vector<16xf32>
        %get3A_779 = arith.index_cast %mul3A_745 : i32 to index
        %get3A_780 = arith.constant 32 : index
        %get3A_781 = tpu.vector_load %arg14[%get3A_779, %get3A_780] {strides = array<i32>} : memref<64x128xf32, #tpu.memory_space<vmem>>, vector<1x16xf32>,
        %get3A_782 = vector.shape_cast %get3A_781 : vector<1x16xf32> to vector<16xf32>
        %mul3A_783 = arith.mulf %get3A_778, %get3A_782 : vector<16xf32>
        %get3A_784 = arith.index_cast %mul3A_745 : i32 to index
        %get3A_785 = arith.constant 32 : index
        %get3A_786 = tpu.vector_load %arg15[%get3A_784, %get3A_785] {strides = array<i32>} : memref<64x128xf32, #tpu.memory_space<vmem>>, vector<1x16xf32>,
        %get3A_787 = vector.shape_cast %get3A_786 : vector<1x16xf32> to vector<16xf32>
        %mul3A_788 = arith.mulf %mul3A_783, %get3A_787 : vector<16xf32>
        %add3A_789 = arith.addf %add3A_774, %mul3A_788 : vector<16xf32>
        %get3A_790 = arith.index_cast %mul3A_745 : i32 to index
        %get3A_791 = arith.constant 48 : index
        %get3A_792 = tpu.vector_load %arg13[%get3A_790, %get3A_791] {strides = array<i32>} : memref<64x128xf32, #tpu.memory_space<vmem>>, vector<1x16xf32>,
        %get3A_793 = vector.shape_cast %get3A_792 : vector<1x16xf32> to vector<16xf32>
        %get3A_794 = arith.index_cast %mul3A_745 : i32 to index
        %get3A_795 = arith.constant 48 : index
        %get3A_796 = tpu.vector_load %arg14[%get3A_794, %get3A_795] {strides = array<i32>} : memref<64x128xf32, #tpu.memory_space<vmem>>, vector<1x16xf32>,
        %get3A_797 = vector.shape_cast %get3A_796 : vector<1x16xf32> to vector<16xf32>
        %mul3A_798 = arith.mulf %get3A_793, %get3A_797 : vector<16xf32>
        %get3A_799 = arith.index_cast %mul3A_745 : i32 to index
        %get3A_800 = arith.constant 48 : index
        %get3A_801 = tpu.vector_load %arg15[%get3A_799, %get3A_800] {strides = array<i32>} : memref<64x128xf32, #tpu.memory_space<vmem>>, vector<1x16xf32>,
        %get3A_802 = vector.shape_cast %get3A_801 : vector<1x16xf32> to vector<16xf32>
        %mul3A_803 = arith.mulf %mul3A_798, %get3A_802 : vector<16xf32>
        %add3A_804 = arith.addf %add3A_789, %mul3A_803 : vector<16xf32>
        %get3A_805 = arith.index_cast %mul3A_745 : i32 to index
        %get3A_806 = arith.constant 64 : index
        %get3A_807 = tpu.vector_load %arg13[%get3A_805, %get3A_806] {strides = array<i32>} : memref<64x128xf32, #tpu.memory_space<vmem>>, vector<1x16xf32>,
        %get3A_808 = vector.shape_cast %get3A_807 : vector<1x16xf32> to vector<16xf32>
        %get3A_809 = arith.index_cast %mul3A_745 : i32 to index
        %get3A_810 = arith.constant 64 : index
        %get3A_811 = tpu.vector_load %arg14[%get3A_809, %get3A_810] {strides = array<i32>} : memref<64x128xf32, #tpu.memory_space<vmem>>, vector<1x16xf32>,
        %get3A_812 = vector.shape_cast %get3A_811 : vector<1x16xf32> to vector<16xf32>
        %mul3A_813 = arith.mulf %get3A_808, %get3A_812 : vector<16xf32>
        %get3A_814 = arith.index_cast %mul3A_745 : i32 to index
        %get3A_815 = arith.constant 64 : index
        %get3A_816 = tpu.vector_load %arg15[%get3A_814, %get3A_815] {strides = array<i32>} : memref<64x128xf32, #tpu.memory_space<vmem>>, vector<1x16xf32>,
        %get3A_817 = vector.shape_cast %get3A_816 : vector<1x16xf32> to vector<16xf32>
        %mul3A_818 = arith.mulf %mul3A_813, %get3A_817 : vector<16xf32>
        %add3A_819 = arith.addf %add3A_804, %mul3A_818 : vector<16xf32>
        %get3A_820 = arith.index_cast %mul3A_745 : i32 to index
        %get3A_821 = arith.constant 80 : index
        %get3A_822 = tpu.vector_load %arg13[%get3A_820, %get3A_821] {strides = array<i32>} : memref<64x128xf32, #tpu.memory_space<vmem>>, vector<1x16xf32>,
        %get3A_823 = vector.shape_cast %get3A_822 : vector<1x16xf32> to vector<16xf32>
        %get3A_824 = arith.index_cast %mul3A_745 : i32 to index
        %get3A_825 = arith.constant 80 : index
        %get3A_826 = tpu.vector_load %arg14[%get3A_824, %get3A_825] {strides = array<i32>} : memref<64x128xf32, #tpu.memory_space<vmem>>, vector<1x16xf32>,
        %get3A_827 = vector.shape_cast %get3A_826 : vector<1x16xf32> to vector<16xf32>
        %mul3A_828 = arith.mulf %get3A_823, %get3A_827 : vector<16xf32>
        %get3A_829 = arith.index_cast %mul3A_745 : i32 to index
        %get3A_830 = arith.constant 80 : index
        %get3A_831 = tpu.vector_load %arg15[%get3A_829, %get3A_830] {strides = array<i32>} : memref<64x128xf32, #tpu.memory_space<vmem>>, vector<1x16xf32>,
        %get3A_832 = vector.shape_cast %get3A_831 : vector<1x16xf32> to vector<16xf32>
        %mul3A_833 = arith.mulf %mul3A_828, %get3A_832 : vector<16xf32>
        %add3A_834 = arith.addf %add3A_819, %mul3A_833 : vector<16xf32>
        %get3A_835 = arith.index_cast %mul3A_745 : i32 to index
        %get3A_836 = arith.constant 96 : index
        %get3A_837 = tpu.vector_load %arg13[%get3A_835, %get3A_836] {strides = array<i32>} : memref<64x128xf32, #tpu.memory_space<vmem>>, vector<1x16xf32>,
        %get3A_838 = vector.shape_cast %get3A_837 : vector<1x16xf32> to vector<16xf32>
        %get3A_839 = arith.index_cast %mul3A_745 : i32 to index
        %get3A_840 = arith.constant 96 : index
        %get3A_841 = tpu.vector_load %arg14[%get3A_839, %get3A_840] {strides = array<i32>} : memref<64x128xf32, #tpu.memory_space<vmem>>, vector<1x16xf32>,
        %get3A_842 = vector.shape_cast %get3A_841 : vector<1x16xf32> to vector<16xf32>
        %mul3A_843 = arith.mulf %get3A_838, %get3A_842 : vector<16xf32>
        %get3A_844 = arith.index_cast %mul3A_745 : i32 to index
        %get3A_845 = arith.constant 96 : index
        %get3A_846 = tpu.vector_load %arg15[%get3A_844, %get3A_845] {strides = array<i32>} : memref<64x128xf32, #tpu.memory_space<vmem>>, vector<1x16xf32>,
        %get3A_847 = vector.shape_cast %get3A_846 : vector<1x16xf32> to vector<16xf32>
        %mul3A_848 = arith.mulf %mul3A_843, %get3A_847 : vector<16xf32>
        %add3A_849 = arith.addf %add3A_834, %mul3A_848 : vector<16xf32>
        %get3A_850 = arith.index_cast %mul3A_745 : i32 to index
        %get3A_851 = arith.constant 112 : index
        %get3A_852 = tpu.vector_load %arg13[%get3A_850, %get3A_851] {strides = array<i32>} : memref<64x128xf32, #tpu.memory_space<vmem>>, vector<1x16xf32>,
        %get3A_853 = vector.shape_cast %get3A_852 : vector<1x16xf32> to vector<16xf32>
        %get3A_854 = arith.index_cast %mul3A_745 : i32 to index
        %get3A_855 = arith.constant 112 : index
        %get3A_856 = tpu.vector_load %arg14[%get3A_854, %get3A_855] {strides = array<i32>} : memref<64x128xf32, #tpu.memory_space<vmem>>, vector<1x16xf32>,
        %get3A_857 = vector.shape_cast %get3A_856 : vector<1x16xf32> to vector<16xf32>
        %mul3A_858 = arith.mulf %get3A_853, %get3A_857 : vector<16xf32>
        %get3A_859 = arith.index_cast %mul3A_745 : i32 to index
        %get3A_860 = arith.constant 112 : index
        %get3A_861 = tpu.vector_load %arg15[%get3A_859, %get3A_860] {strides = array<i32>} : memref<64x128xf32, #tpu.memory_space<vmem>>, vector<1x16xf32>,
        %get3A_862 = vector.shape_cast %get3A_861 : vector<1x16xf32> to vector<16xf32>
        %mul3A_863 = arith.mulf %mul3A_858, %get3A_862 : vector<16xf32>
        %add3A_864 = arith.addf %add3A_849, %mul3A_863 : vector<16xf32>
        %add3A_865 = arith.constant 1 : i32
        %add3A_866 = arith.addi %mul3A_745, %add3A_865 : i32
        %get3A_867 = arith.index_cast %add3A_866 : i32 to index
        %get3A_868 = arith.constant 0 : index
        %get3A_869 = tpu.vector_load %arg13[%get3A_867, %get3A_868] {strides = array<i32>} : memref<64x128xf32, #tpu.memory_space<vmem>>, vector<1x16xf32>,
        %get3A_870 = vector.shape_cast %get3A_869 : vector<1x16xf32> to vector<16xf32>
        %get3A_871 = arith.index_cast %add3A_866 : i32 to index
        %get3A_872 = arith.constant 0 : index
        %get3A_873 = tpu.vector_load %arg14[%get3A_871, %get3A_872] {strides = array<i32>} : memref<64x128xf32, #tpu.memory_space<vmem>>, vector<1x16xf32>,
        %get3A_874 = vector.shape_cast %get3A_873 : vector<1x16xf32> to vector<16xf32>
        %mul3A_875 = arith.mulf %get3A_870, %get3A_874 : vector<16xf32>
        %get3A_876 = arith.index_cast %add3A_866 : i32 to index
        %get3A_877 = arith.constant 0 : index
        %get3A_878 = tpu.vector_load %arg15[%get3A_876, %get3A_877] {strides = array<i32>} : memref<64x128xf32, #tpu.memory_space<vmem>>, vector<1x16xf32>,
        %get3A_879 = vector.shape_cast %get3A_878 : vector<1x16xf32> to vector<16xf32>
        %mul3A_880 = arith.mulf %mul3A_875, %get3A_879 : vector<16xf32>
        %get3A_881 = arith.index_cast %add3A_866 : i32 to index
        %get3A_882 = arith.constant 16 : index
        %get3A_883 = tpu.vector_load %arg13[%get3A_881, %get3A_882] {strides = array<i32>} : memref<64x128xf32, #tpu.memory_space<vmem>>, vector<1x16xf32>,
        %get3A_884 = vector.shape_cast %get3A_883 : vector<1x16xf32> to vector<16xf32>
        %get3A_885 = arith.index_cast %add3A_866 : i32 to index
        %get3A_886 = arith.constant 16 : index
        %get3A_887 = tpu.vector_load %arg14[%get3A_885, %get3A_886] {strides = array<i32>} : memref<64x128xf32, #tpu.memory_space<vmem>>, vector<1x16xf32>,
        %get3A_888 = vector.shape_cast %get3A_887 : vector<1x16xf32> to vector<16xf32>
        %mul3A_889 = arith.mulf %get3A_884, %get3A_888 : vector<16xf32>
        %get3A_890 = arith.index_cast %add3A_866 : i32 to index
        %get3A_891 = arith.constant 16 : index
        %get3A_892 = tpu.vector_load %arg15[%get3A_890, %get3A_891] {strides = array<i32>} : memref<64x128xf32, #tpu.memory_space<vmem>>, vector<1x16xf32>,
        %get3A_893 = vector.shape_cast %get3A_892 : vector<1x16xf32> to vector<16xf32>
        %mul3A_894 = arith.mulf %mul3A_889, %get3A_893 : vector<16xf32>
        %add3A_895 = arith.addf %mul3A_880, %mul3A_894 : vector<16xf32>
        %get3A_896 = arith.index_cast %add3A_866 : i32 to index
        %get3A_897 = arith.constant 32 : index
        %get3A_898 = tpu.vector_load %arg13[%get3A_896, %get3A_897] {strides = array<i32>} : memref<64x128xf32, #tpu.memory_space<vmem>>, vector<1x16xf32>,
        %get3A_899 = vector.shape_cast %get3A_898 : vector<1x16xf32> to vector<16xf32>
        %get3A_900 = arith.index_cast %add3A_866 : i32 to index
        %get3A_901 = arith.constant 32 : index
        %get3A_902 = tpu.vector_load %arg14[%get3A_900, %get3A_901] {strides = array<i32>} : memref<64x128xf32, #tpu.memory_space<vmem>>, vector<1x16xf32>,
        %get3A_903 = vector.shape_cast %get3A_902 : vector<1x16xf32> to vector<16xf32>
        %mul3A_904 = arith.mulf %get3A_899, %get3A_903 : vector<16xf32>
        %get3A_905 = arith.index_cast %add3A_866 : i32 to index
        %get3A_906 = arith.constant 32 : index
        %get3A_907 = tpu.vector_load %arg15[%get3A_905, %get3A_906] {strides = array<i32>} : memref<64x128xf32, #tpu.memory_space<vmem>>, vector<1x16xf32>,
        %get3A_908 = vector.shape_cast %get3A_907 : vector<1x16xf32> to vector<16xf32>
        %mul3A_909 = arith.mulf %mul3A_904, %get3A_908 : vector<16xf32>
        %add3A_910 = arith.addf %add3A_895, %mul3A_909 : vector<16xf32>
        %get3A_911 = arith.index_cast %add3A_866 : i32 to index
        %get3A_912 = arith.constant 48 : index
        %get3A_913 = tpu.vector_load %arg13[%get3A_911, %get3A_912] {strides = array<i32>} : memref<64x128xf32, #tpu.memory_space<vmem>>, vector<1x16xf32>,
        %get3A_914 = vector.shape_cast %get3A_913 : vector<1x16xf32> to vector<16xf32>
        %get3A_915 = arith.index_cast %add3A_866 : i32 to index
        %get3A_916 = arith.constant 48 : index
        %get3A_917 = tpu.vector_load %arg14[%get3A_915, %get3A_916] {strides = array<i32>} : memref<64x128xf32, #tpu.memory_space<vmem>>, vector<1x16xf32>,
        %get3A_918 = vector.shape_cast %get3A_917 : vector<1x16xf32> to vector<16xf32>
        %mul3A_919 = arith.mulf %get3A_914, %get3A_918 : vector<16xf32>
        %get3A_920 = arith.index_cast %add3A_866 : i32 to index
        %get3A_921 = arith.constant 48 : index
        %get3A_922 = tpu.vector_load %arg15[%get3A_920, %get3A_921] {strides = array<i32>} : memref<64x128xf32, #tpu.memory_space<vmem>>, vector<1x16xf32>,
        %get3A_923 = vector.shape_cast %get3A_922 : vector<1x16xf32> to vector<16xf32>
        %mul3A_924 = arith.mulf %mul3A_919, %get3A_923 : vector<16xf32>
        %add3A_925 = arith.addf %add3A_910, %mul3A_924 : vector<16xf32>
        %get3A_926 = arith.index_cast %add3A_866 : i32 to index
        %get3A_927 = arith.constant 64 : index
        %get3A_928 = tpu.vector_load %arg13[%get3A_926, %get3A_927] {strides = array<i32>} : memref<64x128xf32, #tpu.memory_space<vmem>>, vector<1x16xf32>,
        %get3A_929 = vector.shape_cast %get3A_928 : vector<1x16xf32> to vector<16xf32>
        %get3A_930 = arith.index_cast %add3A_866 : i32 to index
        %get3A_931 = arith.constant 64 : index
        %get3A_932 = tpu.vector_load %arg14[%get3A_930, %get3A_931] {strides = array<i32>} : memref<64x128xf32, #tpu.memory_space<vmem>>, vector<1x16xf32>,
        %get3A_933 = vector.shape_cast %get3A_932 : vector<1x16xf32> to vector<16xf32>
        %mul3A_934 = arith.mulf %get3A_929, %get3A_933 : vector<16xf32>
        %get3A_935 = arith.index_cast %add3A_866 : i32 to index
        %get3A_936 = arith.constant 64 : index
        %get3A_937 = tpu.vector_load %arg15[%get3A_935, %get3A_936] {strides = array<i32>} : memref<64x128xf32, #tpu.memory_space<vmem>>, vector<1x16xf32>,
        %get3A_938 = vector.shape_cast %get3A_937 : vector<1x16xf32> to vector<16xf32>
        %mul3A_939 = arith.mulf %mul3A_934, %get3A_938 : vector<16xf32>
        %add3A_940 = arith.addf %add3A_925, %mul3A_939 : vector<16xf32>
        %get3A_941 = arith.index_cast %add3A_866 : i32 to index
        %get3A_942 = arith.constant 80 : index
        %get3A_943 = tpu.vector_load %arg13[%get3A_941, %get3A_942] {strides = array<i32>} : memref<64x128xf32, #tpu.memory_space<vmem>>, vector<1x16xf32>,
        %get3A_944 = vector.shape_cast %get3A_943 : vector<1x16xf32> to vector<16xf32>
        %get3A_945 = arith.index_cast %add3A_866 : i32 to index
        %get3A_946 = arith.constant 80 : index
        %get3A_947 = tpu.vector_load %arg14[%get3A_945, %get3A_946] {strides = array<i32>} : memref<64x128xf32, #tpu.memory_space<vmem>>, vector<1x16xf32>,
        %get3A_948 = vector.shape_cast %get3A_947 : vector<1x16xf32> to vector<16xf32>
        %mul3A_949 = arith.mulf %get3A_944, %get3A_948 : vector<16xf32>
        %get3A_950 = arith.index_cast %add3A_866 : i32 to index
        %get3A_951 = arith.constant 80 : index
        %get3A_952 = tpu.vector_load %arg15[%get3A_950, %get3A_951] {strides = array<i32>} : memref<64x128xf32, #tpu.memory_space<vmem>>, vector<1x16xf32>,
        %get3A_953 = vector.shape_cast %get3A_952 : vector<1x16xf32> to vector<16xf32>
        %mul3A_954 = arith.mulf %mul3A_949, %get3A_953 : vector<16xf32>
        %add3A_955 = arith.addf %add3A_940, %mul3A_954 : vector<16xf32>
        %get3A_956 = arith.index_cast %add3A_866 : i32 to index
        %get3A_957 = arith.constant 96 : index
        %get3A_958 = tpu.vector_load %arg13[%get3A_956, %get3A_957] {strides = array<i32>} : memref<64x128xf32, #tpu.memory_space<vmem>>, vector<1x16xf32>,
        %get3A_959 = vector.shape_cast %get3A_958 : vector<1x16xf32> to vector<16xf32>
        %get3A_960 = arith.index_cast %add3A_866 : i32 to index
        %get3A_961 = arith.constant 96 : index
        %get3A_962 = tpu.vector_load %arg14[%get3A_960, %get3A_961] {strides = array<i32>} : memref<64x128xf32, #tpu.memory_space<vmem>>, vector<1x16xf32>,
        %get3A_963 = vector.shape_cast %get3A_962 : vector<1x16xf32> to vector<16xf32>
        %mul3A_964 = arith.mulf %get3A_959, %get3A_963 : vector<16xf32>
        %get3A_965 = arith.index_cast %add3A_866 : i32 to index
        %get3A_966 = arith.constant 96 : index
        %get3A_967 = tpu.vector_load %arg15[%get3A_965, %get3A_966] {strides = array<i32>} : memref<64x128xf32, #tpu.memory_space<vmem>>, vector<1x16xf32>,
        %get3A_968 = vector.shape_cast %get3A_967 : vector<1x16xf32> to vector<16xf32>
        %mul3A_969 = arith.mulf %mul3A_964, %get3A_968 : vector<16xf32>
        %add3A_970 = arith.addf %add3A_955, %mul3A_969 : vector<16xf32>
        %get3A_971 = arith.index_cast %add3A_866 : i32 to index
        %get3A_972 = arith.constant 112 : index
        %get3A_973 = tpu.vector_load %arg13[%get3A_971, %get3A_972] {strides = array<i32>} : memref<64x128xf32, #tpu.memory_space<vmem>>, vector<1x16xf32>,
        %get3A_974 = vector.shape_cast %get3A_973 : vector<1x16xf32> to vector<16xf32>
        %get3A_975 = arith.index_cast %add3A_866 : i32 to index
        %get3A_976 = arith.constant 112 : index
        %get3A_977 = tpu.vector_load %arg14[%get3A_975, %get3A_976] {strides = array<i32>} : memref<64x128xf32, #tpu.memory_space<vmem>>, vector<1x16xf32>,
        %get3A_978 = vector.shape_cast %get3A_977 : vector<1x16xf32> to vector<16xf32>
        %mul3A_979 = arith.mulf %get3A_974, %get3A_978 : vector<16xf32>
        %get3A_980 = arith.index_cast %add3A_866 : i32 to index
        %get3A_981 = arith.constant 112 : index
        %get3A_982 = tpu.vector_load %arg15[%get3A_980, %get3A_981] {strides = array<i32>} : memref<64x128xf32, #tpu.memory_space<vmem>>, vector<1x16xf32>,
        %get3A_983 = vector.shape_cast %get3A_982 : vector<1x16xf32> to vector<16xf32>
        %mul3A_984 = arith.mulf %mul3A_979, %get3A_983 : vector<16xf32>
        %add3A_985 = arith.addf %add3A_970, %mul3A_984 : vector<16xf32>
        %add3A_986 = arith.constant 2 : i32
        %add3A_987 = arith.addi %mul3A_745, %add3A_986 : i32
        %get3A_988 = arith.index_cast %add3A_987 : i32 to index
        %get3A_989 = arith.constant 0 : index
        %get3A_990 = tpu.vector_load %arg13[%get3A_988, %get3A_989] {strides = array<i32>} : memref<64x128xf32, #tpu.memory_space<vmem>>, vector<1x16xf32>,
        %get3A_991 = vector.shape_cast %get3A_990 : vector<1x16xf32> to vector<16xf32>
        %get3A_992 = arith.index_cast %add3A_987 : i32 to index
        %get3A_993 = arith.constant 0 : index
        %get3A_994 = tpu.vector_load %arg14[%get3A_992, %get3A_993] {strides = array<i32>} : memref<64x128xf32, #tpu.memory_space<vmem>>, vector<1x16xf32>,
        %get3A_995 = vector.shape_cast %get3A_994 : vector<1x16xf32> to vector<16xf32>
        %mul3A_996 = arith.mulf %get3A_991, %get3A_995 : vector<16xf32>
        %get3A_997 = arith.index_cast %add3A_987 : i32 to index
        %get3A_998 = arith.constant 0 : index
        %get3A_999 = tpu.vector_load %arg15[%get3A_997, %get3A_998] {strides = array<i32>} : memref<64x128xf32, #tpu.memory_space<vmem>>, vector<1x16xf32>,
        %get3A_1000 = vector.shape_cast %get3A_999 : vector<1x16xf32> to vector<16xf32>
        %mul3A_1001 = arith.mulf %mul3A_996, %get3A_1000 : vector<16xf32>
        %get3A_1002 = arith.index_cast %add3A_987 : i32 to index
        %get3A_1003 = arith.constant 16 : index
        %get3A_1004 = tpu.vector_load %arg13[%get3A_1002, %get3A_1003] {strides = array<i32>} : memref<64x128xf32, #tpu.memory_space<vmem>>, vector<1x16xf32>,
        %get3A_1005 = vector.shape_cast %get3A_1004 : vector<1x16xf32> to vector<16xf32>
        %get3A_1006 = arith.index_cast %add3A_987 : i32 to index
        %get3A_1007 = arith.constant 16 : index
        %get3A_1008 = tpu.vector_load %arg14[%get3A_1006, %get3A_1007] {strides = array<i32>} : memref<64x128xf32, #tpu.memory_space<vmem>>, vector<1x16xf32>,
        %get3A_1009 = vector.shape_cast %get3A_1008 : vector<1x16xf32> to vector<16xf32>
        %mul3A_1010 = arith.mulf %get3A_1005, %get3A_1009 : vector<16xf32>
        %get3A_1011 = arith.index_cast %add3A_987 : i32 to index
        %get3A_1012 = arith.constant 16 : index
        %get3A_1013 = tpu.vector_load %arg15[%get3A_1011, %get3A_1012] {strides = array<i32>} : memref<64x128xf32, #tpu.memory_space<vmem>>, vector<1x16xf32>,
        %get3A_1014 = vector.shape_cast %get3A_1013 : vector<1x16xf32> to vector<16xf32>
        %mul3A_1015 = arith.mulf %mul3A_1010, %get3A_1014 : vector<16xf32>
        %add3A_1016 = arith.addf %mul3A_1001, %mul3A_1015 : vector<16xf32>
        %get3A_1017 = arith.index_cast %add3A_987 : i32 to index
        %get3A_1018 = arith.constant 32 : index
        %get3A_1019 = tpu.vector_load %arg13[%get3A_1017, %get3A_1018] {strides = array<i32>} : memref<64x128xf32, #tpu.memory_space<vmem>>, vector<1x16xf32>,
        %get3A_1020 = vector.shape_cast %get3A_1019 : vector<1x16xf32> to vector<16xf32>
        %get3A_1021 = arith.index_cast %add3A_987 : i32 to index
        %get3A_1022 = arith.constant 32 : index
        %get3A_1023 = tpu.vector_load %arg14[%get3A_1021, %get3A_1022] {strides = array<i32>} : memref<64x128xf32, #tpu.memory_space<vmem>>, vector<1x16xf32>,
        %get3A_1024 = vector.shape_cast %get3A_1023 : vector<1x16xf32> to vector<16xf32>
        %mul3A_1025 = arith.mulf %get3A_1020, %get3A_1024 : vector<16xf32>
        %get3A_1026 = arith.index_cast %add3A_987 : i32 to index
        %get3A_1027 = arith.constant 32 : index
        %get3A_1028 = tpu.vector_load %arg15[%get3A_1026, %get3A_1027] {strides = array<i32>} : memref<64x128xf32, #tpu.memory_space<vmem>>, vector<1x16xf32>,
        %get3A_1029 = vector.shape_cast %get3A_1028 : vector<1x16xf32> to vector<16xf32>
        %mul3A_1030 = arith.mulf %mul3A_1025, %get3A_1029 : vector<16xf32>
        %add3A_1031 = arith.addf %add3A_1016, %mul3A_1030 : vector<16xf32>
        %get3A_1032 = arith.index_cast %add3A_987 : i32 to index
        %get3A_1033 = arith.constant 48 : index
        %get3A_1034 = tpu.vector_load %arg13[%get3A_1032, %get3A_1033] {strides = array<i32>} : memref<64x128xf32, #tpu.memory_space<vmem>>, vector<1x16xf32>,
        %get3A_1035 = vector.shape_cast %get3A_1034 : vector<1x16xf32> to vector<16xf32>
        %get3A_1036 = arith.index_cast %add3A_987 : i32 to index
        %get3A_1037 = arith.constant 48 : index
        %get3A_1038 = tpu.vector_load %arg14[%get3A_1036, %get3A_1037] {strides = array<i32>} : memref<64x128xf32, #tpu.memory_space<vmem>>, vector<1x16xf32>,
        %get3A_1039 = vector.shape_cast %get3A_1038 : vector<1x16xf32> to vector<16xf32>
        %mul3A_1040 = arith.mulf %get3A_1035, %get3A_1039 : vector<16xf32>
        %get3A_1041 = arith.index_cast %add3A_987 : i32 to index
        %get3A_1042 = arith.constant 48 : index
        %get3A_1043 = tpu.vector_load %arg15[%get3A_1041, %get3A_1042] {strides = array<i32>} : memref<64x128xf32, #tpu.memory_space<vmem>>, vector<1x16xf32>,
        %get3A_1044 = vector.shape_cast %get3A_1043 : vector<1x16xf32> to vector<16xf32>
        %mul3A_1045 = arith.mulf %mul3A_1040, %get3A_1044 : vector<16xf32>
        %add3A_1046 = arith.addf %add3A_1031, %mul3A_1045 : vector<16xf32>
        %get3A_1047 = arith.index_cast %add3A_987 : i32 to index
        %get3A_1048 = arith.constant 64 : index
        %get3A_1049 = tpu.vector_load %arg13[%get3A_1047, %get3A_1048] {strides = array<i32>} : memref<64x128xf32, #tpu.memory_space<vmem>>, vector<1x16xf32>,
        %get3A_1050 = vector.shape_cast %get3A_1049 : vector<1x16xf32> to vector<16xf32>
        %get3A_1051 = arith.index_cast %add3A_987 : i32 to index
        %get3A_1052 = arith.constant 64 : index
        %get3A_1053 = tpu.vector_load %arg14[%get3A_1051, %get3A_1052] {strides = array<i32>} : memref<64x128xf32, #tpu.memory_space<vmem>>, vector<1x16xf32>,
        %get3A_1054 = vector.shape_cast %get3A_1053 : vector<1x16xf32> to vector<16xf32>
        %mul3A_1055 = arith.mulf %get3A_1050, %get3A_1054 : vector<16xf32>
        %get3A_1056 = arith.index_cast %add3A_987 : i32 to index
        %get3A_1057 = arith.constant 64 : index
        %get3A_1058 = tpu.vector_load %arg15[%get3A_1056, %get3A_1057] {strides = array<i32>} : memref<64x128xf32, #tpu.memory_space<vmem>>, vector<1x16xf32>,
        %get3A_1059 = vector.shape_cast %get3A_1058 : vector<1x16xf32> to vector<16xf32>
        %mul3A_1060 = arith.mulf %mul3A_1055, %get3A_1059 : vector<16xf32>
        %add3A_1061 = arith.addf %add3A_1046, %mul3A_1060 : vector<16xf32>
        %get3A_1062 = arith.index_cast %add3A_987 : i32 to index
        %get3A_1063 = arith.constant 80 : index
        %get3A_1064 = tpu.vector_load %arg13[%get3A_1062, %get3A_1063] {strides = array<i32>} : memref<64x128xf32, #tpu.memory_space<vmem>>, vector<1x16xf32>,
        %get3A_1065 = vector.shape_cast %get3A_1064 : vector<1x16xf32> to vector<16xf32>
        %get3A_1066 = arith.index_cast %add3A_987 : i32 to index
        %get3A_1067 = arith.constant 80 : index
        %get3A_1068 = tpu.vector_load %arg14[%get3A_1066, %get3A_1067] {strides = array<i32>} : memref<64x128xf32, #tpu.memory_space<vmem>>, vector<1x16xf32>,
        %get3A_1069 = vector.shape_cast %get3A_1068 : vector<1x16xf32> to vector<16xf32>
        %mul3A_1070 = arith.mulf %get3A_1065, %get3A_1069 : vector<16xf32>
        %get3A_1071 = arith.index_cast %add3A_987 : i32 to index
        %get3A_1072 = arith.constant 80 : index
        %get3A_1073 = tpu.vector_load %arg15[%get3A_1071, %get3A_1072] {strides = array<i32>} : memref<64x128xf32, #tpu.memory_space<vmem>>, vector<1x16xf32>,
        %get3A_1074 = vector.shape_cast %get3A_1073 : vector<1x16xf32> to vector<16xf32>
        %mul3A_1075 = arith.mulf %mul3A_1070, %get3A_1074 : vector<16xf32>
        %add3A_1076 = arith.addf %add3A_1061, %mul3A_1075 : vector<16xf32>
        %get3A_1077 = arith.index_cast %add3A_987 : i32 to index
        %get3A_1078 = arith.constant 96 : index
        %get3A_1079 = tpu.vector_load %arg13[%get3A_1077, %get3A_1078] {strides = array<i32>} : memref<64x128xf32, #tpu.memory_space<vmem>>, vector<1x16xf32>,
        %get3A_1080 = vector.shape_cast %get3A_1079 : vector<1x16xf32> to vector<16xf32>
        %get3A_1081 = arith.index_cast %add3A_987 : i32 to index
        %get3A_1082 = arith.constant 96 : index
        %get3A_1083 = tpu.vector_load %arg14[%get3A_1081, %get3A_1082] {strides = array<i32>} : memref<64x128xf32, #tpu.memory_space<vmem>>, vector<1x16xf32>,
        %get3A_1084 = vector.shape_cast %get3A_1083 : vector<1x16xf32> to vector<16xf32>
        %mul3A_1085 = arith.mulf %get3A_1080, %get3A_1084 : vector<16xf32>
        %get3A_1086 = arith.index_cast %add3A_987 : i32 to index
        %get3A_1087 = arith.constant 96 : index
        %get3A_1088 = tpu.vector_load %arg15[%get3A_1086, %get3A_1087] {strides = array<i32>} : memref<64x128xf32, #tpu.memory_space<vmem>>, vector<1x16xf32>,
        %get3A_1089 = vector.shape_cast %get3A_1088 : vector<1x16xf32> to vector<16xf32>
        %mul3A_1090 = arith.mulf %mul3A_1085, %get3A_1089 : vector<16xf32>
        %add3A_1091 = arith.addf %add3A_1076, %mul3A_1090 : vector<16xf32>
        %get3A_1092 = arith.index_cast %add3A_987 : i32 to index
        %get3A_1093 = arith.constant 112 : index
        %get3A_1094 = tpu.vector_load %arg13[%get3A_1092, %get3A_1093] {strides = array<i32>} : memref<64x128xf32, #tpu.memory_space<vmem>>, vector<1x16xf32>,
        %get3A_1095 = vector.shape_cast %get3A_1094 : vector<1x16xf32> to vector<16xf32>
        %get3A_1096 = arith.index_cast %add3A_987 : i32 to index
        %get3A_1097 = arith.constant 112 : index
        %get3A_1098 = tpu.vector_load %arg14[%get3A_1096, %get3A_1097] {strides = array<i32>} : memref<64x128xf32, #tpu.memory_space<vmem>>, vector<1x16xf32>,
        %get3A_1099 = vector.shape_cast %get3A_1098 : vector<1x16xf32> to vector<16xf32>
        %mul3A_1100 = arith.mulf %get3A_1095, %get3A_1099 : vector<16xf32>
        %get3A_1101 = arith.index_cast %add3A_987 : i32 to index
        %get3A_1102 = arith.constant 112 : index
        %get3A_1103 = tpu.vector_load %arg15[%get3A_1101, %get3A_1102] {strides = array<i32>} : memref<64x128xf32, #tpu.memory_space<vmem>>, vector<1x16xf32>,
        %get3A_1104 = vector.shape_cast %get3A_1103 : vector<1x16xf32> to vector<16xf32>
        %mul3A_1105 = arith.mulf %mul3A_1100, %get3A_1104 : vector<16xf32>
        %add3A_1106 = arith.addf %add3A_1091, %mul3A_1105 : vector<16xf32>
        %add3A_1107 = arith.constant 3 : i32
        %add3A_1108 = arith.addi %mul3A_745, %add3A_1107 : i32
        %get3A_1109 = arith.index_cast %add3A_1108 : i32 to index
        %get3A_1110 = arith.constant 0 : index
        %get3A_1111 = tpu.vector_load %arg13[%get3A_1109, %get3A_1110] {strides = array<i32>} : memref<64x128xf32, #tpu.memory_space<vmem>>, vector<1x16xf32>,
        %get3A_1112 = vector.shape_cast %get3A_1111 : vector<1x16xf32> to vector<16xf32>
        %get3A_1113 = arith.index_cast %add3A_1108 : i32 to index
        %get3A_1114 = arith.constant 0 : index
        %get3A_1115 = tpu.vector_load %arg14[%get3A_1113, %get3A_1114] {strides = array<i32>} : memref<64x128xf32, #tpu.memory_space<vmem>>, vector<1x16xf32>,
        %get3A_1116 = vector.shape_cast %get3A_1115 : vector<1x16xf32> to vector<16xf32>
        %mul3A_1117 = arith.mulf %get3A_1112, %get3A_1116 : vector<16xf32>
        %get3A_1118 = arith.index_cast %add3A_1108 : i32 to index
        %get3A_1119 = arith.constant 0 : index
        %get3A_1120 = tpu.vector_load %arg15[%get3A_1118, %get3A_1119] {strides = array<i32>} : memref<64x128xf32, #tpu.memory_space<vmem>>, vector<1x16xf32>,
        %get3A_1121 = vector.shape_cast %get3A_1120 : vector<1x16xf32> to vector<16xf32>
        %mul3A_1122 = arith.mulf %mul3A_1117, %get3A_1121 : vector<16xf32>
        %get3A_1123 = arith.index_cast %add3A_1108 : i32 to index
        %get3A_1124 = arith.constant 16 : index
        %get3A_1125 = tpu.vector_load %arg13[%get3A_1123, %get3A_1124] {strides = array<i32>} : memref<64x128xf32, #tpu.memory_space<vmem>>, vector<1x16xf32>,
        %get3A_1126 = vector.shape_cast %get3A_1125 : vector<1x16xf32> to vector<16xf32>
        %get3A_1127 = arith.index_cast %add3A_1108 : i32 to index
        %get3A_1128 = arith.constant 16 : index
        %get3A_1129 = tpu.vector_load %arg14[%get3A_1127, %get3A_1128] {strides = array<i32>} : memref<64x128xf32, #tpu.memory_space<vmem>>, vector<1x16xf32>,
        %get3A_1130 = vector.shape_cast %get3A_1129 : vector<1x16xf32> to vector<16xf32>
        %mul3A_1131 = arith.mulf %get3A_1126, %get3A_1130 : vector<16xf32>
        %get3A_1132 = arith.index_cast %add3A_1108 : i32 to index
        %get3A_1133 = arith.constant 16 : index
        %get3A_1134 = tpu.vector_load %arg15[%get3A_1132, %get3A_1133] {strides = array<i32>} : memref<64x128xf32, #tpu.memory_space<vmem>>, vector<1x16xf32>,
        %get3A_1135 = vector.shape_cast %get3A_1134 : vector<1x16xf32> to vector<16xf32>
        %mul3A_1136 = arith.mulf %mul3A_1131, %get3A_1135 : vector<16xf32>
        %add3A_1137 = arith.addf %mul3A_1122, %mul3A_1136 : vector<16xf32>
        %get3A_1138 = arith.index_cast %add3A_1108 : i32 to index
        %get3A_1139 = arith.constant 32 : index
        %get3A_1140 = tpu.vector_load %arg13[%get3A_1138, %get3A_1139] {strides = array<i32>} : memref<64x128xf32, #tpu.memory_space<vmem>>, vector<1x16xf32>,
        %get3A_1141 = vector.shape_cast %get3A_1140 : vector<1x16xf32> to vector<16xf32>
        %get3A_1142 = arith.index_cast %add3A_1108 : i32 to index
        %get3A_1143 = arith.constant 32 : index
        %get3A_1144 = tpu.vector_load %arg14[%get3A_1142, %get3A_1143] {strides = array<i32>} : memref<64x128xf32, #tpu.memory_space<vmem>>, vector<1x16xf32>,
        %get3A_1145 = vector.shape_cast %get3A_1144 : vector<1x16xf32> to vector<16xf32>
        %mul3A_1146 = arith.mulf %get3A_1141, %get3A_1145 : vector<16xf32>
        %get3A_1147 = arith.index_cast %add3A_1108 : i32 to index
        %get3A_1148 = arith.constant 32 : index
        %get3A_1149 = tpu.vector_load %arg15[%get3A_1147, %get3A_1148] {strides = array<i32>} : memref<64x128xf32, #tpu.memory_space<vmem>>, vector<1x16xf32>,
        %get3A_1150 = vector.shape_cast %get3A_1149 : vector<1x16xf32> to vector<16xf32>
        %mul3A_1151 = arith.mulf %mul3A_1146, %get3A_1150 : vector<16xf32>
        %add3A_1152 = arith.addf %add3A_1137, %mul3A_1151 : vector<16xf32>
        %get3A_1153 = arith.index_cast %add3A_1108 : i32 to index
        %get3A_1154 = arith.constant 48 : index
        %get3A_1155 = tpu.vector_load %arg13[%get3A_1153, %get3A_1154] {strides = array<i32>} : memref<64x128xf32, #tpu.memory_space<vmem>>, vector<1x16xf32>,
        %get3A_1156 = vector.shape_cast %get3A_1155 : vector<1x16xf32> to vector<16xf32>
        %get3A_1157 = arith.index_cast %add3A_1108 : i32 to index
        %get3A_1158 = arith.constant 48 : index
        %get3A_1159 = tpu.vector_load %arg14[%get3A_1157, %get3A_1158] {strides = array<i32>} : memref<64x128xf32, #tpu.memory_space<vmem>>, vector<1x16xf32>,
        %get3A_1160 = vector.shape_cast %get3A_1159 : vector<1x16xf32> to vector<16xf32>
        %mul3A_1161 = arith.mulf %get3A_1156, %get3A_1160 : vector<16xf32>
        %get3A_1162 = arith.index_cast %add3A_1108 : i32 to index
        %get3A_1163 = arith.constant 48 : index
        %get3A_1164 = tpu.vector_load %arg15[%get3A_1162, %get3A_1163] {strides = array<i32>} : memref<64x128xf32, #tpu.memory_space<vmem>>, vector<1x16xf32>,
        %get3A_1165 = vector.shape_cast %get3A_1164 : vector<1x16xf32> to vector<16xf32>
        %mul3A_1166 = arith.mulf %mul3A_1161, %get3A_1165 : vector<16xf32>
        %add3A_1167 = arith.addf %add3A_1152, %mul3A_1166 : vector<16xf32>
        %get3A_1168 = arith.index_cast %add3A_1108 : i32 to index
        %get3A_1169 = arith.constant 64 : index
        %get3A_1170 = tpu.vector_load %arg13[%get3A_1168, %get3A_1169] {strides = array<i32>} : memref<64x128xf32, #tpu.memory_space<vmem>>, vector<1x16xf32>,
        %get3A_1171 = vector.shape_cast %get3A_1170 : vector<1x16xf32> to vector<16xf32>
        %get3A_1172 = arith.index_cast %add3A_1108 : i32 to index
        %get3A_1173 = arith.constant 64 : index
        %get3A_1174 = tpu.vector_load %arg14[%get3A_1172, %get3A_1173] {strides = array<i32>} : memref<64x128xf32, #tpu.memory_space<vmem>>, vector<1x16xf32>,
        %get3A_1175 = vector.shape_cast %get3A_1174 : vector<1x16xf32> to vector<16xf32>
        %mul3A_1176 = arith.mulf %get3A_1171, %get3A_1175 : vector<16xf32>
        %get3A_1177 = arith.index_cast %add3A_1108 : i32 to index
        %get3A_1178 = arith.constant 64 : index
        %get3A_1179 = tpu.vector_load %arg15[%get3A_1177, %get3A_1178] {strides = array<i32>} : memref<64x128xf32, #tpu.memory_space<vmem>>, vector<1x16xf32>,
        %get3A_1180 = vector.shape_cast %get3A_1179 : vector<1x16xf32> to vector<16xf32>
        %mul3A_1181 = arith.mulf %mul3A_1176, %get3A_1180 : vector<16xf32>
        %add3A_1182 = arith.addf %add3A_1167, %mul3A_1181 : vector<16xf32>
        %get3A_1183 = arith.index_cast %add3A_1108 : i32 to index
        %get3A_1184 = arith.constant 80 : index
        %get3A_1185 = tpu.vector_load %arg13[%get3A_1183, %get3A_1184] {strides = array<i32>} : memref<64x128xf32, #tpu.memory_space<vmem>>, vector<1x16xf32>,
        %get3A_1186 = vector.shape_cast %get3A_1185 : vector<1x16xf32> to vector<16xf32>
        %get3A_1187 = arith.index_cast %add3A_1108 : i32 to index
        %get3A_1188 = arith.constant 80 : index
        %get3A_1189 = tpu.vector_load %arg14[%get3A_1187, %get3A_1188] {strides = array<i32>} : memref<64x128xf32, #tpu.memory_space<vmem>>, vector<1x16xf32>,
        %get3A_1190 = vector.shape_cast %get3A_1189 : vector<1x16xf32> to vector<16xf32>
        %mul3A_1191 = arith.mulf %get3A_1186, %get3A_1190 : vector<16xf32>
        %get3A_1192 = arith.index_cast %add3A_1108 : i32 to index
        %get3A_1193 = arith.constant 80 : index
        %get3A_1194 = tpu.vector_load %arg15[%get3A_1192, %get3A_1193] {strides = array<i32>} : memref<64x128xf32, #tpu.memory_space<vmem>>, vector<1x16xf32>,
        %get3A_1195 = vector.shape_cast %get3A_1194 : vector<1x16xf32> to vector<16xf32>
        %mul3A_1196 = arith.mulf %mul3A_1191, %get3A_1195 : vector<16xf32>
        %add3A_1197 = arith.addf %add3A_1182, %mul3A_1196 : vector<16xf32>
        %get3A_1198 = arith.index_cast %add3A_1108 : i32 to index
        %get3A_1199 = arith.constant 96 : index
        %get3A_1200 = tpu.vector_load %arg13[%get3A_1198, %get3A_1199] {strides = array<i32>} : memref<64x128xf32, #tpu.memory_space<vmem>>, vector<1x16xf32>,
        %get3A_1201 = vector.shape_cast %get3A_1200 : vector<1x16xf32> to vector<16xf32>
        %get3A_1202 = arith.index_cast %add3A_1108 : i32 to index
        %get3A_1203 = arith.constant 96 : index
        %get3A_1204 = tpu.vector_load %arg14[%get3A_1202, %get3A_1203] {strides = array<i32>} : memref<64x128xf32, #tpu.memory_space<vmem>>, vector<1x16xf32>,
        %get3A_1205 = vector.shape_cast %get3A_1204 : vector<1x16xf32> to vector<16xf32>
        %mul3A_1206 = arith.mulf %get3A_1201, %get3A_1205 : vector<16xf32>
        %get3A_1207 = arith.index_cast %add3A_1108 : i32 to index
        %get3A_1208 = arith.constant 96 : index
        %get3A_1209 = tpu.vector_load %arg15[%get3A_1207, %get3A_1208] {strides = array<i32>} : memref<64x128xf32, #tpu.memory_space<vmem>>, vector<1x16xf32>,
        %get3A_1210 = vector.shape_cast %get3A_1209 : vector<1x16xf32> to vector<16xf32>
        %mul3A_1211 = arith.mulf %mul3A_1206, %get3A_1210 : vector<16xf32>
        %add3A_1212 = arith.addf %add3A_1197, %mul3A_1211 : vector<16xf32>
        %get3A_1213 = arith.index_cast %add3A_1108 : i32 to index
        %get3A_1214 = arith.constant 112 : index
        %get3A_1215 = tpu.vector_load %arg13[%get3A_1213, %get3A_1214] {strides = array<i32>} : memref<64x128xf32, #tpu.memory_space<vmem>>, vector<1x16xf32>,
        %get3A_1216 = vector.shape_cast %get3A_1215 : vector<1x16xf32> to vector<16xf32>
        %get3A_1217 = arith.index_cast %add3A_1108 : i32 to index
        %get3A_1218 = arith.constant 112 : index
        %get3A_1219 = tpu.vector_load %arg14[%get3A_1217, %get3A_1218] {strides = array<i32>} : memref<64x128xf32, #tpu.memory_space<vmem>>, vector<1x16xf32>,
        %get3A_1220 = vector.shape_cast %get3A_1219 : vector<1x16xf32> to vector<16xf32>
        %mul3A_1221 = arith.mulf %get3A_1216, %get3A_1220 : vector<16xf32>
        %get3A_1222 = arith.index_cast %add3A_1108 : i32 to index
        %get3A_1223 = arith.constant 112 : index
        %get3A_1224 = tpu.vector_load %arg15[%get3A_1222, %get3A_1223] {strides = array<i32>} : memref<64x128xf32, #tpu.memory_space<vmem>>, vector<1x16xf32>,
        %get3A_1225 = vector.shape_cast %get3A_1224 : vector<1x16xf32> to vector<16xf32>
        %mul3A_1226 = arith.mulf %mul3A_1221, %get3A_1225 : vector<16xf32>
        %add3A_1227 = arith.addf %add3A_1212, %mul3A_1226 : vector<16xf32>
        %and3A_1228 = arith.constant 1 : i32
        %and3A_1229 = vector.broadcast %and3A_1228 : i32 to vector<16xi32>
        %and3A_1230 = arith.andi %iota3A, %and3A_1229 : vector<16xi32>
        %eq3A_1231 = arith.constant 0 : i32
        %eq3A_1232 = vector.broadcast %eq3A_1231 : i32 to vector<16xi32>
        %eq3A_1233 = arith.cmpi eq, %and3A_1230, %eq3A_1232 : vector<16xi32>
        %select_n3A_1234 = arith.select %eq3A_1233, %add3A_864, %add3A_985 : vector<16xi1>, vector<16xf32>
        %select_n3A_1235 = arith.select %eq3A_1233, %add3A_985, %add3A_864 : vector<16xi1>, vector<16xf32>
        %xor3A_1236 = arith.constant 1 : i32
        %xor3A_1237 = vector.broadcast %xor3A_1236 : i32 to vector<16xi32>
        %xor3A_1238 = arith.xori %iota3A, %xor3A_1237 : vector<16xi32>
        %reshape3A_1239 = vector.shape_cast %xor3A_1238 : vector<16xi32> to vector<16x1xi32>
        %gather3A_1240 = vector.shape_cast %reshape3A_1239 : vector<16x1xi32> to vector<16xi32>
        %gather3A_1241 = tpu.dynamic_gather %select_n3A_1235[%gather3A_1240] in [0] : vector<16xf32>, vector<16xi32> -> vector<16xf32>
        %add3A_1242 = arith.addf %select_n3A_1234, %gather3A_1241 : vector<16xf32>
        %and3A_1243 = arith.constant 1 : i32
        %and3A_1244 = vector.broadcast %and3A_1243 : i32 to vector<16xi32>
        %and3A_1245 = arith.andi %iota3A, %and3A_1244 : vector<16xi32>
        %eq3A_1246 = arith.constant 0 : i32
        %eq3A_1247 = vector.broadcast %eq3A_1246 : i32 to vector<16xi32>
        %eq3A_1248 = arith.cmpi eq, %and3A_1245, %eq3A_1247 : vector<16xi32>
        %select_n3A_1249 = arith.select %eq3A_1248, %add3A_1106, %add3A_1227 : vector<16xi1>, vector<16xf32>
        %select_n3A_1250 = arith.select %eq3A_1248, %add3A_1227, %add3A_1106 : vector<16xi1>, vector<16xf32>
        %xor3A_1251 = arith.constant 1 : i32
        %xor3A_1252 = vector.broadcast %xor3A_1251 : i32 to vector<16xi32>
        %xor3A_1253 = arith.xori %iota3A, %xor3A_1252 : vector<16xi32>
        %reshape3A_1254 = vector.shape_cast %xor3A_1253 : vector<16xi32> to vector<16x1xi32>
        %gather3A_1255 = vector.shape_cast %reshape3A_1254 : vector<16x1xi32> to vector<16xi32>
        %gather3A_1256 = tpu.dynamic_gather %select_n3A_1250[%gather3A_1255] in [0] : vector<16xf32>, vector<16xi32> -> vector<16xf32>
        %add3A_1257 = arith.addf %select_n3A_1249, %gather3A_1256 : vector<16xf32>
        %and3A_1258 = arith.constant 2 : i32
        %and3A_1259 = vector.broadcast %and3A_1258 : i32 to vector<16xi32>
        %and3A_1260 = arith.andi %iota3A, %and3A_1259 : vector<16xi32>
        %eq3A_1261 = arith.constant 0 : i32
        %eq3A_1262 = vector.broadcast %eq3A_1261 : i32 to vector<16xi32>
        %eq3A_1263 = arith.cmpi eq, %and3A_1260, %eq3A_1262 : vector<16xi32>
        %select_n3A_1264 = arith.select %eq3A_1263, %add3A_1242, %add3A_1257 : vector<16xi1>, vector<16xf32>
        %select_n3A_1265 = arith.select %eq3A_1263, %add3A_1257, %add3A_1242 : vector<16xi1>, vector<16xf32>
        %xor3A_1266 = arith.constant 2 : i32
        %xor3A_1267 = vector.broadcast %xor3A_1266 : i32 to vector<16xi32>
        %xor3A_1268 = arith.xori %iota3A, %xor3A_1267 : vector<16xi32>
        %reshape3A_1269 = vector.shape_cast %xor3A_1268 : vector<16xi32> to vector<16x1xi32>
        %gather3A_1270 = vector.shape_cast %reshape3A_1269 : vector<16x1xi32> to vector<16xi32>
        %gather3A_1271 = tpu.dynamic_gather %select_n3A_1265[%gather3A_1270] in [0] : vector<16xf32>, vector<16xi32> -> vector<16xf32>
        %add3A_1272 = arith.addf %select_n3A_1264, %gather3A_1271 : vector<16xf32>
        %swap3A_1273 = arith.index_cast %scan3A_743 : i32 to index
        %swap3A_1274 = arith.constant 0 : index
        %swap3A_1275 = tpu.vector_load %arg12[%swap3A_1273, %swap3A_1274] {strides = array<i32>} : memref<16x16xf32, #tpu.memory_space<vmem>>, vector<1x16xf32>,
        %swap3A_1276 = vector.shape_cast %swap3A_1275 : vector<1x16xf32> to vector<16xf32>
        %swap3A_1277 = vector.shape_cast %add3A_1272 : vector<16xf32> to vector<1x16xf32>
        tpu.vector_store %arg12[%swap3A_1273, %swap3A_1274], %swap3A_1277 {strides = array<i32>} : memref<16x16xf32, #tpu.memory_space<vmem>>, vector<1x16xf32>,
      }
      %scan3A_163 = arith.constant 16 : i32
      %scan3A_164 = arith.constant 0 : i32
      %scan3A_165 = arith.constant 0 : i32
      %scan3A_166 = arith.constant 4 : i32
      %scan3A_167 = arith.addi %scan3A_165, %scan3A_166 : i32
      %scan3A_168 = arith.constant 2 : i32
      scf.for %scan3A_215 = %scan3A_165 to %scan3A_167 step %scan3A_168  : i32 {
        %mul3A_216 = arith.constant 4 : i32
        %mul3A_217 = arith.muli %scan3A_215, %mul3A_216 : i32
        %get3A = arith.index_cast %mul3A_217 : i32 to index
        %get3A_218 = arith.constant 0 : index
        %get3A_219 = tpu.vector_load %arg12[%get3A, %get3A_218] {strides = array<i32>} : memref<16x16xf32, #tpu.memory_space<vmem>>, vector<1x16xf32>,
        %get3A_220 = vector.shape_cast %get3A_219 : vector<1x16xf32> to vector<16xf32>
        %add3A_221 = arith.constant 1 : i32
        %add3A_222 = arith.addi %mul3A_217, %add3A_221 : i32
        %get3A_223 = arith.index_cast %add3A_222 : i32 to index
        %get3A_224 = arith.constant 0 : index
        %get3A_225 = tpu.vector_load %arg12[%get3A_223, %get3A_224] {strides = array<i32>} : memref<16x16xf32, #tpu.memory_space<vmem>>, vector<1x16xf32>,
        %get3A_226 = vector.shape_cast %get3A_225 : vector<1x16xf32> to vector<16xf32>
        %add3A_227 = arith.constant 2 : i32
        %add3A_228 = arith.addi %mul3A_217, %add3A_227 : i32
        %get3A_229 = arith.index_cast %add3A_228 : i32 to index
        %get3A_230 = arith.constant 0 : index
        %get3A_231 = tpu.vector_load %arg12[%get3A_229, %get3A_230] {strides = array<i32>} : memref<16x16xf32, #tpu.memory_space<vmem>>, vector<1x16xf32>,
        %get3A_232 = vector.shape_cast %get3A_231 : vector<1x16xf32> to vector<16xf32>
        %add3A_233 = arith.constant 3 : i32
        %add3A_234 = arith.addi %mul3A_217, %add3A_233 : i32
        %get3A_235 = arith.index_cast %add3A_234 : i32 to index
        %get3A_236 = arith.constant 0 : index
        %get3A_237 = tpu.vector_load %arg12[%get3A_235, %get3A_236] {strides = array<i32>} : memref<16x16xf32, #tpu.memory_space<vmem>>, vector<1x16xf32>,
        %get3A_238 = vector.shape_cast %get3A_237 : vector<1x16xf32> to vector<16xf32>
        %and3A = arith.constant 4 : i32
        %and3A_239 = vector.broadcast %and3A : i32 to vector<16xi32>
        %and3A_240 = arith.andi %iota3A, %and3A_239 : vector<16xi32>
        %eq3A = arith.constant 0 : i32
        %eq3A_241 = vector.broadcast %eq3A : i32 to vector<16xi32>
        %eq3A_242 = arith.cmpi eq, %and3A_240, %eq3A_241 : vector<16xi32>
        %select_n3A = arith.select %eq3A_242, %get3A_220, %get3A_226 : vector<16xi1>, vector<16xf32>
        %select_n3A_243 = arith.select %eq3A_242, %get3A_226, %get3A_220 : vector<16xi1>, vector<16xf32>
        %xor3A = arith.constant 4 : i32
        %xor3A_244 = vector.broadcast %xor3A : i32 to vector<16xi32>
        %xor3A_245 = arith.xori %iota3A, %xor3A_244 : vector<16xi32>
        %reshape3A = vector.shape_cast %xor3A_245 : vector<16xi32> to vector<16x1xi32>
        %gather3A = vector.shape_cast %reshape3A : vector<16x1xi32> to vector<16xi32>
        %gather3A_246 = tpu.dynamic_gather %select_n3A_243[%gather3A] in [0] : vector<16xf32>, vector<16xi32> -> vector<16xf32>
        %add3A_247 = arith.addf %select_n3A, %gather3A_246 : vector<16xf32>
        %and3A_248 = arith.constant 4 : i32
        %and3A_249 = vector.broadcast %and3A_248 : i32 to vector<16xi32>
        %and3A_250 = arith.andi %iota3A, %and3A_249 : vector<16xi32>
        %eq3A_251 = arith.constant 0 : i32
        %eq3A_252 = vector.broadcast %eq3A_251 : i32 to vector<16xi32>
        %eq3A_253 = arith.cmpi eq, %and3A_250, %eq3A_252 : vector<16xi32>
        %select_n3A_254 = arith.select %eq3A_253, %get3A_232, %get3A_238 : vector<16xi1>, vector<16xf32>
        %select_n3A_255 = arith.select %eq3A_253, %get3A_238, %get3A_232 : vector<16xi1>, vector<16xf32>
        %xor3A_256 = arith.constant 4 : i32
        %xor3A_257 = vector.broadcast %xor3A_256 : i32 to vector<16xi32>
        %xor3A_258 = arith.xori %iota3A, %xor3A_257 : vector<16xi32>
        %reshape3A_259 = vector.shape_cast %xor3A_258 : vector<16xi32> to vector<16x1xi32>
        %gather3A_260 = vector.shape_cast %reshape3A_259 : vector<16x1xi32> to vector<16xi32>
        %gather3A_261 = tpu.dynamic_gather %select_n3A_255[%gather3A_260] in [0] : vector<16xf32>, vector<16xi32> -> vector<16xf32>
        %add3A_262 = arith.addf %select_n3A_254, %gather3A_261 : vector<16xf32>
        %and3A_263 = arith.constant 8 : i32
        %and3A_264 = vector.broadcast %and3A_263 : i32 to vector<16xi32>
        %and3A_265 = arith.andi %iota3A, %and3A_264 : vector<16xi32>
        %eq3A_266 = arith.constant 0 : i32
        %eq3A_267 = vector.broadcast %eq3A_266 : i32 to vector<16xi32>
        %eq3A_268 = arith.cmpi eq, %and3A_265, %eq3A_267 : vector<16xi32>
        %select_n3A_269 = arith.select %eq3A_268, %add3A_247, %add3A_262 : vector<16xi1>, vector<16xf32>
        %select_n3A_270 = arith.select %eq3A_268, %add3A_262, %add3A_247 : vector<16xi1>, vector<16xf32>
        %xor3A_271 = arith.constant 8 : i32
        %xor3A_272 = vector.broadcast %xor3A_271 : i32 to vector<16xi32>
        %xor3A_273 = arith.xori %iota3A, %xor3A_272 : vector<16xi32>
        %reshape3A_274 = vector.shape_cast %xor3A_273 : vector<16xi32> to vector<16x1xi32>
        %gather3A_275 = vector.shape_cast %reshape3A_274 : vector<16x1xi32> to vector<16xi32>
        %gather3A_276 = tpu.dynamic_gather %select_n3A_270[%gather3A_275] in [0] : vector<16xf32>, vector<16xi32> -> vector<16xf32>
        %add3A_277 = arith.addf %select_n3A_269, %gather3A_276 : vector<16xf32>
        %mul3A_278 = arith.constant 16 : i32
        %mul3A_279 = arith.muli %scan3A_215, %mul3A_278 : i32
        %add3A_280 = arith.addi %mul3A_157, %mul3A_279 : i32
        %swap3A = arith.index_cast %add3A_280 : i32 to index
        %swap3A_281 = tpu.vector_load %arg11[%swap3A] {strides = array<i32>} : memref<512xf32, #tpu.memory_space<vmem>>, vector<16xf32>,
        %swap3A_282 = vector.shape_cast %swap3A_281 : vector<16xf32> to vector<16xf32>
        %swap3A_283 = vector.shape_cast %add3A_277 : vector<16xf32> to vector<16xf32>
        tpu.vector_store %arg11[%swap3A], %swap3A_283 {strides = array<i32>} : memref<512xf32, #tpu.memory_space<vmem>>, vector<16xf32>,
        %scan3A_284 = arith.constant 1 : i32
        %scan3A_285 = arith.addi %scan3A_215, %scan3A_284 : i32
        %mul3A_286 = arith.constant 4 : i32
        %mul3A_287 = arith.muli %scan3A_285, %mul3A_286 : i32
        %get3A_288 = arith.index_cast %mul3A_287 : i32 to index
        %get3A_289 = arith.constant 0 : index
        %get3A_290 = tpu.vector_load %arg12[%get3A_288, %get3A_289] {strides = array<i32>} : memref<16x16xf32, #tpu.memory_space<vmem>>, vector<1x16xf32>,
        %get3A_291 = vector.shape_cast %get3A_290 : vector<1x16xf32> to vector<16xf32>
        %add3A_292 = arith.constant 1 : i32
        %add3A_293 = arith.addi %mul3A_287, %add3A_292 : i32
        %get3A_294 = arith.index_cast %add3A_293 : i32 to index
        %get3A_295 = arith.constant 0 : index
        %get3A_296 = tpu.vector_load %arg12[%get3A_294, %get3A_295] {strides = array<i32>} : memref<16x16xf32, #tpu.memory_space<vmem>>, vector<1x16xf32>,
        %get3A_297 = vector.shape_cast %get3A_296 : vector<1x16xf32> to vector<16xf32>
        %add3A_298 = arith.constant 2 : i32
        %add3A_299 = arith.addi %mul3A_287, %add3A_298 : i32
        %get3A_300 = arith.index_cast %add3A_299 : i32 to index
        %get3A_301 = arith.constant 0 : index
        %get3A_302 = tpu.vector_load %arg12[%get3A_300, %get3A_301] {strides = array<i32>} : memref<16x16xf32, #tpu.memory_space<vmem>>, vector<1x16xf32>,
        %get3A_303 = vector.shape_cast %get3A_302 : vector<1x16xf32> to vector<16xf32>
        %add3A_304 = arith.constant 3 : i32
        %add3A_305 = arith.addi %mul3A_287, %add3A_304 : i32
        %get3A_306 = arith.index_cast %add3A_305 : i32 to index
        %get3A_307 = arith.constant 0 : index
        %get3A_308 = tpu.vector_load %arg12[%get3A_306, %get3A_307] {strides = array<i32>} : memref<16x16xf32, #tpu.memory_space<vmem>>, vector<1x16xf32>,
        %get3A_309 = vector.shape_cast %get3A_308 : vector<1x16xf32> to vector<16xf32>
        %and3A_310 = arith.constant 4 : i32
        %and3A_311 = vector.broadcast %and3A_310 : i32 to vector<16xi32>
        %and3A_312 = arith.andi %iota3A, %and3A_311 : vector<16xi32>
        %eq3A_313 = arith.constant 0 : i32
        %eq3A_314 = vector.broadcast %eq3A_313 : i32 to vector<16xi32>
        %eq3A_315 = arith.cmpi eq, %and3A_312, %eq3A_314 : vector<16xi32>
        %select_n3A_316 = arith.select %eq3A_315, %get3A_291, %get3A_297 : vector<16xi1>, vector<16xf32>
        %select_n3A_317 = arith.select %eq3A_315, %get3A_297, %get3A_291 : vector<16xi1>, vector<16xf32>
        %xor3A_318 = arith.constant 4 : i32
        %xor3A_319 = vector.broadcast %xor3A_318 : i32 to vector<16xi32>
        %xor3A_320 = arith.xori %iota3A, %xor3A_319 : vector<16xi32>
        %reshape3A_321 = vector.shape_cast %xor3A_320 : vector<16xi32> to vector<16x1xi32>
        %gather3A_322 = vector.shape_cast %reshape3A_321 : vector<16x1xi32> to vector<16xi32>
        %gather3A_323 = tpu.dynamic_gather %select_n3A_317[%gather3A_322] in [0] : vector<16xf32>, vector<16xi32> -> vector<16xf32>
        %add3A_324 = arith.addf %select_n3A_316, %gather3A_323 : vector<16xf32>
        %and3A_325 = arith.constant 4 : i32
        %and3A_326 = vector.broadcast %and3A_325 : i32 to vector<16xi32>
        %and3A_327 = arith.andi %iota3A, %and3A_326 : vector<16xi32>
        %eq3A_328 = arith.constant 0 : i32
        %eq3A_329 = vector.broadcast %eq3A_328 : i32 to vector<16xi32>
        %eq3A_330 = arith.cmpi eq, %and3A_327, %eq3A_329 : vector<16xi32>
        %select_n3A_331 = arith.select %eq3A_330, %get3A_303, %get3A_309 : vector<16xi1>, vector<16xf32>
        %select_n3A_332 = arith.select %eq3A_330, %get3A_309, %get3A_303 : vector<16xi1>, vector<16xf32>
        %xor3A_333 = arith.constant 4 : i32
        %xor3A_334 = vector.broadcast %xor3A_333 : i32 to vector<16xi32>
        %xor3A_335 = arith.xori %iota3A, %xor3A_334 : vector<16xi32>
        %reshape3A_336 = vector.shape_cast %xor3A_335 : vector<16xi32> to vector<16x1xi32>
        %gather3A_337 = vector.shape_cast %reshape3A_336 : vector<16x1xi32> to vector<16xi32>
        %gather3A_338 = tpu.dynamic_gather %select_n3A_332[%gather3A_337] in [0] : vector<16xf32>, vector<16xi32> -> vector<16xf32>
        %add3A_339 = arith.addf %select_n3A_331, %gather3A_338 : vector<16xf32>
        %and3A_340 = arith.constant 8 : i32
        %and3A_341 = vector.broadcast %and3A_340 : i32 to vector<16xi32>
        %and3A_342 = arith.andi %iota3A, %and3A_341 : vector<16xi32>
        %eq3A_343 = arith.constant 0 : i32
        %eq3A_344 = vector.broadcast %eq3A_343 : i32 to vector<16xi32>
        %eq3A_345 = arith.cmpi eq, %and3A_342, %eq3A_344 : vector<16xi32>
        %select_n3A_346 = arith.select %eq3A_345, %add3A_324, %add3A_339 : vector<16xi1>, vector<16xf32>
        %select_n3A_347 = arith.select %eq3A_345, %add3A_339, %add3A_324 : vector<16xi1>, vector<16xf32>
        %xor3A_348 = arith.constant 8 : i32
        %xor3A_349 = vector.broadcast %xor3A_348 : i32 to vector<16xi32>
        %xor3A_350 = arith.xori %iota3A, %xor3A_349 : vector<16xi32>
        %reshape3A_351 = vector.shape_cast %xor3A_350 : vector<16xi32> to vector<16x1xi32>
        %gather3A_352 = vector.shape_cast %reshape3A_351 : vector<16x1xi32> to vector<16xi32>
        %gather3A_353 = tpu.dynamic_gather %select_n3A_347[%gather3A_352] in [0] : vector<16xf32>, vector<16xi32> -> vector<16xf32>
        %add3A_354 = arith.addf %select_n3A_346, %gather3A_353 : vector<16xf32>
        %mul3A_355 = arith.constant 16 : i32
        %mul3A_356 = arith.muli %scan3A_285, %mul3A_355 : i32
        %add3A_357 = arith.addi %mul3A_157, %mul3A_356 : i32
        %swap3A_358 = arith.index_cast %add3A_357 : i32 to index
        %swap3A_359 = tpu.vector_load %arg11[%swap3A_358] {strides = array<i32>} : memref<512xf32, #tpu.memory_space<vmem>>, vector<16xf32>,
        %swap3A_360 = vector.shape_cast %swap3A_359 : vector<16xf32> to vector<16xf32>
        %swap3A_361 = vector.shape_cast %add3A_354 : vector<16xf32> to vector<16xf32>
        tpu.vector_store %arg11[%swap3A_358], %swap3A_361 {strides = array<i32>} : memref<512xf32, #tpu.memory_space<vmem>>, vector<16xf32>,
      }
      %scan3A_169 = arith.constant 4 : i32
      %add3A_170 = arith.constant 1 : i32
      %add3A_171 = arith.addi %scan3A_123, %add3A_170 : i32
      %lt3A = arith.constant 4 : i32
      %lt3A_172 = arith.cmpi slt, %add3A_171, %lt3A : i32
      %convert_element_type3A = arith.extui %lt3A_172 : i1 to i32
      %cond3A = arith.constant 0 : i32
      %cond3A_173 = arith.cmpi ne, %convert_element_type3A, %cond3A : i32
      scf.if %cond3A_173 {
        %add3A_215 = arith.constant 2 : i32
        %add3A_216 = arith.addi %mul3A_125, %add3A_215 : i32
        %mul3A_217 = arith.constant 64 : i32
        %mul3A_218 = arith.muli %add3A_216, %mul3A_217 : i32
        %dma_start3A_219 = tpu.memref_slice %arg8[%mul3A_218] : memref<512xi32, #tpu.memory_space<vmem>> -> memref<64xi32, #tpu.memory_space<vmem>>
        %dma_start3A_220 = arith.constant 0 : i32
        %dma_start3A_221 = arith.constant 0 : i32
        %dma_start3A_222 = tpu.memref_slice %arg5[%dma_start3A_220, %dma_start3A_221] : memref<1000000x128xf32, #tpu.memory_space<hbm>> -> memref<1000000x128xf32, #tpu.memory_space<hbm>>
        tpu.enqueue_indirect_dma source(%dma_start3A_222 : memref<1000000x128xf32, #tpu.memory_space<hbm>>) target(%arg13 : memref<64x128xf32, #tpu.memory_space<vmem>>) offsets(%dma_start3A_219 : memref<64xi32, #tpu.memory_space<vmem>>) semaphore(%arg19 : memref<!tpu.dma_semaphore, #tpu.memory_space<semaphore_mem>>)
        %dma_start3A_223 = tpu.memref_slice %arg9[%mul3A_218] : memref<512xi32, #tpu.memory_space<vmem>> -> memref<64xi32, #tpu.memory_space<vmem>>
        %dma_start3A_224 = arith.constant 0 : i32
        %dma_start3A_225 = arith.constant 0 : i32
        %dma_start3A_226 = tpu.memref_slice %arg6[%dma_start3A_224, %dma_start3A_225] : memref<1000x128xf32, #tpu.memory_space<hbm>> -> memref<1000x128xf32, #tpu.memory_space<hbm>>
        tpu.enqueue_indirect_dma source(%dma_start3A_226 : memref<1000x128xf32, #tpu.memory_space<hbm>>) target(%arg14 : memref<64x128xf32, #tpu.memory_space<vmem>>) offsets(%dma_start3A_223 : memref<64xi32, #tpu.memory_space<vmem>>) semaphore(%arg20 : memref<!tpu.dma_semaphore, #tpu.memory_space<semaphore_mem>>)
        %dma_start3A_227 = tpu.memref_slice %arg10[%mul3A_218] : memref<512xi32, #tpu.memory_space<vmem>> -> memref<64xi32, #tpu.memory_space<vmem>>
        %dma_start3A_228 = arith.constant 0 : i32
        %dma_start3A_229 = arith.constant 0 : i32
        %dma_start3A_230 = tpu.memref_slice %arg5[%dma_start3A_228, %dma_start3A_229] : memref<1000000x128xf32, #tpu.memory_space<hbm>> -> memref<1000000x128xf32, #tpu.memory_space<hbm>>
        tpu.enqueue_indirect_dma source(%dma_start3A_230 : memref<1000000x128xf32, #tpu.memory_space<hbm>>) target(%arg15 : memref<64x128xf32, #tpu.memory_space<vmem>>) offsets(%dma_start3A_227 : memref<64xi32, #tpu.memory_space<vmem>>) semaphore(%arg21 : memref<!tpu.dma_semaphore, #tpu.memory_space<semaphore_mem>>)
      } else {
      }
      %add3A_174 = arith.constant 1 : i32
      %add3A_175 = arith.addi %mul3A_125, %add3A_174 : i32
      %mul3A_176 = arith.constant 64 : i32
      %mul3A_177 = arith.muli %add3A_175, %mul3A_176 : i32
      %dma_wait3A_178 = tpu.memref_slice %arg8[%mul3A_177] : memref<512xi32, #tpu.memory_space<vmem>> -> memref<64xi32, #tpu.memory_space<vmem>>
      %dma_wait3A_179 = arith.constant 0 : i32
      %dma_wait3A_180 = arith.constant 0 : i32
      %dma_wait3A_181 = tpu.memref_slice %arg5[%dma_wait3A_179, %dma_wait3A_180] : memref<1000000x128xf32, #tpu.memory_space<hbm>> -> memref<1000000x128xf32, #tpu.memory_space<hbm>>
      tpu.wait_indirect_dma semaphore(%arg22 : memref<!tpu.dma_semaphore, #tpu.memory_space<semaphore_mem>>) src(%dma_wait3A_181 : memref<1000000x128xf32, #tpu.memory_space<hbm>>) dst(%arg16 : memref<64x128xf32, #tpu.memory_space<vmem>>)
      %dma_wait3A_182 = tpu.memref_slice %arg9[%mul3A_177] : memref<512xi32, #tpu.memory_space<vmem>> -> memref<64xi32, #tpu.memory_space<vmem>>
      %dma_wait3A_183 = arith.constant 0 : i32
      %dma_wait3A_184 = arith.constant 0 : i32
      %dma_wait3A_185 = tpu.memref_slice %arg6[%dma_wait3A_183, %dma_wait3A_184] : memref<1000x128xf32, #tpu.memory_space<hbm>> -> memref<1000x128xf32, #tpu.memory_space<hbm>>
      tpu.wait_indirect_dma semaphore(%arg23 : memref<!tpu.dma_semaphore, #tpu.memory_space<semaphore_mem>>) src(%dma_wait3A_185 : memref<1000x128xf32, #tpu.memory_space<hbm>>) dst(%arg17 : memref<64x128xf32, #tpu.memory_space<vmem>>)
      %dma_wait3A_186 = tpu.memref_slice %arg10[%mul3A_177] : memref<512xi32, #tpu.memory_space<vmem>> -> memref<64xi32, #tpu.memory_space<vmem>>
      %dma_wait3A_187 = arith.constant 0 : i32
      %dma_wait3A_188 = arith.constant 0 : i32
      %dma_wait3A_189 = tpu.memref_slice %arg5[%dma_wait3A_187, %dma_wait3A_188] : memref<1000000x128xf32, #tpu.memory_space<hbm>> -> memref<1000000x128xf32, #tpu.memory_space<hbm>>
      tpu.wait_indirect_dma semaphore(%arg24 : memref<!tpu.dma_semaphore, #tpu.memory_space<semaphore_mem>>) src(%dma_wait3A_189 : memref<1000000x128xf32, #tpu.memory_space<hbm>>) dst(%arg18 : memref<64x128xf32, #tpu.memory_space<vmem>>)
      %add3A_190 = arith.constant 1 : i32
      %add3A_191 = arith.addi %mul3A_125, %add3A_190 : i32
      %mul3A_192 = arith.constant 64 : i32
      %mul3A_193 = arith.muli %add3A_191, %mul3A_192 : i32
      %scan3A_194 = arith.constant 0 : i32
      %scan3A_195 = arith.constant 0 : i32
      %scan3A_196 = arith.constant 16 : i32
      %scan3A_197 = arith.addi %scan3A_195, %scan3A_196 : i32
      %scan3A_198 = arith.constant 2 : i32
      scf.for %scan3A_215 = %scan3A_195 to %scan3A_197 step %scan3A_198  : i32 {
        %mul3A_216 = arith.constant 4 : i32
        %mul3A_217 = arith.muli %scan3A_215, %mul3A_216 : i32
        %get3A = arith.index_cast %mul3A_217 : i32 to index
        %get3A_218 = arith.constant 0 : index
        %get3A_219 = tpu.vector_load %arg16[%get3A, %get3A_218] {strides = array<i32>} : memref<64x128xf32, #tpu.memory_space<vmem>>, vector<1x16xf32>,
        %get3A_220 = vector.shape_cast %get3A_219 : vector<1x16xf32> to vector<16xf32>
        %get3A_221 = arith.index_cast %mul3A_217 : i32 to index
        %get3A_222 = arith.constant 0 : index
        %get3A_223 = tpu.vector_load %arg17[%get3A_221, %get3A_222] {strides = array<i32>} : memref<64x128xf32, #tpu.memory_space<vmem>>, vector<1x16xf32>,
        %get3A_224 = vector.shape_cast %get3A_223 : vector<1x16xf32> to vector<16xf32>
        %mul3A_225 = arith.mulf %get3A_220, %get3A_224 : vector<16xf32>
        %get3A_226 = arith.index_cast %mul3A_217 : i32 to index
        %get3A_227 = arith.constant 0 : index
        %get3A_228 = tpu.vector_load %arg18[%get3A_226, %get3A_227] {strides = array<i32>} : memref<64x128xf32, #tpu.memory_space<vmem>>, vector<1x16xf32>,
        %get3A_229 = vector.shape_cast %get3A_228 : vector<1x16xf32> to vector<16xf32>
        %mul3A_230 = arith.mulf %mul3A_225, %get3A_229 : vector<16xf32>
        %get3A_231 = arith.index_cast %mul3A_217 : i32 to index
        %get3A_232 = arith.constant 16 : index
        %get3A_233 = tpu.vector_load %arg16[%get3A_231, %get3A_232] {strides = array<i32>} : memref<64x128xf32, #tpu.memory_space<vmem>>, vector<1x16xf32>,
        %get3A_234 = vector.shape_cast %get3A_233 : vector<1x16xf32> to vector<16xf32>
        %get3A_235 = arith.index_cast %mul3A_217 : i32 to index
        %get3A_236 = arith.constant 16 : index
        %get3A_237 = tpu.vector_load %arg17[%get3A_235, %get3A_236] {strides = array<i32>} : memref<64x128xf32, #tpu.memory_space<vmem>>, vector<1x16xf32>,
        %get3A_238 = vector.shape_cast %get3A_237 : vector<1x16xf32> to vector<16xf32>
        %mul3A_239 = arith.mulf %get3A_234, %get3A_238 : vector<16xf32>
        %get3A_240 = arith.index_cast %mul3A_217 : i32 to index
        %get3A_241 = arith.constant 16 : index
        %get3A_242 = tpu.vector_load %arg18[%get3A_240, %get3A_241] {strides = array<i32>} : memref<64x128xf32, #tpu.memory_space<vmem>>, vector<1x16xf32>,
        %get3A_243 = vector.shape_cast %get3A_242 : vector<1x16xf32> to vector<16xf32>
        %mul3A_244 = arith.mulf %mul3A_239, %get3A_243 : vector<16xf32>
        %add3A_245 = arith.addf %mul3A_230, %mul3A_244 : vector<16xf32>
        %get3A_246 = arith.index_cast %mul3A_217 : i32 to index
        %get3A_247 = arith.constant 32 : index
        %get3A_248 = tpu.vector_load %arg16[%get3A_246, %get3A_247] {strides = array<i32>} : memref<64x128xf32, #tpu.memory_space<vmem>>, vector<1x16xf32>,
        %get3A_249 = vector.shape_cast %get3A_248 : vector<1x16xf32> to vector<16xf32>
        %get3A_250 = arith.index_cast %mul3A_217 : i32 to index
        %get3A_251 = arith.constant 32 : index
        %get3A_252 = tpu.vector_load %arg17[%get3A_250, %get3A_251] {strides = array<i32>} : memref<64x128xf32, #tpu.memory_space<vmem>>, vector<1x16xf32>,
        %get3A_253 = vector.shape_cast %get3A_252 : vector<1x16xf32> to vector<16xf32>
        %mul3A_254 = arith.mulf %get3A_249, %get3A_253 : vector<16xf32>
        %get3A_255 = arith.index_cast %mul3A_217 : i32 to index
        %get3A_256 = arith.constant 32 : index
        %get3A_257 = tpu.vector_load %arg18[%get3A_255, %get3A_256] {strides = array<i32>} : memref<64x128xf32, #tpu.memory_space<vmem>>, vector<1x16xf32>,
        %get3A_258 = vector.shape_cast %get3A_257 : vector<1x16xf32> to vector<16xf32>
        %mul3A_259 = arith.mulf %mul3A_254, %get3A_258 : vector<16xf32>
        %add3A_260 = arith.addf %add3A_245, %mul3A_259 : vector<16xf32>
        %get3A_261 = arith.index_cast %mul3A_217 : i32 to index
        %get3A_262 = arith.constant 48 : index
        %get3A_263 = tpu.vector_load %arg16[%get3A_261, %get3A_262] {strides = array<i32>} : memref<64x128xf32, #tpu.memory_space<vmem>>, vector<1x16xf32>,
        %get3A_264 = vector.shape_cast %get3A_263 : vector<1x16xf32> to vector<16xf32>
        %get3A_265 = arith.index_cast %mul3A_217 : i32 to index
        %get3A_266 = arith.constant 48 : index
        %get3A_267 = tpu.vector_load %arg17[%get3A_265, %get3A_266] {strides = array<i32>} : memref<64x128xf32, #tpu.memory_space<vmem>>, vector<1x16xf32>,
        %get3A_268 = vector.shape_cast %get3A_267 : vector<1x16xf32> to vector<16xf32>
        %mul3A_269 = arith.mulf %get3A_264, %get3A_268 : vector<16xf32>
        %get3A_270 = arith.index_cast %mul3A_217 : i32 to index
        %get3A_271 = arith.constant 48 : index
        %get3A_272 = tpu.vector_load %arg18[%get3A_270, %get3A_271] {strides = array<i32>} : memref<64x128xf32, #tpu.memory_space<vmem>>, vector<1x16xf32>,
        %get3A_273 = vector.shape_cast %get3A_272 : vector<1x16xf32> to vector<16xf32>
        %mul3A_274 = arith.mulf %mul3A_269, %get3A_273 : vector<16xf32>
        %add3A_275 = arith.addf %add3A_260, %mul3A_274 : vector<16xf32>
        %get3A_276 = arith.index_cast %mul3A_217 : i32 to index
        %get3A_277 = arith.constant 64 : index
        %get3A_278 = tpu.vector_load %arg16[%get3A_276, %get3A_277] {strides = array<i32>} : memref<64x128xf32, #tpu.memory_space<vmem>>, vector<1x16xf32>,
        %get3A_279 = vector.shape_cast %get3A_278 : vector<1x16xf32> to vector<16xf32>
        %get3A_280 = arith.index_cast %mul3A_217 : i32 to index
        %get3A_281 = arith.constant 64 : index
        %get3A_282 = tpu.vector_load %arg17[%get3A_280, %get3A_281] {strides = array<i32>} : memref<64x128xf32, #tpu.memory_space<vmem>>, vector<1x16xf32>,
        %get3A_283 = vector.shape_cast %get3A_282 : vector<1x16xf32> to vector<16xf32>
        %mul3A_284 = arith.mulf %get3A_279, %get3A_283 : vector<16xf32>
        %get3A_285 = arith.index_cast %mul3A_217 : i32 to index
        %get3A_286 = arith.constant 64 : index
        %get3A_287 = tpu.vector_load %arg18[%get3A_285, %get3A_286] {strides = array<i32>} : memref<64x128xf32, #tpu.memory_space<vmem>>, vector<1x16xf32>,
        %get3A_288 = vector.shape_cast %get3A_287 : vector<1x16xf32> to vector<16xf32>
        %mul3A_289 = arith.mulf %mul3A_284, %get3A_288 : vector<16xf32>
        %add3A_290 = arith.addf %add3A_275, %mul3A_289 : vector<16xf32>
        %get3A_291 = arith.index_cast %mul3A_217 : i32 to index
        %get3A_292 = arith.constant 80 : index
        %get3A_293 = tpu.vector_load %arg16[%get3A_291, %get3A_292] {strides = array<i32>} : memref<64x128xf32, #tpu.memory_space<vmem>>, vector<1x16xf32>,
        %get3A_294 = vector.shape_cast %get3A_293 : vector<1x16xf32> to vector<16xf32>
        %get3A_295 = arith.index_cast %mul3A_217 : i32 to index
        %get3A_296 = arith.constant 80 : index
        %get3A_297 = tpu.vector_load %arg17[%get3A_295, %get3A_296] {strides = array<i32>} : memref<64x128xf32, #tpu.memory_space<vmem>>, vector<1x16xf32>,
        %get3A_298 = vector.shape_cast %get3A_297 : vector<1x16xf32> to vector<16xf32>
        %mul3A_299 = arith.mulf %get3A_294, %get3A_298 : vector<16xf32>
        %get3A_300 = arith.index_cast %mul3A_217 : i32 to index
        %get3A_301 = arith.constant 80 : index
        %get3A_302 = tpu.vector_load %arg18[%get3A_300, %get3A_301] {strides = array<i32>} : memref<64x128xf32, #tpu.memory_space<vmem>>, vector<1x16xf32>,
        %get3A_303 = vector.shape_cast %get3A_302 : vector<1x16xf32> to vector<16xf32>
        %mul3A_304 = arith.mulf %mul3A_299, %get3A_303 : vector<16xf32>
        %add3A_305 = arith.addf %add3A_290, %mul3A_304 : vector<16xf32>
        %get3A_306 = arith.index_cast %mul3A_217 : i32 to index
        %get3A_307 = arith.constant 96 : index
        %get3A_308 = tpu.vector_load %arg16[%get3A_306, %get3A_307] {strides = array<i32>} : memref<64x128xf32, #tpu.memory_space<vmem>>, vector<1x16xf32>,
        %get3A_309 = vector.shape_cast %get3A_308 : vector<1x16xf32> to vector<16xf32>
        %get3A_310 = arith.index_cast %mul3A_217 : i32 to index
        %get3A_311 = arith.constant 96 : index
        %get3A_312 = tpu.vector_load %arg17[%get3A_310, %get3A_311] {strides = array<i32>} : memref<64x128xf32, #tpu.memory_space<vmem>>, vector<1x16xf32>,
        %get3A_313 = vector.shape_cast %get3A_312 : vector<1x16xf32> to vector<16xf32>
        %mul3A_314 = arith.mulf %get3A_309, %get3A_313 : vector<16xf32>
        %get3A_315 = arith.index_cast %mul3A_217 : i32 to index
        %get3A_316 = arith.constant 96 : index
        %get3A_317 = tpu.vector_load %arg18[%get3A_315, %get3A_316] {strides = array<i32>} : memref<64x128xf32, #tpu.memory_space<vmem>>, vector<1x16xf32>,
        %get3A_318 = vector.shape_cast %get3A_317 : vector<1x16xf32> to vector<16xf32>
        %mul3A_319 = arith.mulf %mul3A_314, %get3A_318 : vector<16xf32>
        %add3A_320 = arith.addf %add3A_305, %mul3A_319 : vector<16xf32>
        %get3A_321 = arith.index_cast %mul3A_217 : i32 to index
        %get3A_322 = arith.constant 112 : index
        %get3A_323 = tpu.vector_load %arg16[%get3A_321, %get3A_322] {strides = array<i32>} : memref<64x128xf32, #tpu.memory_space<vmem>>, vector<1x16xf32>,
        %get3A_324 = vector.shape_cast %get3A_323 : vector<1x16xf32> to vector<16xf32>
        %get3A_325 = arith.index_cast %mul3A_217 : i32 to index
        %get3A_326 = arith.constant 112 : index
        %get3A_327 = tpu.vector_load %arg17[%get3A_325, %get3A_326] {strides = array<i32>} : memref<64x128xf32, #tpu.memory_space<vmem>>, vector<1x16xf32>,
        %get3A_328 = vector.shape_cast %get3A_327 : vector<1x16xf32> to vector<16xf32>
        %mul3A_329 = arith.mulf %get3A_324, %get3A_328 : vector<16xf32>
        %get3A_330 = arith.index_cast %mul3A_217 : i32 to index
        %get3A_331 = arith.constant 112 : index
        %get3A_332 = tpu.vector_load %arg18[%get3A_330, %get3A_331] {strides = array<i32>} : memref<64x128xf32, #tpu.memory_space<vmem>>, vector<1x16xf32>,
        %get3A_333 = vector.shape_cast %get3A_332 : vector<1x16xf32> to vector<16xf32>
        %mul3A_334 = arith.mulf %mul3A_329, %get3A_333 : vector<16xf32>
        %add3A_335 = arith.addf %add3A_320, %mul3A_334 : vector<16xf32>
        %add3A_336 = arith.constant 1 : i32
        %add3A_337 = arith.addi %mul3A_217, %add3A_336 : i32
        %get3A_338 = arith.index_cast %add3A_337 : i32 to index
        %get3A_339 = arith.constant 0 : index
        %get3A_340 = tpu.vector_load %arg16[%get3A_338, %get3A_339] {strides = array<i32>} : memref<64x128xf32, #tpu.memory_space<vmem>>, vector<1x16xf32>,
        %get3A_341 = vector.shape_cast %get3A_340 : vector<1x16xf32> to vector<16xf32>
        %get3A_342 = arith.index_cast %add3A_337 : i32 to index
        %get3A_343 = arith.constant 0 : index
        %get3A_344 = tpu.vector_load %arg17[%get3A_342, %get3A_343] {strides = array<i32>} : memref<64x128xf32, #tpu.memory_space<vmem>>, vector<1x16xf32>,
        %get3A_345 = vector.shape_cast %get3A_344 : vector<1x16xf32> to vector<16xf32>
        %mul3A_346 = arith.mulf %get3A_341, %get3A_345 : vector<16xf32>
        %get3A_347 = arith.index_cast %add3A_337 : i32 to index
        %get3A_348 = arith.constant 0 : index
        %get3A_349 = tpu.vector_load %arg18[%get3A_347, %get3A_348] {strides = array<i32>} : memref<64x128xf32, #tpu.memory_space<vmem>>, vector<1x16xf32>,
        %get3A_350 = vector.shape_cast %get3A_349 : vector<1x16xf32> to vector<16xf32>
        %mul3A_351 = arith.mulf %mul3A_346, %get3A_350 : vector<16xf32>
        %get3A_352 = arith.index_cast %add3A_337 : i32 to index
        %get3A_353 = arith.constant 16 : index
        %get3A_354 = tpu.vector_load %arg16[%get3A_352, %get3A_353] {strides = array<i32>} : memref<64x128xf32, #tpu.memory_space<vmem>>, vector<1x16xf32>,
        %get3A_355 = vector.shape_cast %get3A_354 : vector<1x16xf32> to vector<16xf32>
        %get3A_356 = arith.index_cast %add3A_337 : i32 to index
        %get3A_357 = arith.constant 16 : index
        %get3A_358 = tpu.vector_load %arg17[%get3A_356, %get3A_357] {strides = array<i32>} : memref<64x128xf32, #tpu.memory_space<vmem>>, vector<1x16xf32>,
        %get3A_359 = vector.shape_cast %get3A_358 : vector<1x16xf32> to vector<16xf32>
        %mul3A_360 = arith.mulf %get3A_355, %get3A_359 : vector<16xf32>
        %get3A_361 = arith.index_cast %add3A_337 : i32 to index
        %get3A_362 = arith.constant 16 : index
        %get3A_363 = tpu.vector_load %arg18[%get3A_361, %get3A_362] {strides = array<i32>} : memref<64x128xf32, #tpu.memory_space<vmem>>, vector<1x16xf32>,
        %get3A_364 = vector.shape_cast %get3A_363 : vector<1x16xf32> to vector<16xf32>
        %mul3A_365 = arith.mulf %mul3A_360, %get3A_364 : vector<16xf32>
        %add3A_366 = arith.addf %mul3A_351, %mul3A_365 : vector<16xf32>
        %get3A_367 = arith.index_cast %add3A_337 : i32 to index
        %get3A_368 = arith.constant 32 : index
        %get3A_369 = tpu.vector_load %arg16[%get3A_367, %get3A_368] {strides = array<i32>} : memref<64x128xf32, #tpu.memory_space<vmem>>, vector<1x16xf32>,
        %get3A_370 = vector.shape_cast %get3A_369 : vector<1x16xf32> to vector<16xf32>
        %get3A_371 = arith.index_cast %add3A_337 : i32 to index
        %get3A_372 = arith.constant 32 : index
        %get3A_373 = tpu.vector_load %arg17[%get3A_371, %get3A_372] {strides = array<i32>} : memref<64x128xf32, #tpu.memory_space<vmem>>, vector<1x16xf32>,
        %get3A_374 = vector.shape_cast %get3A_373 : vector<1x16xf32> to vector<16xf32>
        %mul3A_375 = arith.mulf %get3A_370, %get3A_374 : vector<16xf32>
        %get3A_376 = arith.index_cast %add3A_337 : i32 to index
        %get3A_377 = arith.constant 32 : index
        %get3A_378 = tpu.vector_load %arg18[%get3A_376, %get3A_377] {strides = array<i32>} : memref<64x128xf32, #tpu.memory_space<vmem>>, vector<1x16xf32>,
        %get3A_379 = vector.shape_cast %get3A_378 : vector<1x16xf32> to vector<16xf32>
        %mul3A_380 = arith.mulf %mul3A_375, %get3A_379 : vector<16xf32>
        %add3A_381 = arith.addf %add3A_366, %mul3A_380 : vector<16xf32>
        %get3A_382 = arith.index_cast %add3A_337 : i32 to index
        %get3A_383 = arith.constant 48 : index
        %get3A_384 = tpu.vector_load %arg16[%get3A_382, %get3A_383] {strides = array<i32>} : memref<64x128xf32, #tpu.memory_space<vmem>>, vector<1x16xf32>,
        %get3A_385 = vector.shape_cast %get3A_384 : vector<1x16xf32> to vector<16xf32>
        %get3A_386 = arith.index_cast %add3A_337 : i32 to index
        %get3A_387 = arith.constant 48 : index
        %get3A_388 = tpu.vector_load %arg17[%get3A_386, %get3A_387] {strides = array<i32>} : memref<64x128xf32, #tpu.memory_space<vmem>>, vector<1x16xf32>,
        %get3A_389 = vector.shape_cast %get3A_388 : vector<1x16xf32> to vector<16xf32>
        %mul3A_390 = arith.mulf %get3A_385, %get3A_389 : vector<16xf32>
        %get3A_391 = arith.index_cast %add3A_337 : i32 to index
        %get3A_392 = arith.constant 48 : index
        %get3A_393 = tpu.vector_load %arg18[%get3A_391, %get3A_392] {strides = array<i32>} : memref<64x128xf32, #tpu.memory_space<vmem>>, vector<1x16xf32>,
        %get3A_394 = vector.shape_cast %get3A_393 : vector<1x16xf32> to vector<16xf32>
        %mul3A_395 = arith.mulf %mul3A_390, %get3A_394 : vector<16xf32>
        %add3A_396 = arith.addf %add3A_381, %mul3A_395 : vector<16xf32>
        %get3A_397 = arith.index_cast %add3A_337 : i32 to index
        %get3A_398 = arith.constant 64 : index
        %get3A_399 = tpu.vector_load %arg16[%get3A_397, %get3A_398] {strides = array<i32>} : memref<64x128xf32, #tpu.memory_space<vmem>>, vector<1x16xf32>,
        %get3A_400 = vector.shape_cast %get3A_399 : vector<1x16xf32> to vector<16xf32>
        %get3A_401 = arith.index_cast %add3A_337 : i32 to index
        %get3A_402 = arith.constant 64 : index
        %get3A_403 = tpu.vector_load %arg17[%get3A_401, %get3A_402] {strides = array<i32>} : memref<64x128xf32, #tpu.memory_space<vmem>>, vector<1x16xf32>,
        %get3A_404 = vector.shape_cast %get3A_403 : vector<1x16xf32> to vector<16xf32>
        %mul3A_405 = arith.mulf %get3A_400, %get3A_404 : vector<16xf32>
        %get3A_406 = arith.index_cast %add3A_337 : i32 to index
        %get3A_407 = arith.constant 64 : index
        %get3A_408 = tpu.vector_load %arg18[%get3A_406, %get3A_407] {strides = array<i32>} : memref<64x128xf32, #tpu.memory_space<vmem>>, vector<1x16xf32>,
        %get3A_409 = vector.shape_cast %get3A_408 : vector<1x16xf32> to vector<16xf32>
        %mul3A_410 = arith.mulf %mul3A_405, %get3A_409 : vector<16xf32>
        %add3A_411 = arith.addf %add3A_396, %mul3A_410 : vector<16xf32>
        %get3A_412 = arith.index_cast %add3A_337 : i32 to index
        %get3A_413 = arith.constant 80 : index
        %get3A_414 = tpu.vector_load %arg16[%get3A_412, %get3A_413] {strides = array<i32>} : memref<64x128xf32, #tpu.memory_space<vmem>>, vector<1x16xf32>,
        %get3A_415 = vector.shape_cast %get3A_414 : vector<1x16xf32> to vector<16xf32>
        %get3A_416 = arith.index_cast %add3A_337 : i32 to index
        %get3A_417 = arith.constant 80 : index
        %get3A_418 = tpu.vector_load %arg17[%get3A_416, %get3A_417] {strides = array<i32>} : memref<64x128xf32, #tpu.memory_space<vmem>>, vector<1x16xf32>,
        %get3A_419 = vector.shape_cast %get3A_418 : vector<1x16xf32> to vector<16xf32>
        %mul3A_420 = arith.mulf %get3A_415, %get3A_419 : vector<16xf32>
        %get3A_421 = arith.index_cast %add3A_337 : i32 to index
        %get3A_422 = arith.constant 80 : index
        %get3A_423 = tpu.vector_load %arg18[%get3A_421, %get3A_422] {strides = array<i32>} : memref<64x128xf32, #tpu.memory_space<vmem>>, vector<1x16xf32>,
        %get3A_424 = vector.shape_cast %get3A_423 : vector<1x16xf32> to vector<16xf32>
        %mul3A_425 = arith.mulf %mul3A_420, %get3A_424 : vector<16xf32>
        %add3A_426 = arith.addf %add3A_411, %mul3A_425 : vector<16xf32>
        %get3A_427 = arith.index_cast %add3A_337 : i32 to index
        %get3A_428 = arith.constant 96 : index
        %get3A_429 = tpu.vector_load %arg16[%get3A_427, %get3A_428] {strides = array<i32>} : memref<64x128xf32, #tpu.memory_space<vmem>>, vector<1x16xf32>,
        %get3A_430 = vector.shape_cast %get3A_429 : vector<1x16xf32> to vector<16xf32>
        %get3A_431 = arith.index_cast %add3A_337 : i32 to index
        %get3A_432 = arith.constant 96 : index
        %get3A_433 = tpu.vector_load %arg17[%get3A_431, %get3A_432] {strides = array<i32>} : memref<64x128xf32, #tpu.memory_space<vmem>>, vector<1x16xf32>,
        %get3A_434 = vector.shape_cast %get3A_433 : vector<1x16xf32> to vector<16xf32>
        %mul3A_435 = arith.mulf %get3A_430, %get3A_434 : vector<16xf32>
        %get3A_436 = arith.index_cast %add3A_337 : i32 to index
        %get3A_437 = arith.constant 96 : index
        %get3A_438 = tpu.vector_load %arg18[%get3A_436, %get3A_437] {strides = array<i32>} : memref<64x128xf32, #tpu.memory_space<vmem>>, vector<1x16xf32>,
        %get3A_439 = vector.shape_cast %get3A_438 : vector<1x16xf32> to vector<16xf32>
        %mul3A_440 = arith.mulf %mul3A_435, %get3A_439 : vector<16xf32>
        %add3A_441 = arith.addf %add3A_426, %mul3A_440 : vector<16xf32>
        %get3A_442 = arith.index_cast %add3A_337 : i32 to index
        %get3A_443 = arith.constant 112 : index
        %get3A_444 = tpu.vector_load %arg16[%get3A_442, %get3A_443] {strides = array<i32>} : memref<64x128xf32, #tpu.memory_space<vmem>>, vector<1x16xf32>,
        %get3A_445 = vector.shape_cast %get3A_444 : vector<1x16xf32> to vector<16xf32>
        %get3A_446 = arith.index_cast %add3A_337 : i32 to index
        %get3A_447 = arith.constant 112 : index
        %get3A_448 = tpu.vector_load %arg17[%get3A_446, %get3A_447] {strides = array<i32>} : memref<64x128xf32, #tpu.memory_space<vmem>>, vector<1x16xf32>,
        %get3A_449 = vector.shape_cast %get3A_448 : vector<1x16xf32> to vector<16xf32>
        %mul3A_450 = arith.mulf %get3A_445, %get3A_449 : vector<16xf32>
        %get3A_451 = arith.index_cast %add3A_337 : i32 to index
        %get3A_452 = arith.constant 112 : index
        %get3A_453 = tpu.vector_load %arg18[%get3A_451, %get3A_452] {strides = array<i32>} : memref<64x128xf32, #tpu.memory_space<vmem>>, vector<1x16xf32>,
        %get3A_454 = vector.shape_cast %get3A_453 : vector<1x16xf32> to vector<16xf32>
        %mul3A_455 = arith.mulf %mul3A_450, %get3A_454 : vector<16xf32>
        %add3A_456 = arith.addf %add3A_441, %mul3A_455 : vector<16xf32>
        %add3A_457 = arith.constant 2 : i32
        %add3A_458 = arith.addi %mul3A_217, %add3A_457 : i32
        %get3A_459 = arith.index_cast %add3A_458 : i32 to index
        %get3A_460 = arith.constant 0 : index
        %get3A_461 = tpu.vector_load %arg16[%get3A_459, %get3A_460] {strides = array<i32>} : memref<64x128xf32, #tpu.memory_space<vmem>>, vector<1x16xf32>,
        %get3A_462 = vector.shape_cast %get3A_461 : vector<1x16xf32> to vector<16xf32>
        %get3A_463 = arith.index_cast %add3A_458 : i32 to index
        %get3A_464 = arith.constant 0 : index
        %get3A_465 = tpu.vector_load %arg17[%get3A_463, %get3A_464] {strides = array<i32>} : memref<64x128xf32, #tpu.memory_space<vmem>>, vector<1x16xf32>,
        %get3A_466 = vector.shape_cast %get3A_465 : vector<1x16xf32> to vector<16xf32>
        %mul3A_467 = arith.mulf %get3A_462, %get3A_466 : vector<16xf32>
        %get3A_468 = arith.index_cast %add3A_458 : i32 to index
        %get3A_469 = arith.constant 0 : index
        %get3A_470 = tpu.vector_load %arg18[%get3A_468, %get3A_469] {strides = array<i32>} : memref<64x128xf32, #tpu.memory_space<vmem>>, vector<1x16xf32>,
        %get3A_471 = vector.shape_cast %get3A_470 : vector<1x16xf32> to vector<16xf32>
        %mul3A_472 = arith.mulf %mul3A_467, %get3A_471 : vector<16xf32>
        %get3A_473 = arith.index_cast %add3A_458 : i32 to index
        %get3A_474 = arith.constant 16 : index
        %get3A_475 = tpu.vector_load %arg16[%get3A_473, %get3A_474] {strides = array<i32>} : memref<64x128xf32, #tpu.memory_space<vmem>>, vector<1x16xf32>,
        %get3A_476 = vector.shape_cast %get3A_475 : vector<1x16xf32> to vector<16xf32>
        %get3A_477 = arith.index_cast %add3A_458 : i32 to index
        %get3A_478 = arith.constant 16 : index
        %get3A_479 = tpu.vector_load %arg17[%get3A_477, %get3A_478] {strides = array<i32>} : memref<64x128xf32, #tpu.memory_space<vmem>>, vector<1x16xf32>,
        %get3A_480 = vector.shape_cast %get3A_479 : vector<1x16xf32> to vector<16xf32>
        %mul3A_481 = arith.mulf %get3A_476, %get3A_480 : vector<16xf32>
        %get3A_482 = arith.index_cast %add3A_458 : i32 to index
        %get3A_483 = arith.constant 16 : index
        %get3A_484 = tpu.vector_load %arg18[%get3A_482, %get3A_483] {strides = array<i32>} : memref<64x128xf32, #tpu.memory_space<vmem>>, vector<1x16xf32>,
        %get3A_485 = vector.shape_cast %get3A_484 : vector<1x16xf32> to vector<16xf32>
        %mul3A_486 = arith.mulf %mul3A_481, %get3A_485 : vector<16xf32>
        %add3A_487 = arith.addf %mul3A_472, %mul3A_486 : vector<16xf32>
        %get3A_488 = arith.index_cast %add3A_458 : i32 to index
        %get3A_489 = arith.constant 32 : index
        %get3A_490 = tpu.vector_load %arg16[%get3A_488, %get3A_489] {strides = array<i32>} : memref<64x128xf32, #tpu.memory_space<vmem>>, vector<1x16xf32>,
        %get3A_491 = vector.shape_cast %get3A_490 : vector<1x16xf32> to vector<16xf32>
        %get3A_492 = arith.index_cast %add3A_458 : i32 to index
        %get3A_493 = arith.constant 32 : index
        %get3A_494 = tpu.vector_load %arg17[%get3A_492, %get3A_493] {strides = array<i32>} : memref<64x128xf32, #tpu.memory_space<vmem>>, vector<1x16xf32>,
        %get3A_495 = vector.shape_cast %get3A_494 : vector<1x16xf32> to vector<16xf32>
        %mul3A_496 = arith.mulf %get3A_491, %get3A_495 : vector<16xf32>
        %get3A_497 = arith.index_cast %add3A_458 : i32 to index
        %get3A_498 = arith.constant 32 : index
        %get3A_499 = tpu.vector_load %arg18[%get3A_497, %get3A_498] {strides = array<i32>} : memref<64x128xf32, #tpu.memory_space<vmem>>, vector<1x16xf32>,
        %get3A_500 = vector.shape_cast %get3A_499 : vector<1x16xf32> to vector<16xf32>
        %mul3A_501 = arith.mulf %mul3A_496, %get3A_500 : vector<16xf32>
        %add3A_502 = arith.addf %add3A_487, %mul3A_501 : vector<16xf32>
        %get3A_503 = arith.index_cast %add3A_458 : i32 to index
        %get3A_504 = arith.constant 48 : index
        %get3A_505 = tpu.vector_load %arg16[%get3A_503, %get3A_504] {strides = array<i32>} : memref<64x128xf32, #tpu.memory_space<vmem>>, vector<1x16xf32>,
        %get3A_506 = vector.shape_cast %get3A_505 : vector<1x16xf32> to vector<16xf32>
        %get3A_507 = arith.index_cast %add3A_458 : i32 to index
        %get3A_508 = arith.constant 48 : index
        %get3A_509 = tpu.vector_load %arg17[%get3A_507, %get3A_508] {strides = array<i32>} : memref<64x128xf32, #tpu.memory_space<vmem>>, vector<1x16xf32>,
        %get3A_510 = vector.shape_cast %get3A_509 : vector<1x16xf32> to vector<16xf32>
        %mul3A_511 = arith.mulf %get3A_506, %get3A_510 : vector<16xf32>
        %get3A_512 = arith.index_cast %add3A_458 : i32 to index
        %get3A_513 = arith.constant 48 : index
        %get3A_514 = tpu.vector_load %arg18[%get3A_512, %get3A_513] {strides = array<i32>} : memref<64x128xf32, #tpu.memory_space<vmem>>, vector<1x16xf32>,
        %get3A_515 = vector.shape_cast %get3A_514 : vector<1x16xf32> to vector<16xf32>
        %mul3A_516 = arith.mulf %mul3A_511, %get3A_515 : vector<16xf32>
        %add3A_517 = arith.addf %add3A_502, %mul3A_516 : vector<16xf32>
        %get3A_518 = arith.index_cast %add3A_458 : i32 to index
        %get3A_519 = arith.constant 64 : index
        %get3A_520 = tpu.vector_load %arg16[%get3A_518, %get3A_519] {strides = array<i32>} : memref<64x128xf32, #tpu.memory_space<vmem>>, vector<1x16xf32>,
        %get3A_521 = vector.shape_cast %get3A_520 : vector<1x16xf32> to vector<16xf32>
        %get3A_522 = arith.index_cast %add3A_458 : i32 to index
        %get3A_523 = arith.constant 64 : index
        %get3A_524 = tpu.vector_load %arg17[%get3A_522, %get3A_523] {strides = array<i32>} : memref<64x128xf32, #tpu.memory_space<vmem>>, vector<1x16xf32>,
        %get3A_525 = vector.shape_cast %get3A_524 : vector<1x16xf32> to vector<16xf32>
        %mul3A_526 = arith.mulf %get3A_521, %get3A_525 : vector<16xf32>
        %get3A_527 = arith.index_cast %add3A_458 : i32 to index
        %get3A_528 = arith.constant 64 : index
        %get3A_529 = tpu.vector_load %arg18[%get3A_527, %get3A_528] {strides = array<i32>} : memref<64x128xf32, #tpu.memory_space<vmem>>, vector<1x16xf32>,
        %get3A_530 = vector.shape_cast %get3A_529 : vector<1x16xf32> to vector<16xf32>
        %mul3A_531 = arith.mulf %mul3A_526, %get3A_530 : vector<16xf32>
        %add3A_532 = arith.addf %add3A_517, %mul3A_531 : vector<16xf32>
        %get3A_533 = arith.index_cast %add3A_458 : i32 to index
        %get3A_534 = arith.constant 80 : index
        %get3A_535 = tpu.vector_load %arg16[%get3A_533, %get3A_534] {strides = array<i32>} : memref<64x128xf32, #tpu.memory_space<vmem>>, vector<1x16xf32>,
        %get3A_536 = vector.shape_cast %get3A_535 : vector<1x16xf32> to vector<16xf32>
        %get3A_537 = arith.index_cast %add3A_458 : i32 to index
        %get3A_538 = arith.constant 80 : index
        %get3A_539 = tpu.vector_load %arg17[%get3A_537, %get3A_538] {strides = array<i32>} : memref<64x128xf32, #tpu.memory_space<vmem>>, vector<1x16xf32>,
        %get3A_540 = vector.shape_cast %get3A_539 : vector<1x16xf32> to vector<16xf32>
        %mul3A_541 = arith.mulf %get3A_536, %get3A_540 : vector<16xf32>
        %get3A_542 = arith.index_cast %add3A_458 : i32 to index
        %get3A_543 = arith.constant 80 : index
        %get3A_544 = tpu.vector_load %arg18[%get3A_542, %get3A_543] {strides = array<i32>} : memref<64x128xf32, #tpu.memory_space<vmem>>, vector<1x16xf32>,
        %get3A_545 = vector.shape_cast %get3A_544 : vector<1x16xf32> to vector<16xf32>
        %mul3A_546 = arith.mulf %mul3A_541, %get3A_545 : vector<16xf32>
        %add3A_547 = arith.addf %add3A_532, %mul3A_546 : vector<16xf32>
        %get3A_548 = arith.index_cast %add3A_458 : i32 to index
        %get3A_549 = arith.constant 96 : index
        %get3A_550 = tpu.vector_load %arg16[%get3A_548, %get3A_549] {strides = array<i32>} : memref<64x128xf32, #tpu.memory_space<vmem>>, vector<1x16xf32>,
        %get3A_551 = vector.shape_cast %get3A_550 : vector<1x16xf32> to vector<16xf32>
        %get3A_552 = arith.index_cast %add3A_458 : i32 to index
        %get3A_553 = arith.constant 96 : index
        %get3A_554 = tpu.vector_load %arg17[%get3A_552, %get3A_553] {strides = array<i32>} : memref<64x128xf32, #tpu.memory_space<vmem>>, vector<1x16xf32>,
        %get3A_555 = vector.shape_cast %get3A_554 : vector<1x16xf32> to vector<16xf32>
        %mul3A_556 = arith.mulf %get3A_551, %get3A_555 : vector<16xf32>
        %get3A_557 = arith.index_cast %add3A_458 : i32 to index
        %get3A_558 = arith.constant 96 : index
        %get3A_559 = tpu.vector_load %arg18[%get3A_557, %get3A_558] {strides = array<i32>} : memref<64x128xf32, #tpu.memory_space<vmem>>, vector<1x16xf32>,
        %get3A_560 = vector.shape_cast %get3A_559 : vector<1x16xf32> to vector<16xf32>
        %mul3A_561 = arith.mulf %mul3A_556, %get3A_560 : vector<16xf32>
        %add3A_562 = arith.addf %add3A_547, %mul3A_561 : vector<16xf32>
        %get3A_563 = arith.index_cast %add3A_458 : i32 to index
        %get3A_564 = arith.constant 112 : index
        %get3A_565 = tpu.vector_load %arg16[%get3A_563, %get3A_564] {strides = array<i32>} : memref<64x128xf32, #tpu.memory_space<vmem>>, vector<1x16xf32>,
        %get3A_566 = vector.shape_cast %get3A_565 : vector<1x16xf32> to vector<16xf32>
        %get3A_567 = arith.index_cast %add3A_458 : i32 to index
        %get3A_568 = arith.constant 112 : index
        %get3A_569 = tpu.vector_load %arg17[%get3A_567, %get3A_568] {strides = array<i32>} : memref<64x128xf32, #tpu.memory_space<vmem>>, vector<1x16xf32>,
        %get3A_570 = vector.shape_cast %get3A_569 : vector<1x16xf32> to vector<16xf32>
        %mul3A_571 = arith.mulf %get3A_566, %get3A_570 : vector<16xf32>
        %get3A_572 = arith.index_cast %add3A_458 : i32 to index
        %get3A_573 = arith.constant 112 : index
        %get3A_574 = tpu.vector_load %arg18[%get3A_572, %get3A_573] {strides = array<i32>} : memref<64x128xf32, #tpu.memory_space<vmem>>, vector<1x16xf32>,
        %get3A_575 = vector.shape_cast %get3A_574 : vector<1x16xf32> to vector<16xf32>
        %mul3A_576 = arith.mulf %mul3A_571, %get3A_575 : vector<16xf32>
        %add3A_577 = arith.addf %add3A_562, %mul3A_576 : vector<16xf32>
        %add3A_578 = arith.constant 3 : i32
        %add3A_579 = arith.addi %mul3A_217, %add3A_578 : i32
        %get3A_580 = arith.index_cast %add3A_579 : i32 to index
        %get3A_581 = arith.constant 0 : index
        %get3A_582 = tpu.vector_load %arg16[%get3A_580, %get3A_581] {strides = array<i32>} : memref<64x128xf32, #tpu.memory_space<vmem>>, vector<1x16xf32>,
        %get3A_583 = vector.shape_cast %get3A_582 : vector<1x16xf32> to vector<16xf32>
        %get3A_584 = arith.index_cast %add3A_579 : i32 to index
        %get3A_585 = arith.constant 0 : index
        %get3A_586 = tpu.vector_load %arg17[%get3A_584, %get3A_585] {strides = array<i32>} : memref<64x128xf32, #tpu.memory_space<vmem>>, vector<1x16xf32>,
        %get3A_587 = vector.shape_cast %get3A_586 : vector<1x16xf32> to vector<16xf32>
        %mul3A_588 = arith.mulf %get3A_583, %get3A_587 : vector<16xf32>
        %get3A_589 = arith.index_cast %add3A_579 : i32 to index
        %get3A_590 = arith.constant 0 : index
        %get3A_591 = tpu.vector_load %arg18[%get3A_589, %get3A_590] {strides = array<i32>} : memref<64x128xf32, #tpu.memory_space<vmem>>, vector<1x16xf32>,
        %get3A_592 = vector.shape_cast %get3A_591 : vector<1x16xf32> to vector<16xf32>
        %mul3A_593 = arith.mulf %mul3A_588, %get3A_592 : vector<16xf32>
        %get3A_594 = arith.index_cast %add3A_579 : i32 to index
        %get3A_595 = arith.constant 16 : index
        %get3A_596 = tpu.vector_load %arg16[%get3A_594, %get3A_595] {strides = array<i32>} : memref<64x128xf32, #tpu.memory_space<vmem>>, vector<1x16xf32>,
        %get3A_597 = vector.shape_cast %get3A_596 : vector<1x16xf32> to vector<16xf32>
        %get3A_598 = arith.index_cast %add3A_579 : i32 to index
        %get3A_599 = arith.constant 16 : index
        %get3A_600 = tpu.vector_load %arg17[%get3A_598, %get3A_599] {strides = array<i32>} : memref<64x128xf32, #tpu.memory_space<vmem>>, vector<1x16xf32>,
        %get3A_601 = vector.shape_cast %get3A_600 : vector<1x16xf32> to vector<16xf32>
        %mul3A_602 = arith.mulf %get3A_597, %get3A_601 : vector<16xf32>
        %get3A_603 = arith.index_cast %add3A_579 : i32 to index
        %get3A_604 = arith.constant 16 : index
        %get3A_605 = tpu.vector_load %arg18[%get3A_603, %get3A_604] {strides = array<i32>} : memref<64x128xf32, #tpu.memory_space<vmem>>, vector<1x16xf32>,
        %get3A_606 = vector.shape_cast %get3A_605 : vector<1x16xf32> to vector<16xf32>
        %mul3A_607 = arith.mulf %mul3A_602, %get3A_606 : vector<16xf32>
        %add3A_608 = arith.addf %mul3A_593, %mul3A_607 : vector<16xf32>
        %get3A_609 = arith.index_cast %add3A_579 : i32 to index
        %get3A_610 = arith.constant 32 : index
        %get3A_611 = tpu.vector_load %arg16[%get3A_609, %get3A_610] {strides = array<i32>} : memref<64x128xf32, #tpu.memory_space<vmem>>, vector<1x16xf32>,
        %get3A_612 = vector.shape_cast %get3A_611 : vector<1x16xf32> to vector<16xf32>
        %get3A_613 = arith.index_cast %add3A_579 : i32 to index
        %get3A_614 = arith.constant 32 : index
        %get3A_615 = tpu.vector_load %arg17[%get3A_613, %get3A_614] {strides = array<i32>} : memref<64x128xf32, #tpu.memory_space<vmem>>, vector<1x16xf32>,
        %get3A_616 = vector.shape_cast %get3A_615 : vector<1x16xf32> to vector<16xf32>
        %mul3A_617 = arith.mulf %get3A_612, %get3A_616 : vector<16xf32>
        %get3A_618 = arith.index_cast %add3A_579 : i32 to index
        %get3A_619 = arith.constant 32 : index
        %get3A_620 = tpu.vector_load %arg18[%get3A_618, %get3A_619] {strides = array<i32>} : memref<64x128xf32, #tpu.memory_space<vmem>>, vector<1x16xf32>,
        %get3A_621 = vector.shape_cast %get3A_620 : vector<1x16xf32> to vector<16xf32>
        %mul3A_622 = arith.mulf %mul3A_617, %get3A_621 : vector<16xf32>
        %add3A_623 = arith.addf %add3A_608, %mul3A_622 : vector<16xf32>
        %get3A_624 = arith.index_cast %add3A_579 : i32 to index
        %get3A_625 = arith.constant 48 : index
        %get3A_626 = tpu.vector_load %arg16[%get3A_624, %get3A_625] {strides = array<i32>} : memref<64x128xf32, #tpu.memory_space<vmem>>, vector<1x16xf32>,
        %get3A_627 = vector.shape_cast %get3A_626 : vector<1x16xf32> to vector<16xf32>
        %get3A_628 = arith.index_cast %add3A_579 : i32 to index
        %get3A_629 = arith.constant 48 : index
        %get3A_630 = tpu.vector_load %arg17[%get3A_628, %get3A_629] {strides = array<i32>} : memref<64x128xf32, #tpu.memory_space<vmem>>, vector<1x16xf32>,
        %get3A_631 = vector.shape_cast %get3A_630 : vector<1x16xf32> to vector<16xf32>
        %mul3A_632 = arith.mulf %get3A_627, %get3A_631 : vector<16xf32>
        %get3A_633 = arith.index_cast %add3A_579 : i32 to index
        %get3A_634 = arith.constant 48 : index
        %get3A_635 = tpu.vector_load %arg18[%get3A_633, %get3A_634] {strides = array<i32>} : memref<64x128xf32, #tpu.memory_space<vmem>>, vector<1x16xf32>,
        %get3A_636 = vector.shape_cast %get3A_635 : vector<1x16xf32> to vector<16xf32>
        %mul3A_637 = arith.mulf %mul3A_632, %get3A_636 : vector<16xf32>
        %add3A_638 = arith.addf %add3A_623, %mul3A_637 : vector<16xf32>
        %get3A_639 = arith.index_cast %add3A_579 : i32 to index
        %get3A_640 = arith.constant 64 : index
        %get3A_641 = tpu.vector_load %arg16[%get3A_639, %get3A_640] {strides = array<i32>} : memref<64x128xf32, #tpu.memory_space<vmem>>, vector<1x16xf32>,
        %get3A_642 = vector.shape_cast %get3A_641 : vector<1x16xf32> to vector<16xf32>
        %get3A_643 = arith.index_cast %add3A_579 : i32 to index
        %get3A_644 = arith.constant 64 : index
        %get3A_645 = tpu.vector_load %arg17[%get3A_643, %get3A_644] {strides = array<i32>} : memref<64x128xf32, #tpu.memory_space<vmem>>, vector<1x16xf32>,
        %get3A_646 = vector.shape_cast %get3A_645 : vector<1x16xf32> to vector<16xf32>
        %mul3A_647 = arith.mulf %get3A_642, %get3A_646 : vector<16xf32>
        %get3A_648 = arith.index_cast %add3A_579 : i32 to index
        %get3A_649 = arith.constant 64 : index
        %get3A_650 = tpu.vector_load %arg18[%get3A_648, %get3A_649] {strides = array<i32>} : memref<64x128xf32, #tpu.memory_space<vmem>>, vector<1x16xf32>,
        %get3A_651 = vector.shape_cast %get3A_650 : vector<1x16xf32> to vector<16xf32>
        %mul3A_652 = arith.mulf %mul3A_647, %get3A_651 : vector<16xf32>
        %add3A_653 = arith.addf %add3A_638, %mul3A_652 : vector<16xf32>
        %get3A_654 = arith.index_cast %add3A_579 : i32 to index
        %get3A_655 = arith.constant 80 : index
        %get3A_656 = tpu.vector_load %arg16[%get3A_654, %get3A_655] {strides = array<i32>} : memref<64x128xf32, #tpu.memory_space<vmem>>, vector<1x16xf32>,
        %get3A_657 = vector.shape_cast %get3A_656 : vector<1x16xf32> to vector<16xf32>
        %get3A_658 = arith.index_cast %add3A_579 : i32 to index
        %get3A_659 = arith.constant 80 : index
        %get3A_660 = tpu.vector_load %arg17[%get3A_658, %get3A_659] {strides = array<i32>} : memref<64x128xf32, #tpu.memory_space<vmem>>, vector<1x16xf32>,
        %get3A_661 = vector.shape_cast %get3A_660 : vector<1x16xf32> to vector<16xf32>
        %mul3A_662 = arith.mulf %get3A_657, %get3A_661 : vector<16xf32>
        %get3A_663 = arith.index_cast %add3A_579 : i32 to index
        %get3A_664 = arith.constant 80 : index
        %get3A_665 = tpu.vector_load %arg18[%get3A_663, %get3A_664] {strides = array<i32>} : memref<64x128xf32, #tpu.memory_space<vmem>>, vector<1x16xf32>,
        %get3A_666 = vector.shape_cast %get3A_665 : vector<1x16xf32> to vector<16xf32>
        %mul3A_667 = arith.mulf %mul3A_662, %get3A_666 : vector<16xf32>
        %add3A_668 = arith.addf %add3A_653, %mul3A_667 : vector<16xf32>
        %get3A_669 = arith.index_cast %add3A_579 : i32 to index
        %get3A_670 = arith.constant 96 : index
        %get3A_671 = tpu.vector_load %arg16[%get3A_669, %get3A_670] {strides = array<i32>} : memref<64x128xf32, #tpu.memory_space<vmem>>, vector<1x16xf32>,
        %get3A_672 = vector.shape_cast %get3A_671 : vector<1x16xf32> to vector<16xf32>
        %get3A_673 = arith.index_cast %add3A_579 : i32 to index
        %get3A_674 = arith.constant 96 : index
        %get3A_675 = tpu.vector_load %arg17[%get3A_673, %get3A_674] {strides = array<i32>} : memref<64x128xf32, #tpu.memory_space<vmem>>, vector<1x16xf32>,
        %get3A_676 = vector.shape_cast %get3A_675 : vector<1x16xf32> to vector<16xf32>
        %mul3A_677 = arith.mulf %get3A_672, %get3A_676 : vector<16xf32>
        %get3A_678 = arith.index_cast %add3A_579 : i32 to index
        %get3A_679 = arith.constant 96 : index
        %get3A_680 = tpu.vector_load %arg18[%get3A_678, %get3A_679] {strides = array<i32>} : memref<64x128xf32, #tpu.memory_space<vmem>>, vector<1x16xf32>,
        %get3A_681 = vector.shape_cast %get3A_680 : vector<1x16xf32> to vector<16xf32>
        %mul3A_682 = arith.mulf %mul3A_677, %get3A_681 : vector<16xf32>
        %add3A_683 = arith.addf %add3A_668, %mul3A_682 : vector<16xf32>
        %get3A_684 = arith.index_cast %add3A_579 : i32 to index
        %get3A_685 = arith.constant 112 : index
        %get3A_686 = tpu.vector_load %arg16[%get3A_684, %get3A_685] {strides = array<i32>} : memref<64x128xf32, #tpu.memory_space<vmem>>, vector<1x16xf32>,
        %get3A_687 = vector.shape_cast %get3A_686 : vector<1x16xf32> to vector<16xf32>
        %get3A_688 = arith.index_cast %add3A_579 : i32 to index
        %get3A_689 = arith.constant 112 : index
        %get3A_690 = tpu.vector_load %arg17[%get3A_688, %get3A_689] {strides = array<i32>} : memref<64x128xf32, #tpu.memory_space<vmem>>, vector<1x16xf32>,
        %get3A_691 = vector.shape_cast %get3A_690 : vector<1x16xf32> to vector<16xf32>
        %mul3A_692 = arith.mulf %get3A_687, %get3A_691 : vector<16xf32>
        %get3A_693 = arith.index_cast %add3A_579 : i32 to index
        %get3A_694 = arith.constant 112 : index
        %get3A_695 = tpu.vector_load %arg18[%get3A_693, %get3A_694] {strides = array<i32>} : memref<64x128xf32, #tpu.memory_space<vmem>>, vector<1x16xf32>,
        %get3A_696 = vector.shape_cast %get3A_695 : vector<1x16xf32> to vector<16xf32>
        %mul3A_697 = arith.mulf %mul3A_692, %get3A_696 : vector<16xf32>
        %add3A_698 = arith.addf %add3A_683, %mul3A_697 : vector<16xf32>
        %and3A = arith.constant 1 : i32
        %and3A_699 = vector.broadcast %and3A : i32 to vector<16xi32>
        %and3A_700 = arith.andi %iota3A, %and3A_699 : vector<16xi32>
        %eq3A = arith.constant 0 : i32
        %eq3A_701 = vector.broadcast %eq3A : i32 to vector<16xi32>
        %eq3A_702 = arith.cmpi eq, %and3A_700, %eq3A_701 : vector<16xi32>
        %select_n3A = arith.select %eq3A_702, %add3A_335, %add3A_456 : vector<16xi1>, vector<16xf32>
        %select_n3A_703 = arith.select %eq3A_702, %add3A_456, %add3A_335 : vector<16xi1>, vector<16xf32>
        %xor3A = arith.constant 1 : i32
        %xor3A_704 = vector.broadcast %xor3A : i32 to vector<16xi32>
        %xor3A_705 = arith.xori %iota3A, %xor3A_704 : vector<16xi32>
        %reshape3A = vector.shape_cast %xor3A_705 : vector<16xi32> to vector<16x1xi32>
        %gather3A = vector.shape_cast %reshape3A : vector<16x1xi32> to vector<16xi32>
        %gather3A_706 = tpu.dynamic_gather %select_n3A_703[%gather3A] in [0] : vector<16xf32>, vector<16xi32> -> vector<16xf32>
        %add3A_707 = arith.addf %select_n3A, %gather3A_706 : vector<16xf32>
        %and3A_708 = arith.constant 1 : i32
        %and3A_709 = vector.broadcast %and3A_708 : i32 to vector<16xi32>
        %and3A_710 = arith.andi %iota3A, %and3A_709 : vector<16xi32>
        %eq3A_711 = arith.constant 0 : i32
        %eq3A_712 = vector.broadcast %eq3A_711 : i32 to vector<16xi32>
        %eq3A_713 = arith.cmpi eq, %and3A_710, %eq3A_712 : vector<16xi32>
        %select_n3A_714 = arith.select %eq3A_713, %add3A_577, %add3A_698 : vector<16xi1>, vector<16xf32>
        %select_n3A_715 = arith.select %eq3A_713, %add3A_698, %add3A_577 : vector<16xi1>, vector<16xf32>
        %xor3A_716 = arith.constant 1 : i32
        %xor3A_717 = vector.broadcast %xor3A_716 : i32 to vector<16xi32>
        %xor3A_718 = arith.xori %iota3A, %xor3A_717 : vector<16xi32>
        %reshape3A_719 = vector.shape_cast %xor3A_718 : vector<16xi32> to vector<16x1xi32>
        %gather3A_720 = vector.shape_cast %reshape3A_719 : vector<16x1xi32> to vector<16xi32>
        %gather3A_721 = tpu.dynamic_gather %select_n3A_715[%gather3A_720] in [0] : vector<16xf32>, vector<16xi32> -> vector<16xf32>
        %add3A_722 = arith.addf %select_n3A_714, %gather3A_721 : vector<16xf32>
        %and3A_723 = arith.constant 2 : i32
        %and3A_724 = vector.broadcast %and3A_723 : i32 to vector<16xi32>
        %and3A_725 = arith.andi %iota3A, %and3A_724 : vector<16xi32>
        %eq3A_726 = arith.constant 0 : i32
        %eq3A_727 = vector.broadcast %eq3A_726 : i32 to vector<16xi32>
        %eq3A_728 = arith.cmpi eq, %and3A_725, %eq3A_727 : vector<16xi32>
        %select_n3A_729 = arith.select %eq3A_728, %add3A_707, %add3A_722 : vector<16xi1>, vector<16xf32>
        %select_n3A_730 = arith.select %eq3A_728, %add3A_722, %add3A_707 : vector<16xi1>, vector<16xf32>
        %xor3A_731 = arith.constant 2 : i32
        %xor3A_732 = vector.broadcast %xor3A_731 : i32 to vector<16xi32>
        %xor3A_733 = arith.xori %iota3A, %xor3A_732 : vector<16xi32>
        %reshape3A_734 = vector.shape_cast %xor3A_733 : vector<16xi32> to vector<16x1xi32>
        %gather3A_735 = vector.shape_cast %reshape3A_734 : vector<16x1xi32> to vector<16xi32>
        %gather3A_736 = tpu.dynamic_gather %select_n3A_730[%gather3A_735] in [0] : vector<16xf32>, vector<16xi32> -> vector<16xf32>
        %add3A_737 = arith.addf %select_n3A_729, %gather3A_736 : vector<16xf32>
        %swap3A = arith.index_cast %scan3A_215 : i32 to index
        %swap3A_738 = arith.constant 0 : index
        %swap3A_739 = tpu.vector_load %arg12[%swap3A, %swap3A_738] {strides = array<i32>} : memref<16x16xf32, #tpu.memory_space<vmem>>, vector<1x16xf32>,
        %swap3A_740 = vector.shape_cast %swap3A_739 : vector<1x16xf32> to vector<16xf32>
        %swap3A_741 = vector.shape_cast %add3A_737 : vector<16xf32> to vector<1x16xf32>
        tpu.vector_store %arg12[%swap3A, %swap3A_738], %swap3A_741 {strides = array<i32>} : memref<16x16xf32, #tpu.memory_space<vmem>>, vector<1x16xf32>,
        %scan3A_742 = arith.constant 1 : i32
        %scan3A_743 = arith.addi %scan3A_215, %scan3A_742 : i32
        %mul3A_744 = arith.constant 4 : i32
        %mul3A_745 = arith.muli %scan3A_743, %mul3A_744 : i32
        %get3A_746 = arith.index_cast %mul3A_745 : i32 to index
        %get3A_747 = arith.constant 0 : index
        %get3A_748 = tpu.vector_load %arg16[%get3A_746, %get3A_747] {strides = array<i32>} : memref<64x128xf32, #tpu.memory_space<vmem>>, vector<1x16xf32>,
        %get3A_749 = vector.shape_cast %get3A_748 : vector<1x16xf32> to vector<16xf32>
        %get3A_750 = arith.index_cast %mul3A_745 : i32 to index
        %get3A_751 = arith.constant 0 : index
        %get3A_752 = tpu.vector_load %arg17[%get3A_750, %get3A_751] {strides = array<i32>} : memref<64x128xf32, #tpu.memory_space<vmem>>, vector<1x16xf32>,
        %get3A_753 = vector.shape_cast %get3A_752 : vector<1x16xf32> to vector<16xf32>
        %mul3A_754 = arith.mulf %get3A_749, %get3A_753 : vector<16xf32>
        %get3A_755 = arith.index_cast %mul3A_745 : i32 to index
        %get3A_756 = arith.constant 0 : index
        %get3A_757 = tpu.vector_load %arg18[%get3A_755, %get3A_756] {strides = array<i32>} : memref<64x128xf32, #tpu.memory_space<vmem>>, vector<1x16xf32>,
        %get3A_758 = vector.shape_cast %get3A_757 : vector<1x16xf32> to vector<16xf32>
        %mul3A_759 = arith.mulf %mul3A_754, %get3A_758 : vector<16xf32>
        %get3A_760 = arith.index_cast %mul3A_745 : i32 to index
        %get3A_761 = arith.constant 16 : index
        %get3A_762 = tpu.vector_load %arg16[%get3A_760, %get3A_761] {strides = array<i32>} : memref<64x128xf32, #tpu.memory_space<vmem>>, vector<1x16xf32>,
        %get3A_763 = vector.shape_cast %get3A_762 : vector<1x16xf32> to vector<16xf32>
        %get3A_764 = arith.index_cast %mul3A_745 : i32 to index
        %get3A_765 = arith.constant 16 : index
        %get3A_766 = tpu.vector_load %arg17[%get3A_764, %get3A_765] {strides = array<i32>} : memref<64x128xf32, #tpu.memory_space<vmem>>, vector<1x16xf32>,
        %get3A_767 = vector.shape_cast %get3A_766 : vector<1x16xf32> to vector<16xf32>
        %mul3A_768 = arith.mulf %get3A_763, %get3A_767 : vector<16xf32>
        %get3A_769 = arith.index_cast %mul3A_745 : i32 to index
        %get3A_770 = arith.constant 16 : index
        %get3A_771 = tpu.vector_load %arg18[%get3A_769, %get3A_770] {strides = array<i32>} : memref<64x128xf32, #tpu.memory_space<vmem>>, vector<1x16xf32>,
        %get3A_772 = vector.shape_cast %get3A_771 : vector<1x16xf32> to vector<16xf32>
        %mul3A_773 = arith.mulf %mul3A_768, %get3A_772 : vector<16xf32>
        %add3A_774 = arith.addf %mul3A_759, %mul3A_773 : vector<16xf32>
        %get3A_775 = arith.index_cast %mul3A_745 : i32 to index
        %get3A_776 = arith.constant 32 : index
        %get3A_777 = tpu.vector_load %arg16[%get3A_775, %get3A_776] {strides = array<i32>} : memref<64x128xf32, #tpu.memory_space<vmem>>, vector<1x16xf32>,
        %get3A_778 = vector.shape_cast %get3A_777 : vector<1x16xf32> to vector<16xf32>
        %get3A_779 = arith.index_cast %mul3A_745 : i32 to index
        %get3A_780 = arith.constant 32 : index
        %get3A_781 = tpu.vector_load %arg17[%get3A_779, %get3A_780] {strides = array<i32>} : memref<64x128xf32, #tpu.memory_space<vmem>>, vector<1x16xf32>,
        %get3A_782 = vector.shape_cast %get3A_781 : vector<1x16xf32> to vector<16xf32>
        %mul3A_783 = arith.mulf %get3A_778, %get3A_782 : vector<16xf32>
        %get3A_784 = arith.index_cast %mul3A_745 : i32 to index
        %get3A_785 = arith.constant 32 : index
        %get3A_786 = tpu.vector_load %arg18[%get3A_784, %get3A_785] {strides = array<i32>} : memref<64x128xf32, #tpu.memory_space<vmem>>, vector<1x16xf32>,
        %get3A_787 = vector.shape_cast %get3A_786 : vector<1x16xf32> to vector<16xf32>
        %mul3A_788 = arith.mulf %mul3A_783, %get3A_787 : vector<16xf32>
        %add3A_789 = arith.addf %add3A_774, %mul3A_788 : vector<16xf32>
        %get3A_790 = arith.index_cast %mul3A_745 : i32 to index
        %get3A_791 = arith.constant 48 : index
        %get3A_792 = tpu.vector_load %arg16[%get3A_790, %get3A_791] {strides = array<i32>} : memref<64x128xf32, #tpu.memory_space<vmem>>, vector<1x16xf32>,
        %get3A_793 = vector.shape_cast %get3A_792 : vector<1x16xf32> to vector<16xf32>
        %get3A_794 = arith.index_cast %mul3A_745 : i32 to index
        %get3A_795 = arith.constant 48 : index
        %get3A_796 = tpu.vector_load %arg17[%get3A_794, %get3A_795] {strides = array<i32>} : memref<64x128xf32, #tpu.memory_space<vmem>>, vector<1x16xf32>,
        %get3A_797 = vector.shape_cast %get3A_796 : vector<1x16xf32> to vector<16xf32>
        %mul3A_798 = arith.mulf %get3A_793, %get3A_797 : vector<16xf32>
        %get3A_799 = arith.index_cast %mul3A_745 : i32 to index
        %get3A_800 = arith.constant 48 : index
        %get3A_801 = tpu.vector_load %arg18[%get3A_799, %get3A_800] {strides = array<i32>} : memref<64x128xf32, #tpu.memory_space<vmem>>, vector<1x16xf32>,
        %get3A_802 = vector.shape_cast %get3A_801 : vector<1x16xf32> to vector<16xf32>
        %mul3A_803 = arith.mulf %mul3A_798, %get3A_802 : vector<16xf32>
        %add3A_804 = arith.addf %add3A_789, %mul3A_803 : vector<16xf32>
        %get3A_805 = arith.index_cast %mul3A_745 : i32 to index
        %get3A_806 = arith.constant 64 : index
        %get3A_807 = tpu.vector_load %arg16[%get3A_805, %get3A_806] {strides = array<i32>} : memref<64x128xf32, #tpu.memory_space<vmem>>, vector<1x16xf32>,
        %get3A_808 = vector.shape_cast %get3A_807 : vector<1x16xf32> to vector<16xf32>
        %get3A_809 = arith.index_cast %mul3A_745 : i32 to index
        %get3A_810 = arith.constant 64 : index
        %get3A_811 = tpu.vector_load %arg17[%get3A_809, %get3A_810] {strides = array<i32>} : memref<64x128xf32, #tpu.memory_space<vmem>>, vector<1x16xf32>,
        %get3A_812 = vector.shape_cast %get3A_811 : vector<1x16xf32> to vector<16xf32>
        %mul3A_813 = arith.mulf %get3A_808, %get3A_812 : vector<16xf32>
        %get3A_814 = arith.index_cast %mul3A_745 : i32 to index
        %get3A_815 = arith.constant 64 : index
        %get3A_816 = tpu.vector_load %arg18[%get3A_814, %get3A_815] {strides = array<i32>} : memref<64x128xf32, #tpu.memory_space<vmem>>, vector<1x16xf32>,
        %get3A_817 = vector.shape_cast %get3A_816 : vector<1x16xf32> to vector<16xf32>
        %mul3A_818 = arith.mulf %mul3A_813, %get3A_817 : vector<16xf32>
        %add3A_819 = arith.addf %add3A_804, %mul3A_818 : vector<16xf32>
        %get3A_820 = arith.index_cast %mul3A_745 : i32 to index
        %get3A_821 = arith.constant 80 : index
        %get3A_822 = tpu.vector_load %arg16[%get3A_820, %get3A_821] {strides = array<i32>} : memref<64x128xf32, #tpu.memory_space<vmem>>, vector<1x16xf32>,
        %get3A_823 = vector.shape_cast %get3A_822 : vector<1x16xf32> to vector<16xf32>
        %get3A_824 = arith.index_cast %mul3A_745 : i32 to index
        %get3A_825 = arith.constant 80 : index
        %get3A_826 = tpu.vector_load %arg17[%get3A_824, %get3A_825] {strides = array<i32>} : memref<64x128xf32, #tpu.memory_space<vmem>>, vector<1x16xf32>,
        %get3A_827 = vector.shape_cast %get3A_826 : vector<1x16xf32> to vector<16xf32>
        %mul3A_828 = arith.mulf %get3A_823, %get3A_827 : vector<16xf32>
        %get3A_829 = arith.index_cast %mul3A_745 : i32 to index
        %get3A_830 = arith.constant 80 : index
        %get3A_831 = tpu.vector_load %arg18[%get3A_829, %get3A_830] {strides = array<i32>} : memref<64x128xf32, #tpu.memory_space<vmem>>, vector<1x16xf32>,
        %get3A_832 = vector.shape_cast %get3A_831 : vector<1x16xf32> to vector<16xf32>
        %mul3A_833 = arith.mulf %mul3A_828, %get3A_832 : vector<16xf32>
        %add3A_834 = arith.addf %add3A_819, %mul3A_833 : vector<16xf32>
        %get3A_835 = arith.index_cast %mul3A_745 : i32 to index
        %get3A_836 = arith.constant 96 : index
        %get3A_837 = tpu.vector_load %arg16[%get3A_835, %get3A_836] {strides = array<i32>} : memref<64x128xf32, #tpu.memory_space<vmem>>, vector<1x16xf32>,
        %get3A_838 = vector.shape_cast %get3A_837 : vector<1x16xf32> to vector<16xf32>
        %get3A_839 = arith.index_cast %mul3A_745 : i32 to index
        %get3A_840 = arith.constant 96 : index
        %get3A_841 = tpu.vector_load %arg17[%get3A_839, %get3A_840] {strides = array<i32>} : memref<64x128xf32, #tpu.memory_space<vmem>>, vector<1x16xf32>,
        %get3A_842 = vector.shape_cast %get3A_841 : vector<1x16xf32> to vector<16xf32>
        %mul3A_843 = arith.mulf %get3A_838, %get3A_842 : vector<16xf32>
        %get3A_844 = arith.index_cast %mul3A_745 : i32 to index
        %get3A_845 = arith.constant 96 : index
        %get3A_846 = tpu.vector_load %arg18[%get3A_844, %get3A_845] {strides = array<i32>} : memref<64x128xf32, #tpu.memory_space<vmem>>, vector<1x16xf32>,
        %get3A_847 = vector.shape_cast %get3A_846 : vector<1x16xf32> to vector<16xf32>
        %mul3A_848 = arith.mulf %mul3A_843, %get3A_847 : vector<16xf32>
        %add3A_849 = arith.addf %add3A_834, %mul3A_848 : vector<16xf32>
        %get3A_850 = arith.index_cast %mul3A_745 : i32 to index
        %get3A_851 = arith.constant 112 : index
        %get3A_852 = tpu.vector_load %arg16[%get3A_850, %get3A_851] {strides = array<i32>} : memref<64x128xf32, #tpu.memory_space<vmem>>, vector<1x16xf32>,
        %get3A_853 = vector.shape_cast %get3A_852 : vector<1x16xf32> to vector<16xf32>
        %get3A_854 = arith.index_cast %mul3A_745 : i32 to index
        %get3A_855 = arith.constant 112 : index
        %get3A_856 = tpu.vector_load %arg17[%get3A_854, %get3A_855] {strides = array<i32>} : memref<64x128xf32, #tpu.memory_space<vmem>>, vector<1x16xf32>,
        %get3A_857 = vector.shape_cast %get3A_856 : vector<1x16xf32> to vector<16xf32>
        %mul3A_858 = arith.mulf %get3A_853, %get3A_857 : vector<16xf32>
        %get3A_859 = arith.index_cast %mul3A_745 : i32 to index
        %get3A_860 = arith.constant 112 : index
        %get3A_861 = tpu.vector_load %arg18[%get3A_859, %get3A_860] {strides = array<i32>} : memref<64x128xf32, #tpu.memory_space<vmem>>, vector<1x16xf32>,
        %get3A_862 = vector.shape_cast %get3A_861 : vector<1x16xf32> to vector<16xf32>
        %mul3A_863 = arith.mulf %mul3A_858, %get3A_862 : vector<16xf32>
        %add3A_864 = arith.addf %add3A_849, %mul3A_863 : vector<16xf32>
        %add3A_865 = arith.constant 1 : i32
        %add3A_866 = arith.addi %mul3A_745, %add3A_865 : i32
        %get3A_867 = arith.index_cast %add3A_866 : i32 to index
        %get3A_868 = arith.constant 0 : index
        %get3A_869 = tpu.vector_load %arg16[%get3A_867, %get3A_868] {strides = array<i32>} : memref<64x128xf32, #tpu.memory_space<vmem>>, vector<1x16xf32>,
        %get3A_870 = vector.shape_cast %get3A_869 : vector<1x16xf32> to vector<16xf32>
        %get3A_871 = arith.index_cast %add3A_866 : i32 to index
        %get3A_872 = arith.constant 0 : index
        %get3A_873 = tpu.vector_load %arg17[%get3A_871, %get3A_872] {strides = array<i32>} : memref<64x128xf32, #tpu.memory_space<vmem>>, vector<1x16xf32>,
        %get3A_874 = vector.shape_cast %get3A_873 : vector<1x16xf32> to vector<16xf32>
        %mul3A_875 = arith.mulf %get3A_870, %get3A_874 : vector<16xf32>
        %get3A_876 = arith.index_cast %add3A_866 : i32 to index
        %get3A_877 = arith.constant 0 : index
        %get3A_878 = tpu.vector_load %arg18[%get3A_876, %get3A_877] {strides = array<i32>} : memref<64x128xf32, #tpu.memory_space<vmem>>, vector<1x16xf32>,
        %get3A_879 = vector.shape_cast %get3A_878 : vector<1x16xf32> to vector<16xf32>
        %mul3A_880 = arith.mulf %mul3A_875, %get3A_879 : vector<16xf32>
        %get3A_881 = arith.index_cast %add3A_866 : i32 to index
        %get3A_882 = arith.constant 16 : index
        %get3A_883 = tpu.vector_load %arg16[%get3A_881, %get3A_882] {strides = array<i32>} : memref<64x128xf32, #tpu.memory_space<vmem>>, vector<1x16xf32>,
        %get3A_884 = vector.shape_cast %get3A_883 : vector<1x16xf32> to vector<16xf32>
        %get3A_885 = arith.index_cast %add3A_866 : i32 to index
        %get3A_886 = arith.constant 16 : index
        %get3A_887 = tpu.vector_load %arg17[%get3A_885, %get3A_886] {strides = array<i32>} : memref<64x128xf32, #tpu.memory_space<vmem>>, vector<1x16xf32>,
        %get3A_888 = vector.shape_cast %get3A_887 : vector<1x16xf32> to vector<16xf32>
        %mul3A_889 = arith.mulf %get3A_884, %get3A_888 : vector<16xf32>
        %get3A_890 = arith.index_cast %add3A_866 : i32 to index
        %get3A_891 = arith.constant 16 : index
        %get3A_892 = tpu.vector_load %arg18[%get3A_890, %get3A_891] {strides = array<i32>} : memref<64x128xf32, #tpu.memory_space<vmem>>, vector<1x16xf32>,
        %get3A_893 = vector.shape_cast %get3A_892 : vector<1x16xf32> to vector<16xf32>
        %mul3A_894 = arith.mulf %mul3A_889, %get3A_893 : vector<16xf32>
        %add3A_895 = arith.addf %mul3A_880, %mul3A_894 : vector<16xf32>
        %get3A_896 = arith.index_cast %add3A_866 : i32 to index
        %get3A_897 = arith.constant 32 : index
        %get3A_898 = tpu.vector_load %arg16[%get3A_896, %get3A_897] {strides = array<i32>} : memref<64x128xf32, #tpu.memory_space<vmem>>, vector<1x16xf32>,
        %get3A_899 = vector.shape_cast %get3A_898 : vector<1x16xf32> to vector<16xf32>
        %get3A_900 = arith.index_cast %add3A_866 : i32 to index
        %get3A_901 = arith.constant 32 : index
        %get3A_902 = tpu.vector_load %arg17[%get3A_900, %get3A_901] {strides = array<i32>} : memref<64x128xf32, #tpu.memory_space<vmem>>, vector<1x16xf32>,
        %get3A_903 = vector.shape_cast %get3A_902 : vector<1x16xf32> to vector<16xf32>
        %mul3A_904 = arith.mulf %get3A_899, %get3A_903 : vector<16xf32>
        %get3A_905 = arith.index_cast %add3A_866 : i32 to index
        %get3A_906 = arith.constant 32 : index
        %get3A_907 = tpu.vector_load %arg18[%get3A_905, %get3A_906] {strides = array<i32>} : memref<64x128xf32, #tpu.memory_space<vmem>>, vector<1x16xf32>,
        %get3A_908 = vector.shape_cast %get3A_907 : vector<1x16xf32> to vector<16xf32>
        %mul3A_909 = arith.mulf %mul3A_904, %get3A_908 : vector<16xf32>
        %add3A_910 = arith.addf %add3A_895, %mul3A_909 : vector<16xf32>
        %get3A_911 = arith.index_cast %add3A_866 : i32 to index
        %get3A_912 = arith.constant 48 : index
        %get3A_913 = tpu.vector_load %arg16[%get3A_911, %get3A_912] {strides = array<i32>} : memref<64x128xf32, #tpu.memory_space<vmem>>, vector<1x16xf32>,
        %get3A_914 = vector.shape_cast %get3A_913 : vector<1x16xf32> to vector<16xf32>
        %get3A_915 = arith.index_cast %add3A_866 : i32 to index
        %get3A_916 = arith.constant 48 : index
        %get3A_917 = tpu.vector_load %arg17[%get3A_915, %get3A_916] {strides = array<i32>} : memref<64x128xf32, #tpu.memory_space<vmem>>, vector<1x16xf32>,
        %get3A_918 = vector.shape_cast %get3A_917 : vector<1x16xf32> to vector<16xf32>
        %mul3A_919 = arith.mulf %get3A_914, %get3A_918 : vector<16xf32>
        %get3A_920 = arith.index_cast %add3A_866 : i32 to index
        %get3A_921 = arith.constant 48 : index
        %get3A_922 = tpu.vector_load %arg18[%get3A_920, %get3A_921] {strides = array<i32>} : memref<64x128xf32, #tpu.memory_space<vmem>>, vector<1x16xf32>,
        %get3A_923 = vector.shape_cast %get3A_922 : vector<1x16xf32> to vector<16xf32>
        %mul3A_924 = arith.mulf %mul3A_919, %get3A_923 : vector<16xf32>
        %add3A_925 = arith.addf %add3A_910, %mul3A_924 : vector<16xf32>
        %get3A_926 = arith.index_cast %add3A_866 : i32 to index
        %get3A_927 = arith.constant 64 : index
        %get3A_928 = tpu.vector_load %arg16[%get3A_926, %get3A_927] {strides = array<i32>} : memref<64x128xf32, #tpu.memory_space<vmem>>, vector<1x16xf32>,
        %get3A_929 = vector.shape_cast %get3A_928 : vector<1x16xf32> to vector<16xf32>
        %get3A_930 = arith.index_cast %add3A_866 : i32 to index
        %get3A_931 = arith.constant 64 : index
        %get3A_932 = tpu.vector_load %arg17[%get3A_930, %get3A_931] {strides = array<i32>} : memref<64x128xf32, #tpu.memory_space<vmem>>, vector<1x16xf32>,
        %get3A_933 = vector.shape_cast %get3A_932 : vector<1x16xf32> to vector<16xf32>
        %mul3A_934 = arith.mulf %get3A_929, %get3A_933 : vector<16xf32>
        %get3A_935 = arith.index_cast %add3A_866 : i32 to index
        %get3A_936 = arith.constant 64 : index
        %get3A_937 = tpu.vector_load %arg18[%get3A_935, %get3A_936] {strides = array<i32>} : memref<64x128xf32, #tpu.memory_space<vmem>>, vector<1x16xf32>,
        %get3A_938 = vector.shape_cast %get3A_937 : vector<1x16xf32> to vector<16xf32>
        %mul3A_939 = arith.mulf %mul3A_934, %get3A_938 : vector<16xf32>
        %add3A_940 = arith.addf %add3A_925, %mul3A_939 : vector<16xf32>
        %get3A_941 = arith.index_cast %add3A_866 : i32 to index
        %get3A_942 = arith.constant 80 : index
        %get3A_943 = tpu.vector_load %arg16[%get3A_941, %get3A_942] {strides = array<i32>} : memref<64x128xf32, #tpu.memory_space<vmem>>, vector<1x16xf32>,
        %get3A_944 = vector.shape_cast %get3A_943 : vector<1x16xf32> to vector<16xf32>
        %get3A_945 = arith.index_cast %add3A_866 : i32 to index
        %get3A_946 = arith.constant 80 : index
        %get3A_947 = tpu.vector_load %arg17[%get3A_945, %get3A_946] {strides = array<i32>} : memref<64x128xf32, #tpu.memory_space<vmem>>, vector<1x16xf32>,
        %get3A_948 = vector.shape_cast %get3A_947 : vector<1x16xf32> to vector<16xf32>
        %mul3A_949 = arith.mulf %get3A_944, %get3A_948 : vector<16xf32>
        %get3A_950 = arith.index_cast %add3A_866 : i32 to index
        %get3A_951 = arith.constant 80 : index
        %get3A_952 = tpu.vector_load %arg18[%get3A_950, %get3A_951] {strides = array<i32>} : memref<64x128xf32, #tpu.memory_space<vmem>>, vector<1x16xf32>,
        %get3A_953 = vector.shape_cast %get3A_952 : vector<1x16xf32> to vector<16xf32>
        %mul3A_954 = arith.mulf %mul3A_949, %get3A_953 : vector<16xf32>
        %add3A_955 = arith.addf %add3A_940, %mul3A_954 : vector<16xf32>
        %get3A_956 = arith.index_cast %add3A_866 : i32 to index
        %get3A_957 = arith.constant 96 : index
        %get3A_958 = tpu.vector_load %arg16[%get3A_956, %get3A_957] {strides = array<i32>} : memref<64x128xf32, #tpu.memory_space<vmem>>, vector<1x16xf32>,
        %get3A_959 = vector.shape_cast %get3A_958 : vector<1x16xf32> to vector<16xf32>
        %get3A_960 = arith.index_cast %add3A_866 : i32 to index
        %get3A_961 = arith.constant 96 : index
        %get3A_962 = tpu.vector_load %arg17[%get3A_960, %get3A_961] {strides = array<i32>} : memref<64x128xf32, #tpu.memory_space<vmem>>, vector<1x16xf32>,
        %get3A_963 = vector.shape_cast %get3A_962 : vector<1x16xf32> to vector<16xf32>
        %mul3A_964 = arith.mulf %get3A_959, %get3A_963 : vector<16xf32>
        %get3A_965 = arith.index_cast %add3A_866 : i32 to index
        %get3A_966 = arith.constant 96 : index
        %get3A_967 = tpu.vector_load %arg18[%get3A_965, %get3A_966] {strides = array<i32>} : memref<64x128xf32, #tpu.memory_space<vmem>>, vector<1x16xf32>,
        %get3A_968 = vector.shape_cast %get3A_967 : vector<1x16xf32> to vector<16xf32>
        %mul3A_969 = arith.mulf %mul3A_964, %get3A_968 : vector<16xf32>
        %add3A_970 = arith.addf %add3A_955, %mul3A_969 : vector<16xf32>
        %get3A_971 = arith.index_cast %add3A_866 : i32 to index
        %get3A_972 = arith.constant 112 : index
        %get3A_973 = tpu.vector_load %arg16[%get3A_971, %get3A_972] {strides = array<i32>} : memref<64x128xf32, #tpu.memory_space<vmem>>, vector<1x16xf32>,
        %get3A_974 = vector.shape_cast %get3A_973 : vector<1x16xf32> to vector<16xf32>
        %get3A_975 = arith.index_cast %add3A_866 : i32 to index
        %get3A_976 = arith.constant 112 : index
        %get3A_977 = tpu.vector_load %arg17[%get3A_975, %get3A_976] {strides = array<i32>} : memref<64x128xf32, #tpu.memory_space<vmem>>, vector<1x16xf32>,
        %get3A_978 = vector.shape_cast %get3A_977 : vector<1x16xf32> to vector<16xf32>
        %mul3A_979 = arith.mulf %get3A_974, %get3A_978 : vector<16xf32>
        %get3A_980 = arith.index_cast %add3A_866 : i32 to index
        %get3A_981 = arith.constant 112 : index
        %get3A_982 = tpu.vector_load %arg18[%get3A_980, %get3A_981] {strides = array<i32>} : memref<64x128xf32, #tpu.memory_space<vmem>>, vector<1x16xf32>,
        %get3A_983 = vector.shape_cast %get3A_982 : vector<1x16xf32> to vector<16xf32>
        %mul3A_984 = arith.mulf %mul3A_979, %get3A_983 : vector<16xf32>
        %add3A_985 = arith.addf %add3A_970, %mul3A_984 : vector<16xf32>
        %add3A_986 = arith.constant 2 : i32
        %add3A_987 = arith.addi %mul3A_745, %add3A_986 : i32
        %get3A_988 = arith.index_cast %add3A_987 : i32 to index
        %get3A_989 = arith.constant 0 : index
        %get3A_990 = tpu.vector_load %arg16[%get3A_988, %get3A_989] {strides = array<i32>} : memref<64x128xf32, #tpu.memory_space<vmem>>, vector<1x16xf32>,
        %get3A_991 = vector.shape_cast %get3A_990 : vector<1x16xf32> to vector<16xf32>
        %get3A_992 = arith.index_cast %add3A_987 : i32 to index
        %get3A_993 = arith.constant 0 : index
        %get3A_994 = tpu.vector_load %arg17[%get3A_992, %get3A_993] {strides = array<i32>} : memref<64x128xf32, #tpu.memory_space<vmem>>, vector<1x16xf32>,
        %get3A_995 = vector.shape_cast %get3A_994 : vector<1x16xf32> to vector<16xf32>
        %mul3A_996 = arith.mulf %get3A_991, %get3A_995 : vector<16xf32>
        %get3A_997 = arith.index_cast %add3A_987 : i32 to index
        %get3A_998 = arith.constant 0 : index
        %get3A_999 = tpu.vector_load %arg18[%get3A_997, %get3A_998] {strides = array<i32>} : memref<64x128xf32, #tpu.memory_space<vmem>>, vector<1x16xf32>,
        %get3A_1000 = vector.shape_cast %get3A_999 : vector<1x16xf32> to vector<16xf32>
        %mul3A_1001 = arith.mulf %mul3A_996, %get3A_1000 : vector<16xf32>
        %get3A_1002 = arith.index_cast %add3A_987 : i32 to index
        %get3A_1003 = arith.constant 16 : index
        %get3A_1004 = tpu.vector_load %arg16[%get3A_1002, %get3A_1003] {strides = array<i32>} : memref<64x128xf32, #tpu.memory_space<vmem>>, vector<1x16xf32>,
        %get3A_1005 = vector.shape_cast %get3A_1004 : vector<1x16xf32> to vector<16xf32>
        %get3A_1006 = arith.index_cast %add3A_987 : i32 to index
        %get3A_1007 = arith.constant 16 : index
        %get3A_1008 = tpu.vector_load %arg17[%get3A_1006, %get3A_1007] {strides = array<i32>} : memref<64x128xf32, #tpu.memory_space<vmem>>, vector<1x16xf32>,
        %get3A_1009 = vector.shape_cast %get3A_1008 : vector<1x16xf32> to vector<16xf32>
        %mul3A_1010 = arith.mulf %get3A_1005, %get3A_1009 : vector<16xf32>
        %get3A_1011 = arith.index_cast %add3A_987 : i32 to index
        %get3A_1012 = arith.constant 16 : index
        %get3A_1013 = tpu.vector_load %arg18[%get3A_1011, %get3A_1012] {strides = array<i32>} : memref<64x128xf32, #tpu.memory_space<vmem>>, vector<1x16xf32>,
        %get3A_1014 = vector.shape_cast %get3A_1013 : vector<1x16xf32> to vector<16xf32>
        %mul3A_1015 = arith.mulf %mul3A_1010, %get3A_1014 : vector<16xf32>
        %add3A_1016 = arith.addf %mul3A_1001, %mul3A_1015 : vector<16xf32>
        %get3A_1017 = arith.index_cast %add3A_987 : i32 to index
        %get3A_1018 = arith.constant 32 : index
        %get3A_1019 = tpu.vector_load %arg16[%get3A_1017, %get3A_1018] {strides = array<i32>} : memref<64x128xf32, #tpu.memory_space<vmem>>, vector<1x16xf32>,
        %get3A_1020 = vector.shape_cast %get3A_1019 : vector<1x16xf32> to vector<16xf32>
        %get3A_1021 = arith.index_cast %add3A_987 : i32 to index
        %get3A_1022 = arith.constant 32 : index
        %get3A_1023 = tpu.vector_load %arg17[%get3A_1021, %get3A_1022] {strides = array<i32>} : memref<64x128xf32, #tpu.memory_space<vmem>>, vector<1x16xf32>,
        %get3A_1024 = vector.shape_cast %get3A_1023 : vector<1x16xf32> to vector<16xf32>
        %mul3A_1025 = arith.mulf %get3A_1020, %get3A_1024 : vector<16xf32>
        %get3A_1026 = arith.index_cast %add3A_987 : i32 to index
        %get3A_1027 = arith.constant 32 : index
        %get3A_1028 = tpu.vector_load %arg18[%get3A_1026, %get3A_1027] {strides = array<i32>} : memref<64x128xf32, #tpu.memory_space<vmem>>, vector<1x16xf32>,
        %get3A_1029 = vector.shape_cast %get3A_1028 : vector<1x16xf32> to vector<16xf32>
        %mul3A_1030 = arith.mulf %mul3A_1025, %get3A_1029 : vector<16xf32>
        %add3A_1031 = arith.addf %add3A_1016, %mul3A_1030 : vector<16xf32>
        %get3A_1032 = arith.index_cast %add3A_987 : i32 to index
        %get3A_1033 = arith.constant 48 : index
        %get3A_1034 = tpu.vector_load %arg16[%get3A_1032, %get3A_1033] {strides = array<i32>} : memref<64x128xf32, #tpu.memory_space<vmem>>, vector<1x16xf32>,
        %get3A_1035 = vector.shape_cast %get3A_1034 : vector<1x16xf32> to vector<16xf32>
        %get3A_1036 = arith.index_cast %add3A_987 : i32 to index
        %get3A_1037 = arith.constant 48 : index
        %get3A_1038 = tpu.vector_load %arg17[%get3A_1036, %get3A_1037] {strides = array<i32>} : memref<64x128xf32, #tpu.memory_space<vmem>>, vector<1x16xf32>,
        %get3A_1039 = vector.shape_cast %get3A_1038 : vector<1x16xf32> to vector<16xf32>
        %mul3A_1040 = arith.mulf %get3A_1035, %get3A_1039 : vector<16xf32>
        %get3A_1041 = arith.index_cast %add3A_987 : i32 to index
        %get3A_1042 = arith.constant 48 : index
        %get3A_1043 = tpu.vector_load %arg18[%get3A_1041, %get3A_1042] {strides = array<i32>} : memref<64x128xf32, #tpu.memory_space<vmem>>, vector<1x16xf32>,
        %get3A_1044 = vector.shape_cast %get3A_1043 : vector<1x16xf32> to vector<16xf32>
        %mul3A_1045 = arith.mulf %mul3A_1040, %get3A_1044 : vector<16xf32>
        %add3A_1046 = arith.addf %add3A_1031, %mul3A_1045 : vector<16xf32>
        %get3A_1047 = arith.index_cast %add3A_987 : i32 to index
        %get3A_1048 = arith.constant 64 : index
        %get3A_1049 = tpu.vector_load %arg16[%get3A_1047, %get3A_1048] {strides = array<i32>} : memref<64x128xf32, #tpu.memory_space<vmem>>, vector<1x16xf32>,
        %get3A_1050 = vector.shape_cast %get3A_1049 : vector<1x16xf32> to vector<16xf32>
        %get3A_1051 = arith.index_cast %add3A_987 : i32 to index
        %get3A_1052 = arith.constant 64 : index
        %get3A_1053 = tpu.vector_load %arg17[%get3A_1051, %get3A_1052] {strides = array<i32>} : memref<64x128xf32, #tpu.memory_space<vmem>>, vector<1x16xf32>,
        %get3A_1054 = vector.shape_cast %get3A_1053 : vector<1x16xf32> to vector<16xf32>
        %mul3A_1055 = arith.mulf %get3A_1050, %get3A_1054 : vector<16xf32>
        %get3A_1056 = arith.index_cast %add3A_987 : i32 to index
        %get3A_1057 = arith.constant 64 : index
        %get3A_1058 = tpu.vector_load %arg18[%get3A_1056, %get3A_1057] {strides = array<i32>} : memref<64x128xf32, #tpu.memory_space<vmem>>, vector<1x16xf32>,
        %get3A_1059 = vector.shape_cast %get3A_1058 : vector<1x16xf32> to vector<16xf32>
        %mul3A_1060 = arith.mulf %mul3A_1055, %get3A_1059 : vector<16xf32>
        %add3A_1061 = arith.addf %add3A_1046, %mul3A_1060 : vector<16xf32>
        %get3A_1062 = arith.index_cast %add3A_987 : i32 to index
        %get3A_1063 = arith.constant 80 : index
        %get3A_1064 = tpu.vector_load %arg16[%get3A_1062, %get3A_1063] {strides = array<i32>} : memref<64x128xf32, #tpu.memory_space<vmem>>, vector<1x16xf32>,
        %get3A_1065 = vector.shape_cast %get3A_1064 : vector<1x16xf32> to vector<16xf32>
        %get3A_1066 = arith.index_cast %add3A_987 : i32 to index
        %get3A_1067 = arith.constant 80 : index
        %get3A_1068 = tpu.vector_load %arg17[%get3A_1066, %get3A_1067] {strides = array<i32>} : memref<64x128xf32, #tpu.memory_space<vmem>>, vector<1x16xf32>,
        %get3A_1069 = vector.shape_cast %get3A_1068 : vector<1x16xf32> to vector<16xf32>
        %mul3A_1070 = arith.mulf %get3A_1065, %get3A_1069 : vector<16xf32>
        %get3A_1071 = arith.index_cast %add3A_987 : i32 to index
        %get3A_1072 = arith.constant 80 : index
        %get3A_1073 = tpu.vector_load %arg18[%get3A_1071, %get3A_1072] {strides = array<i32>} : memref<64x128xf32, #tpu.memory_space<vmem>>, vector<1x16xf32>,
        %get3A_1074 = vector.shape_cast %get3A_1073 : vector<1x16xf32> to vector<16xf32>
        %mul3A_1075 = arith.mulf %mul3A_1070, %get3A_1074 : vector<16xf32>
        %add3A_1076 = arith.addf %add3A_1061, %mul3A_1075 : vector<16xf32>
        %get3A_1077 = arith.index_cast %add3A_987 : i32 to index
        %get3A_1078 = arith.constant 96 : index
        %get3A_1079 = tpu.vector_load %arg16[%get3A_1077, %get3A_1078] {strides = array<i32>} : memref<64x128xf32, #tpu.memory_space<vmem>>, vector<1x16xf32>,
        %get3A_1080 = vector.shape_cast %get3A_1079 : vector<1x16xf32> to vector<16xf32>
        %get3A_1081 = arith.index_cast %add3A_987 : i32 to index
        %get3A_1082 = arith.constant 96 : index
        %get3A_1083 = tpu.vector_load %arg17[%get3A_1081, %get3A_1082] {strides = array<i32>} : memref<64x128xf32, #tpu.memory_space<vmem>>, vector<1x16xf32>,
        %get3A_1084 = vector.shape_cast %get3A_1083 : vector<1x16xf32> to vector<16xf32>
        %mul3A_1085 = arith.mulf %get3A_1080, %get3A_1084 : vector<16xf32>
        %get3A_1086 = arith.index_cast %add3A_987 : i32 to index
        %get3A_1087 = arith.constant 96 : index
        %get3A_1088 = tpu.vector_load %arg18[%get3A_1086, %get3A_1087] {strides = array<i32>} : memref<64x128xf32, #tpu.memory_space<vmem>>, vector<1x16xf32>,
        %get3A_1089 = vector.shape_cast %get3A_1088 : vector<1x16xf32> to vector<16xf32>
        %mul3A_1090 = arith.mulf %mul3A_1085, %get3A_1089 : vector<16xf32>
        %add3A_1091 = arith.addf %add3A_1076, %mul3A_1090 : vector<16xf32>
        %get3A_1092 = arith.index_cast %add3A_987 : i32 to index
        %get3A_1093 = arith.constant 112 : index
        %get3A_1094 = tpu.vector_load %arg16[%get3A_1092, %get3A_1093] {strides = array<i32>} : memref<64x128xf32, #tpu.memory_space<vmem>>, vector<1x16xf32>,
        %get3A_1095 = vector.shape_cast %get3A_1094 : vector<1x16xf32> to vector<16xf32>
        %get3A_1096 = arith.index_cast %add3A_987 : i32 to index
        %get3A_1097 = arith.constant 112 : index
        %get3A_1098 = tpu.vector_load %arg17[%get3A_1096, %get3A_1097] {strides = array<i32>} : memref<64x128xf32, #tpu.memory_space<vmem>>, vector<1x16xf32>,
        %get3A_1099 = vector.shape_cast %get3A_1098 : vector<1x16xf32> to vector<16xf32>
        %mul3A_1100 = arith.mulf %get3A_1095, %get3A_1099 : vector<16xf32>
        %get3A_1101 = arith.index_cast %add3A_987 : i32 to index
        %get3A_1102 = arith.constant 112 : index
        %get3A_1103 = tpu.vector_load %arg18[%get3A_1101, %get3A_1102] {strides = array<i32>} : memref<64x128xf32, #tpu.memory_space<vmem>>, vector<1x16xf32>,
        %get3A_1104 = vector.shape_cast %get3A_1103 : vector<1x16xf32> to vector<16xf32>
        %mul3A_1105 = arith.mulf %mul3A_1100, %get3A_1104 : vector<16xf32>
        %add3A_1106 = arith.addf %add3A_1091, %mul3A_1105 : vector<16xf32>
        %add3A_1107 = arith.constant 3 : i32
        %add3A_1108 = arith.addi %mul3A_745, %add3A_1107 : i32
        %get3A_1109 = arith.index_cast %add3A_1108 : i32 to index
        %get3A_1110 = arith.constant 0 : index
        %get3A_1111 = tpu.vector_load %arg16[%get3A_1109, %get3A_1110] {strides = array<i32>} : memref<64x128xf32, #tpu.memory_space<vmem>>, vector<1x16xf32>,
        %get3A_1112 = vector.shape_cast %get3A_1111 : vector<1x16xf32> to vector<16xf32>
        %get3A_1113 = arith.index_cast %add3A_1108 : i32 to index
        %get3A_1114 = arith.constant 0 : index
        %get3A_1115 = tpu.vector_load %arg17[%get3A_1113, %get3A_1114] {strides = array<i32>} : memref<64x128xf32, #tpu.memory_space<vmem>>, vector<1x16xf32>,
        %get3A_1116 = vector.shape_cast %get3A_1115 : vector<1x16xf32> to vector<16xf32>
        %mul3A_1117 = arith.mulf %get3A_1112, %get3A_1116 : vector<16xf32>
        %get3A_1118 = arith.index_cast %add3A_1108 : i32 to index
        %get3A_1119 = arith.constant 0 : index
        %get3A_1120 = tpu.vector_load %arg18[%get3A_1118, %get3A_1119] {strides = array<i32>} : memref<64x128xf32, #tpu.memory_space<vmem>>, vector<1x16xf32>,
        %get3A_1121 = vector.shape_cast %get3A_1120 : vector<1x16xf32> to vector<16xf32>
        %mul3A_1122 = arith.mulf %mul3A_1117, %get3A_1121 : vector<16xf32>
        %get3A_1123 = arith.index_cast %add3A_1108 : i32 to index
        %get3A_1124 = arith.constant 16 : index
        %get3A_1125 = tpu.vector_load %arg16[%get3A_1123, %get3A_1124] {strides = array<i32>} : memref<64x128xf32, #tpu.memory_space<vmem>>, vector<1x16xf32>,
        %get3A_1126 = vector.shape_cast %get3A_1125 : vector<1x16xf32> to vector<16xf32>
        %get3A_1127 = arith.index_cast %add3A_1108 : i32 to index
        %get3A_1128 = arith.constant 16 : index
        %get3A_1129 = tpu.vector_load %arg17[%get3A_1127, %get3A_1128] {strides = array<i32>} : memref<64x128xf32, #tpu.memory_space<vmem>>, vector<1x16xf32>,
        %get3A_1130 = vector.shape_cast %get3A_1129 : vector<1x16xf32> to vector<16xf32>
        %mul3A_1131 = arith.mulf %get3A_1126, %get3A_1130 : vector<16xf32>
        %get3A_1132 = arith.index_cast %add3A_1108 : i32 to index
        %get3A_1133 = arith.constant 16 : index
        %get3A_1134 = tpu.vector_load %arg18[%get3A_1132, %get3A_1133] {strides = array<i32>} : memref<64x128xf32, #tpu.memory_space<vmem>>, vector<1x16xf32>,
        %get3A_1135 = vector.shape_cast %get3A_1134 : vector<1x16xf32> to vector<16xf32>
        %mul3A_1136 = arith.mulf %mul3A_1131, %get3A_1135 : vector<16xf32>
        %add3A_1137 = arith.addf %mul3A_1122, %mul3A_1136 : vector<16xf32>
        %get3A_1138 = arith.index_cast %add3A_1108 : i32 to index
        %get3A_1139 = arith.constant 32 : index
        %get3A_1140 = tpu.vector_load %arg16[%get3A_1138, %get3A_1139] {strides = array<i32>} : memref<64x128xf32, #tpu.memory_space<vmem>>, vector<1x16xf32>,
        %get3A_1141 = vector.shape_cast %get3A_1140 : vector<1x16xf32> to vector<16xf32>
        %get3A_1142 = arith.index_cast %add3A_1108 : i32 to index
        %get3A_1143 = arith.constant 32 : index
        %get3A_1144 = tpu.vector_load %arg17[%get3A_1142, %get3A_1143] {strides = array<i32>} : memref<64x128xf32, #tpu.memory_space<vmem>>, vector<1x16xf32>,
        %get3A_1145 = vector.shape_cast %get3A_1144 : vector<1x16xf32> to vector<16xf32>
        %mul3A_1146 = arith.mulf %get3A_1141, %get3A_1145 : vector<16xf32>
        %get3A_1147 = arith.index_cast %add3A_1108 : i32 to index
        %get3A_1148 = arith.constant 32 : index
        %get3A_1149 = tpu.vector_load %arg18[%get3A_1147, %get3A_1148] {strides = array<i32>} : memref<64x128xf32, #tpu.memory_space<vmem>>, vector<1x16xf32>,
        %get3A_1150 = vector.shape_cast %get3A_1149 : vector<1x16xf32> to vector<16xf32>
        %mul3A_1151 = arith.mulf %mul3A_1146, %get3A_1150 : vector<16xf32>
        %add3A_1152 = arith.addf %add3A_1137, %mul3A_1151 : vector<16xf32>
        %get3A_1153 = arith.index_cast %add3A_1108 : i32 to index
        %get3A_1154 = arith.constant 48 : index
        %get3A_1155 = tpu.vector_load %arg16[%get3A_1153, %get3A_1154] {strides = array<i32>} : memref<64x128xf32, #tpu.memory_space<vmem>>, vector<1x16xf32>,
        %get3A_1156 = vector.shape_cast %get3A_1155 : vector<1x16xf32> to vector<16xf32>
        %get3A_1157 = arith.index_cast %add3A_1108 : i32 to index
        %get3A_1158 = arith.constant 48 : index
        %get3A_1159 = tpu.vector_load %arg17[%get3A_1157, %get3A_1158] {strides = array<i32>} : memref<64x128xf32, #tpu.memory_space<vmem>>, vector<1x16xf32>,
        %get3A_1160 = vector.shape_cast %get3A_1159 : vector<1x16xf32> to vector<16xf32>
        %mul3A_1161 = arith.mulf %get3A_1156, %get3A_1160 : vector<16xf32>
        %get3A_1162 = arith.index_cast %add3A_1108 : i32 to index
        %get3A_1163 = arith.constant 48 : index
        %get3A_1164 = tpu.vector_load %arg18[%get3A_1162, %get3A_1163] {strides = array<i32>} : memref<64x128xf32, #tpu.memory_space<vmem>>, vector<1x16xf32>,
        %get3A_1165 = vector.shape_cast %get3A_1164 : vector<1x16xf32> to vector<16xf32>
        %mul3A_1166 = arith.mulf %mul3A_1161, %get3A_1165 : vector<16xf32>
        %add3A_1167 = arith.addf %add3A_1152, %mul3A_1166 : vector<16xf32>
        %get3A_1168 = arith.index_cast %add3A_1108 : i32 to index
        %get3A_1169 = arith.constant 64 : index
        %get3A_1170 = tpu.vector_load %arg16[%get3A_1168, %get3A_1169] {strides = array<i32>} : memref<64x128xf32, #tpu.memory_space<vmem>>, vector<1x16xf32>,
        %get3A_1171 = vector.shape_cast %get3A_1170 : vector<1x16xf32> to vector<16xf32>
        %get3A_1172 = arith.index_cast %add3A_1108 : i32 to index
        %get3A_1173 = arith.constant 64 : index
        %get3A_1174 = tpu.vector_load %arg17[%get3A_1172, %get3A_1173] {strides = array<i32>} : memref<64x128xf32, #tpu.memory_space<vmem>>, vector<1x16xf32>,
        %get3A_1175 = vector.shape_cast %get3A_1174 : vector<1x16xf32> to vector<16xf32>
        %mul3A_1176 = arith.mulf %get3A_1171, %get3A_1175 : vector<16xf32>
        %get3A_1177 = arith.index_cast %add3A_1108 : i32 to index
        %get3A_1178 = arith.constant 64 : index
        %get3A_1179 = tpu.vector_load %arg18[%get3A_1177, %get3A_1178] {strides = array<i32>} : memref<64x128xf32, #tpu.memory_space<vmem>>, vector<1x16xf32>,
        %get3A_1180 = vector.shape_cast %get3A_1179 : vector<1x16xf32> to vector<16xf32>
        %mul3A_1181 = arith.mulf %mul3A_1176, %get3A_1180 : vector<16xf32>
        %add3A_1182 = arith.addf %add3A_1167, %mul3A_1181 : vector<16xf32>
        %get3A_1183 = arith.index_cast %add3A_1108 : i32 to index
        %get3A_1184 = arith.constant 80 : index
        %get3A_1185 = tpu.vector_load %arg16[%get3A_1183, %get3A_1184] {strides = array<i32>} : memref<64x128xf32, #tpu.memory_space<vmem>>, vector<1x16xf32>,
        %get3A_1186 = vector.shape_cast %get3A_1185 : vector<1x16xf32> to vector<16xf32>
        %get3A_1187 = arith.index_cast %add3A_1108 : i32 to index
        %get3A_1188 = arith.constant 80 : index
        %get3A_1189 = tpu.vector_load %arg17[%get3A_1187, %get3A_1188] {strides = array<i32>} : memref<64x128xf32, #tpu.memory_space<vmem>>, vector<1x16xf32>,
        %get3A_1190 = vector.shape_cast %get3A_1189 : vector<1x16xf32> to vector<16xf32>
        %mul3A_1191 = arith.mulf %get3A_1186, %get3A_1190 : vector<16xf32>
        %get3A_1192 = arith.index_cast %add3A_1108 : i32 to index
        %get3A_1193 = arith.constant 80 : index
        %get3A_1194 = tpu.vector_load %arg18[%get3A_1192, %get3A_1193] {strides = array<i32>} : memref<64x128xf32, #tpu.memory_space<vmem>>, vector<1x16xf32>,
        %get3A_1195 = vector.shape_cast %get3A_1194 : vector<1x16xf32> to vector<16xf32>
        %mul3A_1196 = arith.mulf %mul3A_1191, %get3A_1195 : vector<16xf32>
        %add3A_1197 = arith.addf %add3A_1182, %mul3A_1196 : vector<16xf32>
        %get3A_1198 = arith.index_cast %add3A_1108 : i32 to index
        %get3A_1199 = arith.constant 96 : index
        %get3A_1200 = tpu.vector_load %arg16[%get3A_1198, %get3A_1199] {strides = array<i32>} : memref<64x128xf32, #tpu.memory_space<vmem>>, vector<1x16xf32>,
        %get3A_1201 = vector.shape_cast %get3A_1200 : vector<1x16xf32> to vector<16xf32>
        %get3A_1202 = arith.index_cast %add3A_1108 : i32 to index
        %get3A_1203 = arith.constant 96 : index
        %get3A_1204 = tpu.vector_load %arg17[%get3A_1202, %get3A_1203] {strides = array<i32>} : memref<64x128xf32, #tpu.memory_space<vmem>>, vector<1x16xf32>,
        %get3A_1205 = vector.shape_cast %get3A_1204 : vector<1x16xf32> to vector<16xf32>
        %mul3A_1206 = arith.mulf %get3A_1201, %get3A_1205 : vector<16xf32>
        %get3A_1207 = arith.index_cast %add3A_1108 : i32 to index
        %get3A_1208 = arith.constant 96 : index
        %get3A_1209 = tpu.vector_load %arg18[%get3A_1207, %get3A_1208] {strides = array<i32>} : memref<64x128xf32, #tpu.memory_space<vmem>>, vector<1x16xf32>,
        %get3A_1210 = vector.shape_cast %get3A_1209 : vector<1x16xf32> to vector<16xf32>
        %mul3A_1211 = arith.mulf %mul3A_1206, %get3A_1210 : vector<16xf32>
        %add3A_1212 = arith.addf %add3A_1197, %mul3A_1211 : vector<16xf32>
        %get3A_1213 = arith.index_cast %add3A_1108 : i32 to index
        %get3A_1214 = arith.constant 112 : index
        %get3A_1215 = tpu.vector_load %arg16[%get3A_1213, %get3A_1214] {strides = array<i32>} : memref<64x128xf32, #tpu.memory_space<vmem>>, vector<1x16xf32>,
        %get3A_1216 = vector.shape_cast %get3A_1215 : vector<1x16xf32> to vector<16xf32>
        %get3A_1217 = arith.index_cast %add3A_1108 : i32 to index
        %get3A_1218 = arith.constant 112 : index
        %get3A_1219 = tpu.vector_load %arg17[%get3A_1217, %get3A_1218] {strides = array<i32>} : memref<64x128xf32, #tpu.memory_space<vmem>>, vector<1x16xf32>,
        %get3A_1220 = vector.shape_cast %get3A_1219 : vector<1x16xf32> to vector<16xf32>
        %mul3A_1221 = arith.mulf %get3A_1216, %get3A_1220 : vector<16xf32>
        %get3A_1222 = arith.index_cast %add3A_1108 : i32 to index
        %get3A_1223 = arith.constant 112 : index
        %get3A_1224 = tpu.vector_load %arg18[%get3A_1222, %get3A_1223] {strides = array<i32>} : memref<64x128xf32, #tpu.memory_space<vmem>>, vector<1x16xf32>,
        %get3A_1225 = vector.shape_cast %get3A_1224 : vector<1x16xf32> to vector<16xf32>
        %mul3A_1226 = arith.mulf %mul3A_1221, %get3A_1225 : vector<16xf32>
        %add3A_1227 = arith.addf %add3A_1212, %mul3A_1226 : vector<16xf32>
        %and3A_1228 = arith.constant 1 : i32
        %and3A_1229 = vector.broadcast %and3A_1228 : i32 to vector<16xi32>
        %and3A_1230 = arith.andi %iota3A, %and3A_1229 : vector<16xi32>
        %eq3A_1231 = arith.constant 0 : i32
        %eq3A_1232 = vector.broadcast %eq3A_1231 : i32 to vector<16xi32>
        %eq3A_1233 = arith.cmpi eq, %and3A_1230, %eq3A_1232 : vector<16xi32>
        %select_n3A_1234 = arith.select %eq3A_1233, %add3A_864, %add3A_985 : vector<16xi1>, vector<16xf32>
        %select_n3A_1235 = arith.select %eq3A_1233, %add3A_985, %add3A_864 : vector<16xi1>, vector<16xf32>
        %xor3A_1236 = arith.constant 1 : i32
        %xor3A_1237 = vector.broadcast %xor3A_1236 : i32 to vector<16xi32>
        %xor3A_1238 = arith.xori %iota3A, %xor3A_1237 : vector<16xi32>
        %reshape3A_1239 = vector.shape_cast %xor3A_1238 : vector<16xi32> to vector<16x1xi32>
        %gather3A_1240 = vector.shape_cast %reshape3A_1239 : vector<16x1xi32> to vector<16xi32>
        %gather3A_1241 = tpu.dynamic_gather %select_n3A_1235[%gather3A_1240] in [0] : vector<16xf32>, vector<16xi32> -> vector<16xf32>
        %add3A_1242 = arith.addf %select_n3A_1234, %gather3A_1241 : vector<16xf32>
        %and3A_1243 = arith.constant 1 : i32
        %and3A_1244 = vector.broadcast %and3A_1243 : i32 to vector<16xi32>
        %and3A_1245 = arith.andi %iota3A, %and3A_1244 : vector<16xi32>
        %eq3A_1246 = arith.constant 0 : i32
        %eq3A_1247 = vector.broadcast %eq3A_1246 : i32 to vector<16xi32>
        %eq3A_1248 = arith.cmpi eq, %and3A_1245, %eq3A_1247 : vector<16xi32>
        %select_n3A_1249 = arith.select %eq3A_1248, %add3A_1106, %add3A_1227 : vector<16xi1>, vector<16xf32>
        %select_n3A_1250 = arith.select %eq3A_1248, %add3A_1227, %add3A_1106 : vector<16xi1>, vector<16xf32>
        %xor3A_1251 = arith.constant 1 : i32
        %xor3A_1252 = vector.broadcast %xor3A_1251 : i32 to vector<16xi32>
        %xor3A_1253 = arith.xori %iota3A, %xor3A_1252 : vector<16xi32>
        %reshape3A_1254 = vector.shape_cast %xor3A_1253 : vector<16xi32> to vector<16x1xi32>
        %gather3A_1255 = vector.shape_cast %reshape3A_1254 : vector<16x1xi32> to vector<16xi32>
        %gather3A_1256 = tpu.dynamic_gather %select_n3A_1250[%gather3A_1255] in [0] : vector<16xf32>, vector<16xi32> -> vector<16xf32>
        %add3A_1257 = arith.addf %select_n3A_1249, %gather3A_1256 : vector<16xf32>
        %and3A_1258 = arith.constant 2 : i32
        %and3A_1259 = vector.broadcast %and3A_1258 : i32 to vector<16xi32>
        %and3A_1260 = arith.andi %iota3A, %and3A_1259 : vector<16xi32>
        %eq3A_1261 = arith.constant 0 : i32
        %eq3A_1262 = vector.broadcast %eq3A_1261 : i32 to vector<16xi32>
        %eq3A_1263 = arith.cmpi eq, %and3A_1260, %eq3A_1262 : vector<16xi32>
        %select_n3A_1264 = arith.select %eq3A_1263, %add3A_1242, %add3A_1257 : vector<16xi1>, vector<16xf32>
        %select_n3A_1265 = arith.select %eq3A_1263, %add3A_1257, %add3A_1242 : vector<16xi1>, vector<16xf32>
        %xor3A_1266 = arith.constant 2 : i32
        %xor3A_1267 = vector.broadcast %xor3A_1266 : i32 to vector<16xi32>
        %xor3A_1268 = arith.xori %iota3A, %xor3A_1267 : vector<16xi32>
        %reshape3A_1269 = vector.shape_cast %xor3A_1268 : vector<16xi32> to vector<16x1xi32>
        %gather3A_1270 = vector.shape_cast %reshape3A_1269 : vector<16x1xi32> to vector<16xi32>
        %gather3A_1271 = tpu.dynamic_gather %select_n3A_1265[%gather3A_1270] in [0] : vector<16xf32>, vector<16xi32> -> vector<16xf32>
        %add3A_1272 = arith.addf %select_n3A_1264, %gather3A_1271 : vector<16xf32>
        %swap3A_1273 = arith.index_cast %scan3A_743 : i32 to index
        %swap3A_1274 = arith.constant 0 : index
        %swap3A_1275 = tpu.vector_load %arg12[%swap3A_1273, %swap3A_1274] {strides = array<i32>} : memref<16x16xf32, #tpu.memory_space<vmem>>, vector<1x16xf32>,
        %swap3A_1276 = vector.shape_cast %swap3A_1275 : vector<1x16xf32> to vector<16xf32>
        %swap3A_1277 = vector.shape_cast %add3A_1272 : vector<16xf32> to vector<1x16xf32>
        tpu.vector_store %arg12[%swap3A_1273, %swap3A_1274], %swap3A_1277 {strides = array<i32>} : memref<16x16xf32, #tpu.memory_space<vmem>>, vector<1x16xf32>,
      }
      %scan3A_199 = arith.constant 16 : i32
      %scan3A_200 = arith.constant 0 : i32
      %scan3A_201 = arith.constant 0 : i32
      %scan3A_202 = arith.constant 4 : i32
      %scan3A_203 = arith.addi %scan3A_201, %scan3A_202 : i32
      %scan3A_204 = arith.constant 2 : i32
      scf.for %scan3A_215 = %scan3A_201 to %scan3A_203 step %scan3A_204  : i32 {
        %mul3A_216 = arith.constant 4 : i32
        %mul3A_217 = arith.muli %scan3A_215, %mul3A_216 : i32
        %get3A = arith.index_cast %mul3A_217 : i32 to index
        %get3A_218 = arith.constant 0 : index
        %get3A_219 = tpu.vector_load %arg12[%get3A, %get3A_218] {strides = array<i32>} : memref<16x16xf32, #tpu.memory_space<vmem>>, vector<1x16xf32>,
        %get3A_220 = vector.shape_cast %get3A_219 : vector<1x16xf32> to vector<16xf32>
        %add3A_221 = arith.constant 1 : i32
        %add3A_222 = arith.addi %mul3A_217, %add3A_221 : i32
        %get3A_223 = arith.index_cast %add3A_222 : i32 to index
        %get3A_224 = arith.constant 0 : index
        %get3A_225 = tpu.vector_load %arg12[%get3A_223, %get3A_224] {strides = array<i32>} : memref<16x16xf32, #tpu.memory_space<vmem>>, vector<1x16xf32>,
        %get3A_226 = vector.shape_cast %get3A_225 : vector<1x16xf32> to vector<16xf32>
        %add3A_227 = arith.constant 2 : i32
        %add3A_228 = arith.addi %mul3A_217, %add3A_227 : i32
        %get3A_229 = arith.index_cast %add3A_228 : i32 to index
        %get3A_230 = arith.constant 0 : index
        %get3A_231 = tpu.vector_load %arg12[%get3A_229, %get3A_230] {strides = array<i32>} : memref<16x16xf32, #tpu.memory_space<vmem>>, vector<1x16xf32>,
        %get3A_232 = vector.shape_cast %get3A_231 : vector<1x16xf32> to vector<16xf32>
        %add3A_233 = arith.constant 3 : i32
        %add3A_234 = arith.addi %mul3A_217, %add3A_233 : i32
        %get3A_235 = arith.index_cast %add3A_234 : i32 to index
        %get3A_236 = arith.constant 0 : index
        %get3A_237 = tpu.vector_load %arg12[%get3A_235, %get3A_236] {strides = array<i32>} : memref<16x16xf32, #tpu.memory_space<vmem>>, vector<1x16xf32>,
        %get3A_238 = vector.shape_cast %get3A_237 : vector<1x16xf32> to vector<16xf32>
        %and3A = arith.constant 4 : i32
        %and3A_239 = vector.broadcast %and3A : i32 to vector<16xi32>
        %and3A_240 = arith.andi %iota3A, %and3A_239 : vector<16xi32>
        %eq3A = arith.constant 0 : i32
        %eq3A_241 = vector.broadcast %eq3A : i32 to vector<16xi32>
        %eq3A_242 = arith.cmpi eq, %and3A_240, %eq3A_241 : vector<16xi32>
        %select_n3A = arith.select %eq3A_242, %get3A_220, %get3A_226 : vector<16xi1>, vector<16xf32>
        %select_n3A_243 = arith.select %eq3A_242, %get3A_226, %get3A_220 : vector<16xi1>, vector<16xf32>
        %xor3A = arith.constant 4 : i32
        %xor3A_244 = vector.broadcast %xor3A : i32 to vector<16xi32>
        %xor3A_245 = arith.xori %iota3A, %xor3A_244 : vector<16xi32>
        %reshape3A = vector.shape_cast %xor3A_245 : vector<16xi32> to vector<16x1xi32>
        %gather3A = vector.shape_cast %reshape3A : vector<16x1xi32> to vector<16xi32>
        %gather3A_246 = tpu.dynamic_gather %select_n3A_243[%gather3A] in [0] : vector<16xf32>, vector<16xi32> -> vector<16xf32>
        %add3A_247 = arith.addf %select_n3A, %gather3A_246 : vector<16xf32>
        %and3A_248 = arith.constant 4 : i32
        %and3A_249 = vector.broadcast %and3A_248 : i32 to vector<16xi32>
        %and3A_250 = arith.andi %iota3A, %and3A_249 : vector<16xi32>
        %eq3A_251 = arith.constant 0 : i32
        %eq3A_252 = vector.broadcast %eq3A_251 : i32 to vector<16xi32>
        %eq3A_253 = arith.cmpi eq, %and3A_250, %eq3A_252 : vector<16xi32>
        %select_n3A_254 = arith.select %eq3A_253, %get3A_232, %get3A_238 : vector<16xi1>, vector<16xf32>
        %select_n3A_255 = arith.select %eq3A_253, %get3A_238, %get3A_232 : vector<16xi1>, vector<16xf32>
        %xor3A_256 = arith.constant 4 : i32
        %xor3A_257 = vector.broadcast %xor3A_256 : i32 to vector<16xi32>
        %xor3A_258 = arith.xori %iota3A, %xor3A_257 : vector<16xi32>
        %reshape3A_259 = vector.shape_cast %xor3A_258 : vector<16xi32> to vector<16x1xi32>
        %gather3A_260 = vector.shape_cast %reshape3A_259 : vector<16x1xi32> to vector<16xi32>
        %gather3A_261 = tpu.dynamic_gather %select_n3A_255[%gather3A_260] in [0] : vector<16xf32>, vector<16xi32> -> vector<16xf32>
        %add3A_262 = arith.addf %select_n3A_254, %gather3A_261 : vector<16xf32>
        %and3A_263 = arith.constant 8 : i32
        %and3A_264 = vector.broadcast %and3A_263 : i32 to vector<16xi32>
        %and3A_265 = arith.andi %iota3A, %and3A_264 : vector<16xi32>
        %eq3A_266 = arith.constant 0 : i32
        %eq3A_267 = vector.broadcast %eq3A_266 : i32 to vector<16xi32>
        %eq3A_268 = arith.cmpi eq, %and3A_265, %eq3A_267 : vector<16xi32>
        %select_n3A_269 = arith.select %eq3A_268, %add3A_247, %add3A_262 : vector<16xi1>, vector<16xf32>
        %select_n3A_270 = arith.select %eq3A_268, %add3A_262, %add3A_247 : vector<16xi1>, vector<16xf32>
        %xor3A_271 = arith.constant 8 : i32
        %xor3A_272 = vector.broadcast %xor3A_271 : i32 to vector<16xi32>
        %xor3A_273 = arith.xori %iota3A, %xor3A_272 : vector<16xi32>
        %reshape3A_274 = vector.shape_cast %xor3A_273 : vector<16xi32> to vector<16x1xi32>
        %gather3A_275 = vector.shape_cast %reshape3A_274 : vector<16x1xi32> to vector<16xi32>
        %gather3A_276 = tpu.dynamic_gather %select_n3A_270[%gather3A_275] in [0] : vector<16xf32>, vector<16xi32> -> vector<16xf32>
        %add3A_277 = arith.addf %select_n3A_269, %gather3A_276 : vector<16xf32>
        %mul3A_278 = arith.constant 16 : i32
        %mul3A_279 = arith.muli %scan3A_215, %mul3A_278 : i32
        %add3A_280 = arith.addi %mul3A_193, %mul3A_279 : i32
        %swap3A = arith.index_cast %add3A_280 : i32 to index
        %swap3A_281 = tpu.vector_load %arg11[%swap3A] {strides = array<i32>} : memref<512xf32, #tpu.memory_space<vmem>>, vector<16xf32>,
        %swap3A_282 = vector.shape_cast %swap3A_281 : vector<16xf32> to vector<16xf32>
        %swap3A_283 = vector.shape_cast %add3A_277 : vector<16xf32> to vector<16xf32>
        tpu.vector_store %arg11[%swap3A], %swap3A_283 {strides = array<i32>} : memref<512xf32, #tpu.memory_space<vmem>>, vector<16xf32>,
        %scan3A_284 = arith.constant 1 : i32
        %scan3A_285 = arith.addi %scan3A_215, %scan3A_284 : i32
        %mul3A_286 = arith.constant 4 : i32
        %mul3A_287 = arith.muli %scan3A_285, %mul3A_286 : i32
        %get3A_288 = arith.index_cast %mul3A_287 : i32 to index
        %get3A_289 = arith.constant 0 : index
        %get3A_290 = tpu.vector_load %arg12[%get3A_288, %get3A_289] {strides = array<i32>} : memref<16x16xf32, #tpu.memory_space<vmem>>, vector<1x16xf32>,
        %get3A_291 = vector.shape_cast %get3A_290 : vector<1x16xf32> to vector<16xf32>
        %add3A_292 = arith.constant 1 : i32
        %add3A_293 = arith.addi %mul3A_287, %add3A_292 : i32
        %get3A_294 = arith.index_cast %add3A_293 : i32 to index
        %get3A_295 = arith.constant 0 : index
        %get3A_296 = tpu.vector_load %arg12[%get3A_294, %get3A_295] {strides = array<i32>} : memref<16x16xf32, #tpu.memory_space<vmem>>, vector<1x16xf32>,
        %get3A_297 = vector.shape_cast %get3A_296 : vector<1x16xf32> to vector<16xf32>
        %add3A_298 = arith.constant 2 : i32
        %add3A_299 = arith.addi %mul3A_287, %add3A_298 : i32
        %get3A_300 = arith.index_cast %add3A_299 : i32 to index
        %get3A_301 = arith.constant 0 : index
        %get3A_302 = tpu.vector_load %arg12[%get3A_300, %get3A_301] {strides = array<i32>} : memref<16x16xf32, #tpu.memory_space<vmem>>, vector<1x16xf32>,
        %get3A_303 = vector.shape_cast %get3A_302 : vector<1x16xf32> to vector<16xf32>
        %add3A_304 = arith.constant 3 : i32
        %add3A_305 = arith.addi %mul3A_287, %add3A_304 : i32
        %get3A_306 = arith.index_cast %add3A_305 : i32 to index
        %get3A_307 = arith.constant 0 : index
        %get3A_308 = tpu.vector_load %arg12[%get3A_306, %get3A_307] {strides = array<i32>} : memref<16x16xf32, #tpu.memory_space<vmem>>, vector<1x16xf32>,
        %get3A_309 = vector.shape_cast %get3A_308 : vector<1x16xf32> to vector<16xf32>
        %and3A_310 = arith.constant 4 : i32
        %and3A_311 = vector.broadcast %and3A_310 : i32 to vector<16xi32>
        %and3A_312 = arith.andi %iota3A, %and3A_311 : vector<16xi32>
        %eq3A_313 = arith.constant 0 : i32
        %eq3A_314 = vector.broadcast %eq3A_313 : i32 to vector<16xi32>
        %eq3A_315 = arith.cmpi eq, %and3A_312, %eq3A_314 : vector<16xi32>
        %select_n3A_316 = arith.select %eq3A_315, %get3A_291, %get3A_297 : vector<16xi1>, vector<16xf32>
        %select_n3A_317 = arith.select %eq3A_315, %get3A_297, %get3A_291 : vector<16xi1>, vector<16xf32>
        %xor3A_318 = arith.constant 4 : i32
        %xor3A_319 = vector.broadcast %xor3A_318 : i32 to vector<16xi32>
        %xor3A_320 = arith.xori %iota3A, %xor3A_319 : vector<16xi32>
        %reshape3A_321 = vector.shape_cast %xor3A_320 : vector<16xi32> to vector<16x1xi32>
        %gather3A_322 = vector.shape_cast %reshape3A_321 : vector<16x1xi32> to vector<16xi32>
        %gather3A_323 = tpu.dynamic_gather %select_n3A_317[%gather3A_322] in [0] : vector<16xf32>, vector<16xi32> -> vector<16xf32>
        %add3A_324 = arith.addf %select_n3A_316, %gather3A_323 : vector<16xf32>
        %and3A_325 = arith.constant 4 : i32
        %and3A_326 = vector.broadcast %and3A_325 : i32 to vector<16xi32>
        %and3A_327 = arith.andi %iota3A, %and3A_326 : vector<16xi32>
        %eq3A_328 = arith.constant 0 : i32
        %eq3A_329 = vector.broadcast %eq3A_328 : i32 to vector<16xi32>
        %eq3A_330 = arith.cmpi eq, %and3A_327, %eq3A_329 : vector<16xi32>
        %select_n3A_331 = arith.select %eq3A_330, %get3A_303, %get3A_309 : vector<16xi1>, vector<16xf32>
        %select_n3A_332 = arith.select %eq3A_330, %get3A_309, %get3A_303 : vector<16xi1>, vector<16xf32>
        %xor3A_333 = arith.constant 4 : i32
        %xor3A_334 = vector.broadcast %xor3A_333 : i32 to vector<16xi32>
        %xor3A_335 = arith.xori %iota3A, %xor3A_334 : vector<16xi32>
        %reshape3A_336 = vector.shape_cast %xor3A_335 : vector<16xi32> to vector<16x1xi32>
        %gather3A_337 = vector.shape_cast %reshape3A_336 : vector<16x1xi32> to vector<16xi32>
        %gather3A_338 = tpu.dynamic_gather %select_n3A_332[%gather3A_337] in [0] : vector<16xf32>, vector<16xi32> -> vector<16xf32>
        %add3A_339 = arith.addf %select_n3A_331, %gather3A_338 : vector<16xf32>
        %and3A_340 = arith.constant 8 : i32
        %and3A_341 = vector.broadcast %and3A_340 : i32 to vector<16xi32>
        %and3A_342 = arith.andi %iota3A, %and3A_341 : vector<16xi32>
        %eq3A_343 = arith.constant 0 : i32
        %eq3A_344 = vector.broadcast %eq3A_343 : i32 to vector<16xi32>
        %eq3A_345 = arith.cmpi eq, %and3A_342, %eq3A_344 : vector<16xi32>
        %select_n3A_346 = arith.select %eq3A_345, %add3A_324, %add3A_339 : vector<16xi1>, vector<16xf32>
        %select_n3A_347 = arith.select %eq3A_345, %add3A_339, %add3A_324 : vector<16xi1>, vector<16xf32>
        %xor3A_348 = arith.constant 8 : i32
        %xor3A_349 = vector.broadcast %xor3A_348 : i32 to vector<16xi32>
        %xor3A_350 = arith.xori %iota3A, %xor3A_349 : vector<16xi32>
        %reshape3A_351 = vector.shape_cast %xor3A_350 : vector<16xi32> to vector<16x1xi32>
        %gather3A_352 = vector.shape_cast %reshape3A_351 : vector<16x1xi32> to vector<16xi32>
        %gather3A_353 = tpu.dynamic_gather %select_n3A_347[%gather3A_352] in [0] : vector<16xf32>, vector<16xi32> -> vector<16xf32>
        %add3A_354 = arith.addf %select_n3A_346, %gather3A_353 : vector<16xf32>
        %mul3A_355 = arith.constant 16 : i32
        %mul3A_356 = arith.muli %scan3A_285, %mul3A_355 : i32
        %add3A_357 = arith.addi %mul3A_193, %mul3A_356 : i32
        %swap3A_358 = arith.index_cast %add3A_357 : i32 to index
        %swap3A_359 = tpu.vector_load %arg11[%swap3A_358] {strides = array<i32>} : memref<512xf32, #tpu.memory_space<vmem>>, vector<16xf32>,
        %swap3A_360 = vector.shape_cast %swap3A_359 : vector<16xf32> to vector<16xf32>
        %swap3A_361 = vector.shape_cast %add3A_354 : vector<16xf32> to vector<16xf32>
        tpu.vector_store %arg11[%swap3A_358], %swap3A_361 {strides = array<i32>} : memref<512xf32, #tpu.memory_space<vmem>>, vector<16xf32>,
      }
      %scan3A_205 = arith.constant 4 : i32
      %mul3A_206 = arith.constant 64 : i32
      %mul3A_207 = arith.muli %mul3A_125, %mul3A_206 : i32
      %mul3A_208 = arith.constant 64 : i32
      %mul3A_209 = arith.muli %mul3A_125, %mul3A_208 : i32
      %add3A_210 = arith.addi %mul3A_2, %mul3A_209 : i32
      %dma_start3A_211 = tpu.memref_slice %arg11[%mul3A_207] : memref<512xf32, #tpu.memory_space<vmem>> -> memref<128xf32, #tpu.memory_space<vmem>>
      %dma_start3A_212 = tpu.memref_slice %arg7[%add3A_210] : memref<16384xf32, #tpu.memory_space<hbm>> -> memref<128xf32, #tpu.memory_space<hbm>>
      %dma_start3A_213 = tpu.memref_slice %arg7[%add3A_210] : memref<16384xf32, #tpu.memory_space<hbm>> -> memref<128xf32, #tpu.memory_space<hbm>>
      %dma_start3A_214 = tpu.memref_slice %arg11[%mul3A_207] : memref<512xf32, #tpu.memory_space<vmem>> -> memref<128xf32, #tpu.memory_space<vmem>>
      tpu.enqueue_dma source(%dma_start3A_214 : memref<128xf32, #tpu.memory_space<vmem>>) target(%dma_start3A_213 : memref<128xf32, #tpu.memory_space<hbm>>) target_semaphore(%arg25 : memref<!tpu.dma_semaphore, #tpu.memory_space<semaphore_mem>>)
    }
    %scan3A_98 = arith.constant 4 : i32
    %dma_wait3A_99 = arith.constant 0 : i32
    %dma_wait3A_100 = tpu.memref_slice %arg11[%dma_wait3A_99] : memref<512xf32, #tpu.memory_space<vmem>> -> memref<128xf32, #tpu.memory_space<vmem>>
    %dma_wait3A_101 = tpu.memref_slice %arg7[%mul3A_2] : memref<16384xf32, #tpu.memory_space<hbm>> -> memref<128xf32, #tpu.memory_space<hbm>>
    %dma_wait3A_102 = tpu.memref_slice %arg7[%mul3A_2] : memref<16384xf32, #tpu.memory_space<hbm>> -> memref<128xf32, #tpu.memory_space<hbm>>
    %dma_wait3A_103 = arith.constant 0 : i32
    %dma_wait3A_104 = tpu.memref_slice %arg11[%dma_wait3A_103] : memref<512xf32, #tpu.memory_space<vmem>> -> memref<128xf32, #tpu.memory_space<vmem>>
    tpu.wait_dma2 semaphore(%arg25 : memref<!tpu.dma_semaphore, #tpu.memory_space<semaphore_mem>>) src(%dma_wait3A_104 : memref<128xf32, #tpu.memory_space<vmem>>) dst(%dma_wait3A_102 : memref<128xf32, #tpu.memory_space<hbm>>)
    %dma_wait3A_105 = arith.constant 0 : i32
    %dma_wait3A_106 = tpu.memref_slice %arg11[%dma_wait3A_105] : memref<512xf32, #tpu.memory_space<vmem>> -> memref<128xf32, #tpu.memory_space<vmem>>
    %dma_wait3A_107 = tpu.memref_slice %arg7[%mul3A_2] : memref<16384xf32, #tpu.memory_space<hbm>> -> memref<128xf32, #tpu.memory_space<hbm>>
    %dma_wait3A_108 = tpu.memref_slice %arg7[%mul3A_2] : memref<16384xf32, #tpu.memory_space<hbm>> -> memref<128xf32, #tpu.memory_space<hbm>>
    %dma_wait3A_109 = arith.constant 0 : i32
    %dma_wait3A_110 = tpu.memref_slice %arg11[%dma_wait3A_109] : memref<512xf32, #tpu.memory_space<vmem>> -> memref<128xf32, #tpu.memory_space<vmem>>
    tpu.wait_dma2 semaphore(%arg25 : memref<!tpu.dma_semaphore, #tpu.memory_space<semaphore_mem>>) src(%dma_wait3A_110 : memref<128xf32, #tpu.memory_space<vmem>>) dst(%dma_wait3A_108 : memref<128xf32, #tpu.memory_space<hbm>>)
    %dma_wait3A_111 = arith.constant 0 : i32
    %dma_wait3A_112 = tpu.memref_slice %arg11[%dma_wait3A_111] : memref<512xf32, #tpu.memory_space<vmem>> -> memref<128xf32, #tpu.memory_space<vmem>>
    %dma_wait3A_113 = tpu.memref_slice %arg7[%mul3A_2] : memref<16384xf32, #tpu.memory_space<hbm>> -> memref<128xf32, #tpu.memory_space<hbm>>
    %dma_wait3A_114 = tpu.memref_slice %arg7[%mul3A_2] : memref<16384xf32, #tpu.memory_space<hbm>> -> memref<128xf32, #tpu.memory_space<hbm>>
    %dma_wait3A_115 = arith.constant 0 : i32
    %dma_wait3A_116 = tpu.memref_slice %arg11[%dma_wait3A_115] : memref<512xf32, #tpu.memory_space<vmem>> -> memref<128xf32, #tpu.memory_space<vmem>>
    tpu.wait_dma2 semaphore(%arg25 : memref<!tpu.dma_semaphore, #tpu.memory_space<semaphore_mem>>) src(%dma_wait3A_116 : memref<128xf32, #tpu.memory_space<vmem>>) dst(%dma_wait3A_114 : memref<128xf32, #tpu.memory_space<hbm>>)
    %dma_wait3A_117 = arith.constant 0 : i32
    %dma_wait3A_118 = tpu.memref_slice %arg11[%dma_wait3A_117] : memref<512xf32, #tpu.memory_space<vmem>> -> memref<128xf32, #tpu.memory_space<vmem>>
    %dma_wait3A_119 = tpu.memref_slice %arg7[%mul3A_2] : memref<16384xf32, #tpu.memory_space<hbm>> -> memref<128xf32, #tpu.memory_space<hbm>>
    %dma_wait3A_120 = tpu.memref_slice %arg7[%mul3A_2] : memref<16384xf32, #tpu.memory_space<hbm>> -> memref<128xf32, #tpu.memory_space<hbm>>
    %dma_wait3A_121 = arith.constant 0 : i32
    %dma_wait3A_122 = tpu.memref_slice %arg11[%dma_wait3A_121] : memref<512xf32, #tpu.memory_space<vmem>> -> memref<128xf32, #tpu.memory_space<vmem>>
    tpu.wait_dma2 semaphore(%arg25 : memref<!tpu.dma_semaphore, #tpu.memory_space<semaphore_mem>>) src(%dma_wait3A_122 : memref<128xf32, #tpu.memory_space<vmem>>) dst(%dma_wait3A_120 : memref<128xf32, #tpu.memory_space<hbm>>)
    return
  }
}

</mosaic_0001>

<sc_bundles>
// kernel: kernel.3.cloned.1.call-start
scs
__scs_entry_jumppad:
0x0: {  	(pc) =	sbr.rel $0x88, $3  }
0x1: {  	(tag) =	ssettag $0x0;
	lr =	simm.s32 $0x1  }
0x2: {  	[smem:$0x3F9C] =	sst lr;
	_ =	strace $0xD0000000  }
0x3: {  	_ = 	snop  }
0x4: {  	_ = 	snop  }
0x5: {  	_ = 	snop  }
0x6: {  	_ = 	snop  }
0x7: {  	_ = 	snop  }
__scs_overlays_trampoline_lowered:
0x8: {  	[smem:$0x3FAB] =	sst s0  }
0x9: {  	[smem:$0x3FAC] =	sst s1  }
0xa: {  	[smem:$0x3FAD] =	sst s2  }
0xb: {  	[smem:$0x3FAE] =	sst s3  }
0xc: {  	[smem:$0x3FAF] =	sst s4  }
0xd: {  	[smem:$0x3FB0] =	sst s5  }
0xe: {  	[smem:$0x3FB1] =	sst s6  }
0xf: {  	[smem:$0x3FB2] =	sst s7  }
0x10: {  	[smem:$0x3FB3] =	sst s8  }
0x11: {  	[smem:$0x3FB4] =	sst s9;
	s0 =	simm.s32 @!p0 $0x0  }
0x12: {  	s1 =	sld [smem:$0x3F9A];
	s0 =	simm.s32 @p0 $0x1  }
0x13: {  	[smem:$0x3FB5] =	sst s0;
	s0 =	simm.s32 @!p1 $0x0  }
0x14: {  	s2 =	sld [smem:$0x3F99];
	s0 =	simm.s32 @p1 $0x1  }
0x15: {  	[smem:$0x3FB6] =	sst s0;
	s0 =	simm.s32 @!p2 $0x0  }
0x16: {  	s3 =	sld [smem:$0x3FDB];
	s0 =	simm.s32 @p2 $0x1  }
0x17: {  	s4 =	simm.s32 $0x1BF5;
	[smem:$0x3FB8] =	sst s0  }
0x18: {  	s0 =	sld [smem:$0x3F9B];
	_ =	swait.ge [sflag:s4], $0x0  }
0x19: {  	s7 =	sld [smem:$0x3F9C]  }
0x1a: {  	s8 =	sadd.s32 $0xFFFFE003, lr  }
0x1b: {  	s9 =	sadd.s32 $0xFFFFFEF7, lr;
	s5 =	simm.s32 $0xFFFFFFFF;
	p2 =	slt.u32 s8, $0xFFFFF086  }
0x1c: {  	p1 =	slt.u32 s9, $0xF7A;
	s5 =	simm.s32 @!p2 $0x0  }
0x1d: {  	s5 =	simm.s32 @p1 $0x1;
	p0 =	seq.s32 s7, s2  }
0x1e: {  	s7 =	smul.u32 @!p0 $0xF7A, s2;
	p2 =	seq.s32 @!p0 s5, $0x0  }
0x1f: {  	s9 =	smul.u32 $0xF7A, s1;
	s8 =	simm.s32 @!p0 $0x1BF5;
	p2 =	por !p2, p0  }
0x20: {  	[sflag:s8] =	ssyncset.s32 @!p0 $0xFFFFF086;
	s6 =	sadd.s32 @!p0 s3, s7;
	s7 =	simm.s32 @!p0 $0x108  }
0x21: {  	s3 =	sadd.s32 s3, s9;
	s6 =	sadd.s32 @!p0 $0x88, s6;
	s7 =	simm.s32 @p2 $0x1082  }
0x22: {  	[simem:s7], [sflag:s8] =	dma.local @!p0 [hbm:s6], $0xF7A  }
0x23: {  	s9 =	sor.u32 $0xD0000000, s2;
	s6 =	simm.s32 $0x108;
	_ =	swait.ge @!p0 [sflag:s8], $0x0  }
0x24: {  	s3 =	sadd.s32 $0x88, s3;
	s6 =	simm.s32 @!p1 $0x1082;
	[sflag:s4] =	ssyncset.s32 $0xFFFFF086  }
0x25: {  	[simem:s6], [sflag:s4] =	dma.local [hbm:s3], $0xF7A  }
0x26: {  	[smem:$0x3F9C] =	sst s1;
	(tag) =	ssettag s2;
	_ =	strace s9  }
0x27: {  	s1 =	sld [smem:$0x3FAC]  }
0x28: {  	s2 =	sld [smem:$0x3FAD]  }
0x29: {  	s4 =	sld [smem:$0x3FAF]  }
0x2a: {  	p0 =	seq.s32 s5, $0x0;
	s5 =	sld [smem:$0x3FB0]  }
0x2b: {  	s6 =	sld [smem:$0x3FB1]  }
0x2c: {  	s7 =	sld [smem:$0x3FB2]  }
0x2d: {  	s3 =	simm.s32 $0x108;
	s8 =	sld [smem:$0x3FB3]  }
0x2e: {  	s3 =	simm.s32 @!p0 $0x1082;
	s9 =	sld [smem:$0x3FB4]  }
0x2f: {  	lr =	sadd.s32 s0, s3;
	s0 =	sld [smem:$0x3FAB]  }
0x30: {  	s3 =	sld [smem:$0x3FAE]  }
0x31: {  	[smem:$0x3FB7] =	sst s10  }
0x32: {  	s10 =	sld [smem:$0x3FB5];
	_ =	sdelay $0x3  }
0x33: {  	p0 =	seq.s32 s10, $0x1;
	s10 =	sld [smem:$0x3FB7];
	_ =	sdelay $0x3  }
0x34: {  	[smem:$0x3FB7] =	sst s10  }
0x35: {  	s10 =	sld [smem:$0x3FB6];
	_ =	sdelay $0x3  }
0x36: {  	p1 =	seq.s32 s10, $0x1;
	s10 =	sld [smem:$0x3FB7];
	_ =	sdelay $0x3  }
0x37: {  	[smem:$0x3FB7] =	sst s10  }
0x38: {  	s10 =	sld [smem:$0x3FB8]  }
0x39: {  	_ = 	snop;
	(pc) =	sbr.ind lr, $3  }
0x3a: {  	_ = 	snop  }
0x3b: {  	_ = 	snop  }
0x3c: {  	p2 =	seq.s32 s10, $0x1;
	s10 =	sld [smem:$0x3FB7]  }
0x3d: {  	_ =	shalt  }
0x3e: {  	_ =	shalt  }
0x3f: {  	_ =	shalt  }
0x40: {  	_ =	shalt  }
0x41: {  	_ =	shalt  }
0x42: {  	_ =	shalt  }
0x43: {  	_ =	shalt  }
0x44: {  	_ =	shalt  }
0x45: {  	_ =	shalt  }
0x46: {  	_ =	shalt  }
0x47: {  	_ =	shalt  }
0x48: {  	_ =	shalt  }
0x49: {  	_ =	shalt  }
0x4a: {  	_ =	shalt  }
0x4b: {  	_ =	shalt  }
0x4c: {  	_ =	shalt  }
0x4d: {  	_ =	shalt  }
0x4e: {  	_ =	shalt  }
0x4f: {  	_ =	shalt  }
0x50: {  	_ =	shalt  }
0x51: {  	_ =	shalt  }
0x52: {  	_ =	shalt  }
0x53: {  	_ =	shalt  }
0x54: {  	_ =	shalt  }
0x55: {  	_ =	shalt  }
0x56: {  	_ =	shalt  }
0x57: {  	_ =	shalt  }
0x58: {  	_ =	shalt  }
0x59: {  	_ =	shalt  }
0x5a: {  	_ =	shalt  }
0x5b: {  	_ =	shalt  }
0x5c: {  	_ =	shalt  }
0x5d: {  	_ =	shalt  }
0x5e: {  	_ =	shalt  }
0x5f: {  	_ =	shalt  }
0x60: {  	_ =	shalt  }
0x61: {  	_ =	shalt  }
0x62: {  	_ =	shalt  }
0x63: {  	_ =	shalt  }
0x64: {  	_ =	shalt  }
0x65: {  	_ =	shalt  }
0x66: {  	_ =	shalt  }
0x67: {  	_ =	shalt  }
0x68: {  	_ =	shalt  }
0x69: {  	_ =	shalt  }
0x6a: {  	_ =	shalt  }
0x6b: {  	_ =	shalt  }
0x6c: {  	_ =	shalt  }
0x6d: {  	_ =	shalt  }
0x6e: {  	_ =	shalt  }
0x6f: {  	_ =	shalt  }
0x70: {  	_ =	shalt  }
0x71: {  	_ =	shalt  }
0x72: {  	_ =	shalt  }
0x73: {  	_ =	shalt  }
0x74: {  	_ =	shalt  }
0x75: {  	_ =	shalt  }
0x76: {  	_ =	shalt  }
0x77: {  	_ =	shalt  }
0x78: {  	_ =	shalt  }
0x79: {  	_ =	shalt  }
0x7a: {  	_ =	shalt  }
0x7b: {  	_ =	shalt  }
0x7c: {  	_ =	shalt  }
0x7d: {  	_ =	shalt  }
0x7e: {  	_ =	shalt  }
0x7f: {  	_ =	shalt  }
0x80: {  	_ =	shalt  }
0x81: {  	_ =	shalt  }
0x82: {  	_ =	shalt  }
0x83: {  	_ =	shalt  }
0x84: {  	_ =	shalt  }
0x85: {  	_ =	shalt  }
0x86: {  	_ =	shalt  }
0x87: {  	_ =	shalt  }
.Lfunc_end0:
.L_simem_size_0:
called_computation_lowered:
.L_overlay_start_0:
0x88: {  	s2 =	sld [smem:$0x3FD9]  }
0x89: {  	s3 =	sld [smem:$0x3FFE];
	_ =	sdelay $0x1  }
0x8a: {  	s1 =	srdreg.scid  }
0x8b: {  	s0 =	sand.u32 $0x1, s1  }
0x8c: {  	s18 =	sshll.u32 s0, $0xA;
	s2 =	sadd.s32 s3, s2  }
0x8d: {  	s2 =	sadd.s32 s2, s18  }
0x8e: {  	[smem:$0x3FC3] =	sst s2  }
0x8f: {  	_ = 	snop  }
0x90: {  	s2 =	sld [smem:$0x3FC9]  }
0x91: {  	s19 =	sld [smem:$0x3FC8]  }
0x92: {  	s4 =	sld [smem:$0x3FC7]  }
0x93: {  	s5 =	sld [smem:$0x3FC6]  }
0x94: {  	s6 =	sld [smem:$0x3FC5]  }
0x95: {  	s7 =	sld [smem:$0x3FD0];
	(tm) =	ssettm $0x1  }
0x96: {  	s8 =	sld [smem:$0x3FFB];
	_ =	sdelay $0x3  }
0x97: {  	_ =	strace s8  }
0x98: {  	s8 =	sld [smem:$0x3FFC];
	_ =	sdelay $0x3  }
0x99: {  	_ =	strace s8  }
0x9a: {  	s8 =	sld [smem:$0x3FFD];
	_ =	sdelay $0x3  }
0x9b: {  	_ =	strace s8  }
0x9c: {  	_ =	strace $0x8FFFFFFF  }
0x9d: {  	s20 =	sld [smem:$0x3FDB];
	_ =	sdelay $0x1  }
0x9e: {  	s9 =	simm.s32 $_scs_section_size  }
0x9f: {  	s10 =	simm.s32 $_size__tile_overlayer_lowered;
	s11 =	simm.s32 $_tile_overlayer_lowered  }
0xa0: {  	s23 =	simm.s32 $0x1BFF;
	s22 =	sshll.u32 s11, $0x1;
	s8 =	sadd.s32 s9, s20  }
0xa1: {  	s12 =	simm.s32 $0x0;
	s21 =	sshll.u32 s10, $0x1;
	s10 =	sadd.s32 s22, s8  }
0xa2: {  	[timem:s12], [sflag:s23] =	dma.local [hbm:s10], s21  }
0xa3: {  	_ =	swait.ge [sflag:s23], s21  }
0xa4: {  	s9 =	ssub.s32 $0x0, s21;
	[sflag:s23] =	ssyncset.done $0x0  }
0xa5: {  	[sflag:s23] =	ssyncadd.s32 s9;
	_ =	sdelay $0x1  }
0xa6: {  	s24 =	simm.s32 $0x1B8B  }
0xa7: {  	_ =	swait.ge [sflag:s24], $0x1  }
0xa8: {  	[sflag:s24] =	ssyncset.done $0x0  }
0xa9: {  	s25 =	simm.s32 $0x1B8E;
	[sflag:s24] =	ssyncadd.s32 $0xFFFFFFFF  }
0xaa: {  	s26 =	simm.s32 $execute0_lowered;
	[smem:$0x3FD2] =	sst s25  }
0xab: {  	s9 =	sshll.u32 s26, $0x1;
	_ =	strace $0x80000046;
	[dreg:$0x1] =	wrdreg $0xFFFFFFFF  }
0xac: {  	s28 =	simm.s32 $_size_execute0_lowered;
	s8 =	sadd.s32 s8, s9;
	[dreg:$0x0] =	wrdreg $0x0  }
0xad: {  	s9 =	sshll.u32 s28, $0x1;
	[dreg:$0x2] =	wrdreg s8  }
0xae: {  	[dreg:$0x3] =	wrdreg s9  }
0xaf: {  	[dreg:$0x4] =	wrdreg $0xC0  }
0xb0: {  	_ =	task [dreg:s12], $0x5FFFF  }
0xb1: {  	[dreg:$0x1] =	wrdreg $0xFFFFFFFF  }
0xb2: {  	[dreg:$0x0] =	wrdreg $0x60  }
0xb3: {  	[dreg:$0x2] =	wrdreg s2  }
0xb4: {  	[dreg:$0x3] =	wrdreg s19  }
0xb5: {  	[dreg:$0x4] =	wrdreg s4  }
0xb6: {  	[dreg:$0x5] =	wrdreg s5  }
0xb7: {  	[dreg:$0x6] =	wrdreg s6  }
0xb8: {  	[dreg:$0x7] =	wrdreg s7  }
0xb9: {  	[dreg:$0x8] =	wrdreg $0x9  }
0xba: {  	_ =	task.clear_ibuf [dreg:s12], $0x9FFFF;
	_ =	strace $0x90000046  }
0xbb: {  	s29 =	simm.s32 $0x9;
	_ =	strace $0x80000048  }
0xbc: {  	_ =	swait.ge [sflag:s29], $0x1  }
0xbd: {  	[sflag:s29] =	ssyncadd.s32 $0xFFFFFFFF  }
0xbe: {  	_ =	strace $0x90000048  }
0xbf: {  	_ =	sfence  }
0xc0: {  	s30 =	sld [smem:$0x0];
	_ =	sdelay $0x2  }
0xc1: {  	s31 =	sshll.u32 s1, $0xD;
	s1 =	sshrl.u32 s1, $0x2  }
0xc2: {  	s3 =	sand.u32 $0x4000, s31;
	s1 =	sadd.s32 s1, s30  }
0xc3: {  	s0 =	sor.u32 s3, s0;
	s1 =	sshll.u32 s1, $0x11  }
0xc4: {  	s0 =	sor.u32 s1, s0  }
0xc5: {  	s0 =	sadd.s32 $0x8F2B, s0  }
0xc6: {  	[sflag:s0] =	ssyncadd.remote.s32 $0x1  }
0xc7: {  	_ =	sfence.sel $0xFFFF  }
0xc8: {  	[dreg:$0x0] =	wrdreg $0xFFFFFFFF;
	(pc) =	sbr.abs _section_cstart, $3  }
0xc9: {  	[dreg:$0x1] =	wrdreg $0xFFFFFFFF  }
0xca: {  	_ =	task.clear_ibuf [dreg:s12], $0x2FFFF;
	_ =	strace $0x9FFFFFFF  }
0xcb: {  	(tm) =	ssettm $0x7FFFFFFF  }
tec
execute0_lowered:
.L_overlay_start_1:
0x0: {  	(tag) =	ssettag $0x1  }
0x1: {  	vm0 =	vcmask $0xB08;
	vm1 =	vcmask $0x300  }
0x2: {  	v0 =	vimm.s32 $0xEFCDAB89;
	v1 =	vimm.s32 $0x67452301;
	v2 =	vimm.s32 $0xDCFE98BA  }
0x3: {  	s1 =	rddreg [dreg:$0x0];
	v61 =	vimm.s32 $0x54761032;
	v3 =	vimm.s32 $0xBA98FEDC;
	v4 =	vimm.s32 $0x32107654  }
0x4: {  	s4 =	rddreg [dreg:$0x1];
	vm2 =	vcmask $0x700;
	v62 =	vimm.s32 $0xFEDCBA98;
	v63 =	vimm.s32 $0x76543210  }
0x5: {  	s7 =	rddreg [dreg:$0x2];
	vm0 =	vmor vm1, vm0;
	vm1 =	vcmask $0x1310;
	v0 =	vunpack.c.l.s4.s8 v0  }
0x6: {  	s0 =	rddreg [dreg:$0x3];
	v1 =	vunpack.c.l.s4.s8 v1;
	v60 =	vunpack.c.l.s4.s8 v2;
	v2 =	vunpack.c.l.s4.s8 v61  }
0x7: {  	s2 =	rddreg [dreg:$0x4];
	v3 =	vunpack.c.l.s4.s8 v3;
	vm0 =	vmor vm0, vm1;
	vm1 =	vcmask $0x1B18  }
0x8: {  	s3 =	rddreg [dreg:$0x5];
	vm0 =	vmor vm0, vm1;
	vm1 =	vcmask $0x2320;
	v0 =	vunpack.c.0.s8.s32 v0  }
0x9: {  	s6 =	srdreg.scid;
	s5 =	simm.s32 $0x0;
	s9 =	stileid.u32;
	v1 =	vunpack.c.0.s8.s32 v1;
	vm0 =	vmor vm0, vm1;
	vm1 =	vcmask $0x2B28  }
0xa: {  	s15 =	simm.s32 $0x400;
	s16 =	simm.s32 $0x40;
	s19 =	simm.s32 $0x1;
	v4 =	vunpack.c.l.s4.s8 v4;
	v2 =	vunpack.c.0.s8.s32 v2;
	vm0 =	vmor vm0, vm1  }
0xb: {  	s20 =	simm.s32 $0x2;
	s21 =	simm.s32 $0x3;
	s28 =	simm.s32 $0x6;
	vm1 =	vcmask $0x3330;
	v0 =	vcombine.low v1, v0;
	v1 =	vunpack.c.0.s8.s32 v60  }
0xc: {  	s29 =	simm.s32 $0x7000;
	s30 =	simm.s32 $0x9000;
	s6 =	sand.u32 $0x1, s6;
	v3 =	vunpack.c.0.s8.s32 v3;
	v4 =	vunpack.c.0.s8.s32 v4;
	vm0 =	vmor vm0, vm1  }
0xd: {  	s9 =	sshll.u32 s9, $0xA;
	s8 =	ssub.s32 $0x2, s6;
	s6 =	sshll.u32 s6, $0x9;
	vm1 =	vcmask $0x3B38;
	v1 =	vcombine.low v2, v1;
	v2 =	vunpack.c.l.s4.s8 v62  }
0xe: {  	s31 =	simm.s32 $0xB000;
	[smem:$0x7FF] =	sst s5;
	s6 =	sor.u32 s6, s9;
	v3 =	vcombine.low v4, v3;
	v4 =	vunpack.c.l.s4.s8 v63;
	vm0 =	vmor vm0, vm1  }
0xf: {  	_ =	strace $0x80000047;
	s10 =	sshrl.u32 s8, $0x1;
	s9 =	sshrl.u32 s6, $0x3;
	vm1 =	vcmask $0x1710;
	v7 =	vand.u32 $0xF, v0;
	v2 =	vunpack.c.0.s8.s32 v2  }
0x10: {  	s8 =	ssub.s32 s8, s10;
	s25 =	sadd.s32 s1, s9;
	s26 =	sadd.s32 s4, s9;
	v4 =	vunpack.c.0.s8.s32 v4;
	vm1 =	vmor vm2, vm1;
	vm2 =	vcmask $0x2720  }
0x11: {  	s12 =	sor.u32 $0x8, s9;
	s9 =	sadd.s32 s7, s9;
	[dreg:$0x7] =	wrdreg s25;
	v9 =	vand.u32 $0xF, v3;
	[tilespmem:$0x1FFC0] =	vst v7;
	vm1 =	vmor vm1, vm2;
	v5 =	vand.u32 $0xF, v2  }
0x12: {  	s13 =	smax.u32 s8, $0x1;
	[dreg:$0x8] =	wrdreg s26;
	s10 =	sadd.s32 s1, s12;
	[tilespmem:$0x1FFE0] =	vst v9;
	vm2 =	vcmask $0x3730;
	v8 =	vand.u32 $0xF, v1;
	v10 =	vcombine.low v5, v4  }
0x13: {  	vm3 =	vcmask $0xF00;
	s11 =	sadd.s32 s4, s12;
	s12 =	sadd.s32 s7, s12;
	s25 =	simm.s32 $0x4;
	vm1 =	vmor vm1, vm2;
	vm2 =	vcmask $0x2F20;
	[tilespmem:$0x1FFD0] =	vst v8  }
0x14: {  	s26 =	simm.s32 $0x5;
	s1 =	simm.s32 $0x7;
	s4 =	simm.s32 $0x0;
	vm2 =	vmor vm3, vm2;
	vm3 =	vmmov $0xff;
	[tilespmem:$0x1FFF0] =	vst v10  }
.LBB2_1:
0x15: {  	s7 =	rddreg [dreg:$0x7]  }
0x16: {  	[tilespmem:s5], [sflag:$0x1] =	stream.linear.gather [hbm4b:s7+s5], $0x40, $0x38;
	[tilespmem:$0xD000] =	vst v63  }
0x17: {  	s14 =	rddreg [dreg:$0x8];
	s8 =	simm.s32 $0x200  }
0x18: {  	[tilespmem:s8], [sflag:$0x2] =	stream.linear.gather [hbm4b:s14+s5], $0x40, $0x38;
	[tilespmem:$0xD000] =	vst v63  }
0x19: {  	_ = 	snop  }
0x1a: {  	[tilespmem:s15], [sflag:$0x3] =	stream.linear.gather [hbm4b:s9+s5], $0x40, $0x38;
	[tilespmem:$0xD000] =	vst v63  }
0x1b: {  	_ = 	snop  }
0x1c: {  	[tilespmem:s16], [sflag:$0x4] =	stream.linear.gather [hbm4b:s10+s5], $0x1C0, $0x38;
	[tilespmem:$0xD000] =	vst v63  }
0x1d: {  	s17 =	simm.s32 $0x240  }
0x1e: {  	[tilespmem:s17], [sflag:$0x5] =	stream.linear.gather [hbm4b:s11+s5], $0x1C0, $0x38;
	[tilespmem:$0xD000] =	vst v63  }
0x1f: {  	s18 =	simm.s32 $0x440  }
0x20: {  	[tilespmem:s18], [sflag:$0x6] =	stream.linear.gather [hbm4b:s12+s5], $0x1C0, $0x38;
	[tilespmem:$0xD000] =	vst v63  }
0x21: {  	_ =	swait.ge [sflag:s19], $0x40  }
0x22: {  	[sflag:s19] =	ssyncset.done $0x0  }
0x23: {  	[sflag:s19] =	ssyncadd.s32 $0xFFFFFFC0  }
0x24: {  	_ =	swait.ge [sflag:s20], $0x40  }
0x25: {  	[sflag:s20] =	ssyncset.done $0x0  }
0x26: {  	[sflag:s20] =	ssyncadd.s32 $0xFFFFFFC0  }
0x27: {  	_ =	swait.ge [sflag:s21], $0x40  }
0x28: {  	[sflag:s21] =	ssyncset.done $0x0  }
0x29: {  	s22 =	simm.s32 $0x1000;
	[sflag:s21] =	ssyncadd.s32 $0xFFFFFFC0  }
0x2a: {  	[tilespmem:s22], [sflag:$0x1] =	stream.indirect.gather [hbm4b:s0+s16], $0x80, s5, s16, $0xb8;
	[tilespmem:$0xD000] =	vst v63  }
0x2b: {  	s23 =	simm.s32 $0x3000  }
0x2c: {  	[tilespmem:s23], [sflag:$0x2] =	stream.indirect.gather [hbm4b:s2+s16], $0x80, s8, s16, $0xb8;
	[tilespmem:$0xD000] =	vst v63  }
0x2d: {  	s24 =	simm.s32 $0x5000  }
0x2e: {  	[tilespmem:s24], [sflag:$0x3] =	stream.indirect.gather [hbm4b:s0+s16], $0x80, s15, s16, $0xb8;
	[tilespmem:$0xD000] =	vst v63  }
0x2f: {  	_ =	swait.ge [sflag:s25], $0x1C0  }
0x30: {  	[sflag:s25] =	ssyncset.done $0x0  }
0x31: {  	[sflag:s25] =	ssyncadd.s32 $0xFFFFFE40  }
0x32: {  	_ =	swait.ge [sflag:s26], $0x1C0  }
0x33: {  	[sflag:s26] =	ssyncset.done $0x0  }
0x34: {  	[sflag:s26] =	ssyncadd.s32 $0xFFFFFE40  }
0x35: {  	_ =	swait.ge [sflag:s28], $0x1C0  }
0x36: {  	[sflag:s28] =	ssyncset.done $0x0  }
0x37: {  	s22 =	simm.s32 $0x0;
	[sflag:s28] =	ssyncadd.s32 $0xFFFFFE40  }
.LBB2_2:
0x38: {  	s17 =	sshll.u32 s22, $0x7  }
0x39: {  	s18 =	sor.u32 $0x40, s17  }
0x3a: {  	[tilespmem:s29], [sflag:$0x4] =	stream.indirect.gather [hbm4b:s0+s16], $0x80, s18, s16, $0xb8;
	[tilespmem:$0xD000] =	vst v63  }
0x3b: {  	s7 =	sadd.s32 $0x240, s17  }
0x3c: {  	[tilespmem:s30], [sflag:$0x5] =	stream.indirect.gather [hbm4b:s2+s16], $0x80, s7, s16, $0xb8;
	[tilespmem:$0xD000] =	vst v63  }
0x3d: {  	s24 =	sadd.s32 $0x440, s17  }
0x3e: {  	[tilespmem:s31], [sflag:$0x6] =	stream.indirect.gather [hbm4b:s0+s16], $0x80, s24, s16, $0xb8;
	[tilespmem:$0xD000] =	vst v63  }
0x3f: {  	_ =	swait.ge [sflag:s19], $0x2000  }
0x40: {  	[sflag:s19] =	ssyncset.done $0x0  }
0x41: {  	[sflag:s19] =	ssyncadd.s32 $0xFFFFE000  }
0x42: {  	_ =	swait.ge [sflag:s20], $0x2000  }
0x43: {  	[sflag:s20] =	ssyncset.done $0x0  }
0x44: {  	[sflag:s20] =	ssyncadd.s32 $0xFFFFE000  }
0x45: {  	s23 =	simm.s32 $0xFFFFFFFE;
	_ =	swait.ge [sflag:s21], $0x2000  }
0x46: {  	s14 =	simm.s32 $0x3200;
	s8 =	simm.s32 $0x880;
	[sflag:s21] =	ssyncset.done $0x0  }
0x47: {  	s7 =	simm.s32 $0x1200;
	s24 =	simm.s32 $0x5200;
	[sflag:s21] =	ssyncadd.s32 $0xFFFFE000  }
.LBB2_3:
0x48: {  	v5 =	vld [tilespmem:s7+$0xFFFFFE00]  }
0x49: {  	v6 =	vld [tilespmem:s14+$0xFFFFFE00]  }
0x4a: {  	v7 =	vld [tilespmem:s24+$0xFFFFFE00]  }
0x4b: {  	v8 =	vld [tilespmem:s7+$0xFFFFFE10]  }
0x4c: {  	v9 =	vld [tilespmem:s14+$0xFFFFFE10]  }
0x4d: {  	v10 =	vld [tilespmem:s24+$0xFFFFFE10]  }
0x4e: {  	v11 =	vld [tilespmem:s7+$0xFFFFFE20]  }
0x4f: {  	v12 =	vld [tilespmem:s14+$0xFFFFFE20]  }
0x50: {  	v13 =	vld [tilespmem:s24+$0xFFFFFE20]  }
0x51: {  	v14 =	vld [tilespmem:s7+$0xFFFFFE30]  }
0x52: {  	v15 =	vld [tilespmem:s14+$0xFFFFFE30]  }
0x53: {  	v16 =	vld [tilespmem:s24+$0xFFFFFE30]  }
0x54: {  	v17 =	vld [tilespmem:s7+$0xFFFFFE40]  }
0x55: {  	v18 =	vld [tilespmem:s14+$0xFFFFFE40]  }
0x56: {  	v19 =	vld [tilespmem:s24+$0xFFFFFE40]  }
0x57: {  	v20 =	vld [tilespmem:s7+$0xFFFFFE50]  }
0x58: {  	v21 =	vld [tilespmem:s14+$0xFFFFFE50]  }
0x59: {  	v22 =	vld [tilespmem:s24+$0xFFFFFE50]  }
0x5a: {  	v23 =	vld [tilespmem:s7+$0xFFFFFE60]  }
0x5b: {  	v24 =	vld [tilespmem:s14+$0xFFFFFE60]  }
0x5c: {  	v25 =	vld [tilespmem:s24+$0xFFFFFE60]  }
0x5d: {  	v26 =	vld [tilespmem:s7+$0xFFFFFE70]  }
0x5e: {  	v27 =	vld [tilespmem:s14+$0xFFFFFE70]  }
0x5f: {  	v28 =	vld [tilespmem:s24+$0xFFFFFE70]  }
0x60: {  	v29 =	vld [tilespmem:s7+$0xFFFFFE80]  }
0x61: {  	v30 =	vld [tilespmem:s14+$0xFFFFFE80]  }
0x62: {  	v31 =	vld [tilespmem:s24+$0xFFFFFE80]  }
0x63: {  	v32 =	vld [tilespmem:s7+$0xFFFFFE90]  }
0x64: {  	v33 =	vld [tilespmem:s14+$0xFFFFFE90]  }
0x65: {  	v34 =	vld [tilespmem:s24+$0xFFFFFE90]  }
0x66: {  	v35 =	vld [tilespmem:s7+$0xFFFFFEA0]  }
0x67: {  	v36 =	vld [tilespmem:s14+$0xFFFFFEA0]  }
0x68: {  	v37 =	vld [tilespmem:s24+$0xFFFFFEA0]  }
0x69: {  	v38 =	vld [tilespmem:s7+$0xFFFFFEB0]  }
0x6a: {  	v39 =	vld [tilespmem:s14+$0xFFFFFEB0]  }
0x6b: {  	v40 =	vld [tilespmem:s24+$0xFFFFFEB0]  }
0x6c: {  	v41 =	vld [tilespmem:s7+$0xFFFFFEC0]  }
0x6d: {  	v42 =	vld [tilespmem:s14+$0xFFFFFEC0]  }
0x6e: {  	v43 =	vld [tilespmem:s24+$0xFFFFFEC0]  }
0x6f: {  	v44 =	vld [tilespmem:s7+$0xFFFFFED0]  }
0x70: {  	v45 =	vld [tilespmem:s14+$0xFFFFFED0]  }
0x71: {  	v46 =	vld [tilespmem:s24+$0xFFFFFED0]  }
0x72: {  	v47 =	vld [tilespmem:s7+$0xFFFFFEE0]  }
0x73: {  	v48 =	vld [tilespmem:s14+$0xFFFFFEE0]  }
0x74: {  	v49 =	vld [tilespmem:s24+$0xFFFFFEE0]  }
0x75: {  	v50 =	vld [tilespmem:s7+$0xFFFFFEF0]  }
0x76: {  	v51 =	vld [tilespmem:s14+$0xFFFFFEF0]  }
0x77: {  	v0 =	vld [tilespmem:s24+$0xFFFFFEF0]  }
0x78: {  	v52 =	vld [tilespmem:s7+$0xFFFFFF00]  }
0x79: {  	v53 =	vld [tilespmem:s14+$0xFFFFFF00]  }
0x7a: {  	v54 =	vld [tilespmem:s24+$0xFFFFFF00]  }
0x7b: {  	v55 =	vld [tilespmem:s7+$0xFFFFFF10]  }
0x7c: {  	v56 =	vld [tilespmem:s14+$0xFFFFFF10]  }
0x7d: {  	v57 =	vld [tilespmem:s24+$0xFFFFFF10]  }
0x7e: {  	v58 =	vld [tilespmem:s7+$0xFFFFFF20]  }
0x7f: {  	v59 =	vld [tilespmem:s14+$0xFFFFFF20]  }
0x80: {  	v60 =	vld [tilespmem:s24+$0xFFFFFF20]  }
0x81: {  	v61 =	vld [tilespmem:s7+$0xFFFFFF30]  }
0x82: {  	v62 =	vld [tilespmem:s14+$0xFFFFFF30]  }
0x83: {  	v63 =	vld [tilespmem:s24+$0xFFFFFF30]  }
0x84: {  	v2 =	vld [tilespmem:s24+$0xFFFFFF50]  }
0x85: {  	v1 =	vld [tilespmem:s7+$0xFFFFFF40]  }
0x86: {  	v3 =	vld [tilespmem:s14+$0xFFFFFF40]  }
0x87: {  	v4 =	vld [tilespmem:s24+$0xFFFFFF40]  }
0x88: {  	[tilespmem:$0x1FF60] =	vst v0;
	v0 =	vld [tilespmem:s7+$0xFFFFFF50]  }
0x89: {  	[tilespmem:$0x1FF30] =	vst v2;
	v2 =	vld [tilespmem:s7+$0xFFFFFF60]  }
0x8a: {  	v12 =	vmul.f32 v12, v11;
	v11 =	vld [tilespmem:s7+$0xFFFFFF70]  }
0x8b: {  	v21 =	vmul.f32 v21, v20;
	v20 =	vld [tilespmem:s14+$0xFFFFFF90]  }
0x8c: {  	v24 =	vmul.f32 v24, v23;
	v23 =	vld [tilespmem:s24+$0xFFFFFF90]  }
0x8d: {  	v36 =	vmul.f32 v36, v35;
	v35 =	vmul.f32 v39, v38;
	v39 =	vld [tilespmem:s7+$0xFFFFFFB0]  }
0x8e: {  	[tilespmem:$0x1FF40] =	vst v2;
	v2 =	vld [tilespmem:s14+$0xFFFFFF60]  }
0x8f: {  	v5 =	vmul.f32 v6, v5;
	v38 =	vmul.f32 v45, v44;
	v44 =	vld [tilespmem:s14+$0xFFFFFFB0]  }
0x90: {  	v61 =	vmul.f32 v62, v61;
	v62 =	vld [tilespmem:s7+$0xFFFFFFE0]  }
0x91: {  	v5 =	vmul.f32 v7, v5;
	v7 =	vld [tilespmem:s14+$0xFFFFFF70]  }
0x92: {  	[tilespmem:$0x1FF20] =	vst v0;
	v0 =	vld [tilespmem:s14+$0xFFFFFF50]  }
0x93: {  	v27 =	vmul.f32 v27, v26;
	[tilespmem:$0x1FF50] =	vst v2;
	v2 =	vmul.f32 v9, v8;
	v8 =	vld [tilespmem:s24+$0xFFFFFF60]  }
0x94: {  	v30 =	vmul.f32 v30, v29;
	v9 =	vmul.f32 v13, v12;
	v12 =	vld [tilespmem:s7+$0xFFFFFF80]  }
0x95: {  	v6 =	vmul.f32 v10, v2;
	v10 =	vmul.f32 v15, v14;
	v15 =	vld [tilespmem:s14+$0xFFFFFF80]  }
0x96: {  	v33 =	vmul.f32 v33, v32;
	v2 =	vmul.f32 v18, v17;
	v17 =	vld [tilespmem:s24+$0xFFFFFF80]  }
0x97: {  	v1 =	vmul.f32 v3, v1;
	v14 =	vmul.f32 v22, v21;
	v18 =	vld [tilespmem:s7+$0xFFFFFF90]  }
0x98: {  	v22 =	vmul.f32 v34, v33;
	v34 =	vmul.f32 v37, v36;
	v36 =	vld [tilespmem:s24+$0xFFFFFFA0]  }
0x99: {  	v37 =	vmul.f32 v42, v41;
	v42 =	vmul.f32 v48, v47;
	v47 =	vld [tilespmem:s24+$0xFFFFFFB0]  }
0x9a: {  	v46 =	vmul.f32 v46, v38;
	v48 =	vmul.f32 v53, v52;
	v53 =	vld [tilespmem:s24+$0xFFFFFFC0]  }
0x9b: {  	v1 =	vmul.f32 v4, v1;
	v33 =	vmul.f32 v44, v39;
	v39 =	vld [tilespmem:s7+$0xFFFFFFF0]  }
0x9c: {  	v21 =	vmul.f32 v31, v30;
	v41 =	vmul.f32 v40, v35;
	v40 =	vld [tilespmem:$0x1FF20]  }
0x9d: {  	v7 =	vmul.f32 v7, v11;
	v35 =	vmul.f32 v63, v61;
	v44 =	vld [tilespmem:$0x1FF30];
	v5 =	vadd.f32 v6, v5  }
0x9e: {  	v10 =	vmul.f32 v16, v10;
	v16 =	vmul.f32 v25, v24;
	v24 =	vld [tilespmem:s7+$0xFFFFFFA0];
	v21 =	vadd.f32 v22, v21  }
0x9f: {  	v13 =	vmul.f32 v19, v2;
	v6 =	vmul.f32 v28, v27;
	v2 =	vld [tilespmem:s14+$0xFFFFFFA0];
	v5 =	vadd.f32 v9, v5  }
0xa0: {  	v45 =	vmul.f32 v43, v37;
	v9 =	vadd.f32 v34, v21;
	v34 =	vld [tilespmem:s14+$0xFFFFFFE0];
	v12 =	vmul.f32 v15, v12  }
0xa1: {  	v18 =	vmul.f32 v20, v18;
	v5 =	vadd.f32 v10, v5;
	v10 =	vmul.f32 v51, v50;
	v51 =	vld [tilespmem:s14+$0xFFFFFFC0]  }
0xa2: {  	v50 =	vmul.f32 v56, v55;
	v55 =	vld [tilespmem:s7+$0xFFFFFFD0];
	v56 =	vmul.f32 v59, v58  }
0xa3: {  	v59 =	vld [tilespmem:s24+$0xFFFFFFD0];
	v12 =	vmul.f32 v17, v12;
	v18 =	vmul.f32 v23, v18;
	v5 =	vadd.f32 v13, v5  }
0xa4: {  	v9 =	vadd.f32 v41, v9;
	v58 =	vmul.f32 v2, v24;
	v13 =	vmul.f32 v49, v42;
	v49 =	vld [tilespmem:s7+$0xFFFFFFC0]  }
0xa5: {  	v52 =	vmul.f32 v54, v48;
	v54 =	vmul.f32 v57, v50;
	v57 =	vld [tilespmem:s14+$0xFFFFFFD0];
	v5 =	vadd.f32 v14, v5  }
0xa6: {  	v41 =	vld [tilespmem:s14+$0xFFFFFFF0];
	v9 =	vadd.f32 v45, v9;
	v12 =	vadd.f32 v18, v12;
	v31 =	vmul.f32 v36, v58  }
0xa7: {  	v45 =	vld [tilespmem:$0x1FF40];
	v14 =	vadd.f32 v54, v52;
	v5 =	vadd.f32 v16, v5;
	v16 =	vmul.f32 v60, v56  }
0xa8: {  	v37 =	vmul.f32 v47, v33;
	v0 =	vmul.f32 v0, v40;
	v9 =	vadd.f32 v46, v9;
	v46 =	vld [tilespmem:$0x1FF50]  }
0xa9: {  	v36 =	vld [tilespmem:s24+$0xFFFFFFE0];
	v12 =	vadd.f32 v31, v12;
	v38 =	vmul.f32 v51, v49;
	v14 =	vadd.f32 v16, v14  }
0xaa: {  	v47 =	vld [tilespmem:s24+$0xFFFFFFF0];
	v0 =	vmul.f32 v44, v0;
	v43 =	vmul.f32 v57, v55  }
0xab: {  	v52 =	vld [tilespmem:$0x1FF60];
	v12 =	vadd.f32 v37, v12;
	v15 =	vmul.f32 v53, v38;
	v14 =	vadd.f32 v35, v14  }
0xac: {  	v42 =	vld [tilespmem:s24+$0xFFFFFF70];
	v49 =	vmul.f32 v34, v62;
	v48 =	vmul.f32 v59, v43  }
0xad: {  	v12 =	vadd.f32 v15, v12;
	v1 =	vadd.f32 v1, v14;
	v14 =	vmul.f32 v46, v45  }
0xae: {  	v2 =	vmul.f32 v41, v39;
	v3 =	vmul.f32 v36, v49  }
0xaf: {  	v51 =	vadd.f32 v48, v12;
	v0 =	vadd.f32 v0, v1;
	v50 =	vmul.f32 v8, v14  }
0xb0: {  	v58 =	vld [tilespmem:$0x1FFC0];
	v9 =	vadd.f32 v13, v9;
	v2 =	vmul.f32 v47, v2;
	v10 =	vmul.f32 v52, v10  }
0xb1: {  	v53 =	vmul.f32 v42, v7;
	v59 =	vld [tilespmem:$0x1FFC0];
	v3 =	vadd.f32 v3, v51;
	v0 =	vadd.f32 v50, v0  }
0xb2: {  	v54 =	vadd.f32 v6, v5;
	v55 =	vadd.f32 v10, v9  }
0xb3: {  	v56 =	vadd.f32 v2, v3;
	v0 =	vadd.f32 v53, v0;
	_ =	sdelay $0x1  }
0xb4: {  	v57 =	vsel vm0, v55, v54;
	v3 =	vsel vm0, v56, v0  }
0xb5: {  	v61 =	vld [tilespmem:$0x1FFD0];
	v2 =	vperm.xlane v57, v58;
	v3 =	vperm.xlane v3, v59  }
0xb6: {  	v4 =	vsel vm0, v54, v55;
	v0 =	vsel vm0, v0, v56  }
0xb7: {  	v60 =	vadd.f32 v2, v4;
	v0 =	vadd.f32 v0, v3;
	_ =	sdelay $0x1  }
0xb8: {  	v2 =	vsel vm1, v0, v60  }
0xb9: {  	v2 =	vperm.xlane v2, v61  }
0xba: {  	v0 =	vsel vm1, v60, v0  }
0xbb: {  	v0 =	vadd.f32 v0, v2;
	_ =	sdelay $0x1  }
0xbc: {  	[tilespmem:s8+$0xFFFFFF80] =	vst v0  }
0xbd: {  	v0 =	vld [tilespmem:s7+$0x0]  }
0xbe: {  	v1 =	vld [tilespmem:s14+$0x0]  }
0xbf: {  	v2 =	vld [tilespmem:s24+$0x0]  }
0xc0: {  	v3 =	vld [tilespmem:s7+$0x10]  }
0xc1: {  	v5 =	vld [tilespmem:s14+$0x10]  }
0xc2: {  	v6 =	vld [tilespmem:s24+$0x10]  }
0xc3: {  	v7 =	vld [tilespmem:s7+$0x20]  }
0xc4: {  	v8 =	vld [tilespmem:s14+$0x20]  }
0xc5: {  	v9 =	vld [tilespmem:s24+$0x20]  }
0xc6: {  	v10 =	vld [tilespmem:s7+$0x30]  }
0xc7: {  	v11 =	vld [tilespmem:s14+$0x30]  }
0xc8: {  	v12 =	vld [tilespmem:s24+$0x30]  }
0xc9: {  	v13 =	vld [tilespmem:s7+$0x40]  }
0xca: {  	v14 =	vld [tilespmem:s14+$0x40]  }
0xcb: {  	v15 =	vld [tilespmem:s24+$0x40]  }
0xcc: {  	v16 =	vld [tilespmem:s7+$0x50]  }
0xcd: {  	v17 =	vld [tilespmem:s14+$0x50]  }
0xce: {  	v18 =	vld [tilespmem:s24+$0x50]  }
0xcf: {  	v19 =	vld [tilespmem:s7+$0x60]  }
0xd0: {  	v20 =	vld [tilespmem:s14+$0x60]  }
0xd1: {  	v21 =	vld [tilespmem:s24+$0x60]  }
0xd2: {  	v22 =	vld [tilespmem:s7+$0x70]  }
0xd3: {  	v23 =	vld [tilespmem:s14+$0x70]  }
0xd4: {  	v24 =	vld [tilespmem:s24+$0x70]  }
0xd5: {  	v25 =	vld [tilespmem:s7+$0x80]  }
0xd6: {  	v26 =	vld [tilespmem:s14+$0x80]  }
0xd7: {  	v27 =	vld [tilespmem:s24+$0x80]  }
0xd8: {  	v28 =	vld [tilespmem:s7+$0x90]  }
0xd9: {  	v29 =	vld [tilespmem:s14+$0x90]  }
0xda: {  	v30 =	vld [tilespmem:s24+$0x90]  }
0xdb: {  	v31 =	vld [tilespmem:s7+$0xA0]  }
0xdc: {  	v32 =	vld [tilespmem:s14+$0xA0]  }
0xdd: {  	v33 =	vld [tilespmem:s24+$0xA0]  }
0xde: {  	v34 =	vld [tilespmem:s7+$0xB0]  }
0xdf: {  	v35 =	vld [tilespmem:s14+$0xB0]  }
0xe0: {  	v36 =	vld [tilespmem:s24+$0xB0]  }
0xe1: {  	v37 =	vld [tilespmem:s7+$0xC0]  }
0xe2: {  	v38 =	vld [tilespmem:s14+$0xC0]  }
0xe3: {  	v39 =	vld [tilespmem:s24+$0xC0]  }
0xe4: {  	v40 =	vld [tilespmem:s7+$0xD0]  }
0xe5: {  	v41 =	vld [tilespmem:s14+$0xD0]  }
0xe6: {  	v42 =	vld [tilespmem:s24+$0xD0]  }
0xe7: {  	v43 =	vld [tilespmem:s7+$0xE0]  }
0xe8: {  	v44 =	vld [tilespmem:s14+$0xE0]  }
0xe9: {  	v45 =	vld [tilespmem:s24+$0xE0]  }
0xea: {  	v46 =	vld [tilespmem:s7+$0xF0]  }
0xeb: {  	v47 =	vld [tilespmem:s14+$0xF0]  }
0xec: {  	v62 =	vld [tilespmem:s24+$0xF0]  }
0xed: {  	v48 =	vld [tilespmem:s7+$0x100]  }
0xee: {  	v49 =	vld [tilespmem:s14+$0x100]  }
0xef: {  	v50 =	vld [tilespmem:s24+$0x100]  }
0xf0: {  	v51 =	vld [tilespmem:s7+$0x110]  }
0xf1: {  	v52 =	vld [tilespmem:s14+$0x110]  }
0xf2: {  	v53 =	vld [tilespmem:s24+$0x110]  }
0xf3: {  	v54 =	vld [tilespmem:s7+$0x120]  }
0xf4: {  	v55 =	vld [tilespmem:s14+$0x120]  }
0xf5: {  	v56 =	vld [tilespmem:s24+$0x120]  }
0xf6: {  	v57 =	vld [tilespmem:s7+$0x130]  }
0xf7: {  	v58 =	vld [tilespmem:s14+$0x130]  }
0xf8: {  	v63 =	vld [tilespmem:s24+$0x140]  }
0xf9: {  	v59 =	vld [tilespmem:s24+$0x130]  }
0xfa: {  	v60 =	vld [tilespmem:s7+$0x140]  }
0xfb: {  	v61 =	vld [tilespmem:s14+$0x140]  }
0xfc: {  	v4 =	vld [tilespmem:s14+$0x150]  }
0xfd: {  	[tilespmem:$0x1FF70] =	vst v63;
	v63 =	vld [tilespmem:s7+$0x150]  }
0xfe: {  	[tilespmem:$0x1FFB0] =	vst v62;
	v62 =	vld [tilespmem:s24+$0x150]  }
0xff: {  	v0 =	vmul.f32 v1, v0;
	v1 =	vmul.f32 v5, v3;
	v3 =	vld [tilespmem:s24+$0x160]  }
0x100: {  	v20 =	vmul.f32 v20, v19;
	v19 =	vld [tilespmem:s24+$0x190]  }
0x101: {  	v28 =	vmul.f32 v29, v28;
	v29 =	vmul.f32 v32, v31;
	v32 =	vld [tilespmem:s24+$0x1A0]  }
0x102: {  	v31 =	vmul.f32 v35, v34;
	v35 =	vld [tilespmem:s7+$0x1B0]  }
0x103: {  	v17 =	vmul.f32 v17, v16;
	v34 =	vmul.f32 v41, v40;
	v40 =	vld [tilespmem:s14+$0x1B0]  }
0x104: {  	v0 =	vmul.f32 v2, v0;
	v1 =	vmul.f32 v6, v1;
	v2 =	vld [tilespmem:s14+$0x170]  }
0x105: {  	v6 =	vmul.f32 v11, v10;
	v10 =	vmul.f32 v18, v17;
	[tilespmem:$0x1FF80] =	vst v62;
	v62 =	vld [tilespmem:s7+$0x160]  }
0x106: {  	v11 =	vld [tilespmem:s14+$0x180];
	v18 =	vmul.f32 v30, v28;
	v30 =	vmul.f32 v33, v29  }
0x107: {  	v33 =	vmul.f32 v38, v37;
	v38 =	vmul.f32 v44, v43;
	v43 =	vld [tilespmem:s24+$0x1B0]  }
0x108: {  	v44 =	vmul.f32 v49, v48;
	v49 =	vld [tilespmem:s14+$0x1C0]  }
0x109: {  	v48 =	vmul.f32 v52, v51;
	v51 =	vld [tilespmem:s24+$0x1C0]  }
0x10a: {  	[tilespmem:$0x1FFA0] =	vst v62;
	v62 =	vld [tilespmem:s14+$0x160]  }
0x10b: {  	v29 =	vld [tilespmem:s24+$0x1D0]  }
0x10c: {  	v37 =	vmul.f32 v36, v31;
	v31 =	vld [tilespmem:s7+$0x1E0]  }
0x10d: {  	v26 =	vmul.f32 v26, v25;
	v42 =	vmul.f32 v42, v34;
	v34 =	vld [tilespmem:s14+$0x1E0]  }
0x10e: {  	v6 =	vmul.f32 v12, v6;
	v12 =	vmul.f32 v21, v20;
	v20 =	vld [tilespmem:s7+$0x1A0]  }
0x10f: {  	v21 =	vld [tilespmem:s14+$0x1A0];
	[tilespmem:$0x1FF90] =	vst v62;
	v62 =	vmul.f32 v8, v7  }
0x110: {  	v17 =	vmul.f32 v27, v26;
	v52 =	vmul.f32 v53, v48;
	v53 =	vld [tilespmem:s7+$0x1D0]  }
0x111: {  	v8 =	vld [tilespmem:s7+$0x180];
	v5 =	vmul.f32 v9, v62;
	v62 =	vmul.f32 v14, v13  }
0x112: {  	v23 =	vmul.f32 v23, v22;
	v55 =	vmul.f32 v55, v54;
	v0 =	vadd.f32 v1, v0;
	v14 =	vld [tilespmem:s7+$0x190]  }
0x113: {  	v36 =	vmul.f32 v61, v60;
	v17 =	vadd.f32 v18, v17;
	v9 =	vmul.f32 v15, v62;
	v62 =	vld [tilespmem:s14+$0x190]  }
0x114: {  	v1 =	vmul.f32 v24, v23;
	v50 =	vmul.f32 v50, v44;
	v44 =	vld [tilespmem:$0x1FF80];
	v0 =	vadd.f32 v5, v0  }
0x115: {  	v41 =	vmul.f32 v39, v33;
	v27 =	vmul.f32 v21, v20;
	v13 =	vld [tilespmem:s24+$0x180];
	v5 =	vadd.f32 v30, v17  }
0x116: {  	v33 =	vmul.f32 v40, v35;
	v4 =	vmul.f32 v4, v63;
	v7 =	vld [tilespmem:s7+$0x170];
	v0 =	vadd.f32 v6, v0  }
0x117: {  	v40 =	vld [tilespmem:s7+$0x1F0];
	v32 =	vmul.f32 v32, v27;
	v8 =	vmul.f32 v11, v8;
	v5 =	vadd.f32 v37, v5  }
0x118: {  	v0 =	vadd.f32 v9, v0;
	v9 =	vmul.f32 v45, v38;
	v45 =	vld [tilespmem:s7+$0x1C0];
	v14 =	vmul.f32 v62, v14  }
0x119: {  	v4 =	vmul.f32 v44, v4;
	v30 =	vmul.f32 v58, v57;
	v5 =	vadd.f32 v41, v5;
	v41 =	vld [tilespmem:$0x1FF70]  }
0x11a: {  	v8 =	vmul.f32 v13, v8;
	v62 =	vld [tilespmem:s14+$0x1D0];
	v0 =	vadd.f32 v10, v0;
	v14 =	vmul.f32 v19, v14  }
0x11b: {  	v2 =	vmul.f32 v2, v7;
	v6 =	vmul.f32 v47, v46;
	v37 =	vld [tilespmem:s24+$0x1E0];
	v10 =	vadd.f32 v52, v50  }
0x11c: {  	v46 =	vld [tilespmem:$0x1FFA0];
	v0 =	vadd.f32 v12, v0;
	v12 =	vmul.f32 v56, v55;
	v8 =	vadd.f32 v14, v8  }
0x11d: {  	v35 =	vmul.f32 v59, v30;
	v5 =	vadd.f32 v42, v5;
	v39 =	vmul.f32 v49, v45;
	v45 =	vld [tilespmem:$0x1FF90]  }
0x11e: {  	v38 =	vmul.f32 v43, v33;
	v42 =	vld [tilespmem:s14+$0x1F0];
	v10 =	vadd.f32 v12, v10;
	v8 =	vadd.f32 v32, v8  }
0x11f: {  	v43 =	vld [tilespmem:s24+$0x170];
	v12 =	vmul.f32 v41, v36;
	v13 =	vmul.f32 v62, v53  }
0x120: {  	v53 =	vld [tilespmem:$0x1FFB0];
	v11 =	vmul.f32 v51, v39;
	v10 =	vadd.f32 v35, v10;
	v8 =	vadd.f32 v38, v8  }
0x121: {  	v47 =	vld [tilespmem:s24+$0x1F0];
	v49 =	vmul.f32 v34, v31;
	v48 =	vmul.f32 v29, v13  }
0x122: {  	v10 =	vadd.f32 v12, v10;
	v12 =	vmul.f32 v45, v46;
	v8 =	vadd.f32 v11, v8  }
0x123: {  	v51 =	vmul.f32 v37, v49;
	v52 =	vmul.f32 v42, v40  }
0x124: {  	v4 =	vadd.f32 v4, v10;
	v3 =	vmul.f32 v3, v12;
	v50 =	vadd.f32 v48, v8  }
0x125: {  	v5 =	vadd.f32 v9, v5;
	v2 =	vmul.f32 v43, v2;
	v6 =	vmul.f32 v53, v6  }
0x126: {  	v59 =	vld [tilespmem:$0x1FFC0];
	v56 =	vmul.f32 v47, v52;
	v3 =	vadd.f32 v3, v4;
	v54 =	vadd.f32 v51, v50  }
0x127: {  	v0 =	vadd.f32 v1, v0;
	v57 =	vadd.f32 v6, v5  }
0x128: {  	v2 =	vadd.f32 v2, v3;
	v58 =	vadd.f32 v56, v54;
	_ =	sdelay $0x1  }
0x129: {  	v60 =	vsel vm0, v57, v0;
	v61 =	vsel vm0, v58, v2  }
0x12a: {  	v55 =	vld [tilespmem:$0x1FFD0];
	v4 =	vperm.xlane v60, v59;
	v5 =	vperm.xlane v61, v59  }
0x12b: {  	v0 =	vsel vm0, v0, v57;
	v62 =	vsel vm0, v2, v58  }
0x12c: {  	v0 =	vadd.f32 v4, v0;
	v1 =	vadd.f32 v62, v5  }
0x12d: {  	s23 =	sadd.s32 $0x2, s23  }
0x12e: {  	p0 =	slt.u32 s23, $0xE;
	v63 =	vsel vm1, v1, v0  }
.Ltmp0:
0x12f: {  	v2 =	vperm.xlane v63, v55;
	(pc) =	sbr.rel @p0 .LBB2_3-.Ltmp0, $4  }
0x130: {  	v0 =	vsel vm1, v0, v1  }
0x131: {  	v0 =	vadd.f32 v0, v2  }
0x132: {  	s24 =	sadd.s32 $0x400, s24  }
0x133: {  	s7 =	sadd.s32 $0x400, s7;
	s14 =	sadd.s32 $0x400, s14;
	[tilespmem:s8+$0x0] =	vst v0;
	s8 =	sadd.s32 $0x100, s8  }
0x134: {  	s8 =	sadd.s32 $0x600, s17;
	v7 =	vld [tilespmem:$0x1FFE0]  }
0x135: {  	s7 =	simm.s32 $0x0;
	p0 =	por $0x1, $0x1;
	v8 =	vld [tilespmem:$0x1FFF0];
	v4 =	vmov s8  }
.LBB2_5:
0x136: {  	s8 =	sshll.u32 s7, $0x9  }
0x137: {  	s8 =	sand.u32 $0x3FFFFE00, s8  }
0x138: {  	v0 =	vld [tilespmem:s8+$0x800]  }
0x139: {  	v1 =	vld [tilespmem:s8+$0x880]  }
0x13a: {  	v2 =	vld [tilespmem:s8+$0x900]  }
0x13b: {  	v3 =	vld [tilespmem:s8+$0x980];
	_ =	sdelay $0x4  }
0x13c: {  	v5 =	vsel vm2, v1, v0;
	v6 =	vsel vm2, v3, v2  }
0x13d: {  	v5 =	vperm.xlane v5, v7;
	v6 =	vperm.xlane v6, v7  }
0x13e: {  	v0 =	vsel vm2, v0, v1;
	v58 =	vsel vm2, v2, v3  }
0x13f: {  	v0 =	vadd.f32 v5, v0;
	v1 =	vadd.f32 v6, v58;
	_ =	sdelay $0x1  }
0x140: {  	v59 =	vsel vm3, v1, v0  }
0x141: {  	v2 =	vperm.xlane v59, v8  }
0x142: {  	v0 =	vsel vm3, v0, v1  }
0x143: {  	s14 =	sshll.u32 s7, $0x4;
	s23 =	sor.u32 $0x1, s7;
	v0 =	vadd.f32 v0, v2  }
0x144: {  	s8 =	sand.u32 $0x3FFFFFF0, s14;
	s14 =	sshll.u32 s23, $0x9  }
0x145: {  	s24 =	sand.u32 $0x3FFFFE00, s14;
	[tilespmem:v4+s8+$0x0 ss:$0x1] =	vst.idx.msk $0xffff, v0  }
0x146: {  	v0 =	vld [tilespmem:s24+$0x800]  }
0x147: {  	v60 =	vld [tilespmem:s24+$0x880]  }
0x148: {  	v61 =	vld [tilespmem:s24+$0x900]  }
0x149: {  	v3 =	vld [tilespmem:s24+$0x980];
	_ =	sdelay $0x4  }
0x14a: {  	v5 =	vsel vm2, v60, v0;
	v6 =	vsel vm2, v3, v61  }
0x14b: {  	v5 =	vperm.xlane v5, v7;
	v6 =	vperm.xlane v6, v7  }
0x14c: {  	v0 =	vsel vm2, v0, v60;
	v62 =	vsel vm2, v61, v3  }
0x14d: {  	v0 =	vadd.f32 v5, v0;
	v1 =	vadd.f32 v6, v62;
	_ =	sdelay $0x1  }
0x14e: {  	p1 =	por p0, p0;
	v63 =	vsel vm3, v1, v0  }
.Ltmp1:
0x14f: {  	v2 =	vperm.xlane v63, v8;
	(pc) =	sbr.rel @p1 .LBB2_5-.Ltmp1, $4  }
0x150: {  	v0 =	vsel vm3, v0, v1  }
0x151: {  	s7 =	sshll.u32 s23, $0x4;
	v0 =	vadd.f32 v0, v2  }
0x152: {  	s7 =	sand.u32 $0x3FFFFFF0, s7  }
0x153: {  	p0 =	por $0x0, $0x0;
	[tilespmem:v4+s7+$0x0 ss:$0x1] =	vst.idx.msk $0xffff, v0;
	s7 =	simm.s32 $0x2  }
0x154: {  	p0 =	seq.s32 s22, $0x3  }
0x155: {  	s7 =	sadd.s32 @!p0 $0x80, s17;
	s8 =	simm.s32 @!p0 $0x40;
	s14 =	simm.s32 @!p0 $0x1000  }
0x156: {  	[tilespmem:s14], [sflag:$0x1] =	stream.indirect.gather @!p0 [hbm4b:s0+s8], $0x80, s7, s8, $0xb8;
	[tilespmem:$0xD000] =	vst v63  }
0x157: {  	s7 =	sadd.s32 @!p0 $0x280, s17;
	s14 =	simm.s32 @!p0 $0x3000  }
0x158: {  	[tilespmem:s14], [sflag:$0x2] =	stream.indirect.gather @!p0 [hbm4b:s2+s8], $0x80, s7, s8, $0xb8;
	[tilespmem:$0xD000] =	vst v63  }
0x159: {  	s7 =	sadd.s32 @!p0 $0x480, s17;
	s14 =	simm.s32 @!p0 $0x5000  }
0x15a: {  	[tilespmem:s14], [sflag:$0x3] =	stream.indirect.gather @!p0 [hbm4b:s0+s8], $0x80, s7, s8, $0xb8;
	[tilespmem:$0xD000] =	vst v63  }
0x15b: {  	_ =	swait.ge [sflag:s25], $0x2000  }
0x15c: {  	[sflag:s25] =	ssyncset.done $0x0  }
0x15d: {  	[sflag:s25] =	ssyncadd.s32 $0xFFFFE000  }
0x15e: {  	_ =	swait.ge [sflag:s26], $0x2000  }
0x15f: {  	[sflag:s26] =	ssyncset.done $0x0  }
0x160: {  	[sflag:s26] =	ssyncadd.s32 $0xFFFFE000  }
0x161: {  	s22 =	sadd.s32 $0x1, s22;
	s23 =	simm.s32 $0xFFFFFFFE;
	_ =	swait.ge [sflag:s28], $0x2000  }
0x162: {  	s24 =	simm.s32 $0xB200;
	s14 =	simm.s32 $0x9200;
	[sflag:s28] =	ssyncset.done $0x0  }
0x163: {  	s7 =	simm.s32 $0x7200;
	s8 =	simm.s32 $0x880;
	[sflag:s28] =	ssyncadd.s32 $0xFFFFE000  }
.LBB2_7:
0x164: {  	v0 =	vld [tilespmem:s7+$0xFFFFFE00]  }
0x165: {  	v1 =	vld [tilespmem:s14+$0xFFFFFE00]  }
0x166: {  	v2 =	vld [tilespmem:s24+$0xFFFFFE00]  }
0x167: {  	v3 =	vld [tilespmem:s7+$0xFFFFFE10]  }
0x168: {  	v5 =	vld [tilespmem:s14+$0xFFFFFE10]  }
0x169: {  	v6 =	vld [tilespmem:s24+$0xFFFFFE10]  }
0x16a: {  	v7 =	vld [tilespmem:s7+$0xFFFFFE20]  }
0x16b: {  	v8 =	vld [tilespmem:s14+$0xFFFFFE20]  }
0x16c: {  	v9 =	vld [tilespmem:s24+$0xFFFFFE20]  }
0x16d: {  	v10 =	vld [tilespmem:s7+$0xFFFFFE30]  }
0x16e: {  	v11 =	vld [tilespmem:s14+$0xFFFFFE30]  }
0x16f: {  	v12 =	vld [tilespmem:s24+$0xFFFFFE30]  }
0x170: {  	v13 =	vld [tilespmem:s7+$0xFFFFFE40]  }
0x171: {  	v14 =	vld [tilespmem:s14+$0xFFFFFE40]  }
0x172: {  	v15 =	vld [tilespmem:s24+$0xFFFFFE40]  }
0x173: {  	v16 =	vld [tilespmem:s7+$0xFFFFFE50]  }
0x174: {  	v17 =	vld [tilespmem:s14+$0xFFFFFE50]  }
0x175: {  	v18 =	vld [tilespmem:s24+$0xFFFFFE50]  }
0x176: {  	v19 =	vld [tilespmem:s7+$0xFFFFFE60]  }
0x177: {  	v20 =	vld [tilespmem:s14+$0xFFFFFE60]  }
0x178: {  	v21 =	vld [tilespmem:s24+$0xFFFFFE60]  }
0x179: {  	v22 =	vld [tilespmem:s7+$0xFFFFFE70]  }
0x17a: {  	v23 =	vld [tilespmem:s14+$0xFFFFFE70]  }
0x17b: {  	v24 =	vld [tilespmem:s24+$0xFFFFFE70]  }
0x17c: {  	v25 =	vld [tilespmem:s7+$0xFFFFFE80]  }
0x17d: {  	v26 =	vld [tilespmem:s14+$0xFFFFFE80]  }
0x17e: {  	v27 =	vld [tilespmem:s24+$0xFFFFFE80]  }
0x17f: {  	v28 =	vld [tilespmem:s7+$0xFFFFFE90]  }
0x180: {  	v29 =	vld [tilespmem:s14+$0xFFFFFE90]  }
0x181: {  	v30 =	vld [tilespmem:s24+$0xFFFFFE90]  }
0x182: {  	v31 =	vld [tilespmem:s7+$0xFFFFFEA0]  }
0x183: {  	v32 =	vld [tilespmem:s14+$0xFFFFFEA0]  }
0x184: {  	v33 =	vld [tilespmem:s24+$0xFFFFFEA0]  }
0x185: {  	v34 =	vld [tilespmem:s7+$0xFFFFFEB0]  }
0x186: {  	v35 =	vld [tilespmem:s14+$0xFFFFFEB0]  }
0x187: {  	v36 =	vld [tilespmem:s24+$0xFFFFFEB0]  }
0x188: {  	v37 =	vld [tilespmem:s7+$0xFFFFFEC0]  }
0x189: {  	v38 =	vld [tilespmem:s14+$0xFFFFFEC0]  }
0x18a: {  	v39 =	vld [tilespmem:s24+$0xFFFFFEC0]  }
0x18b: {  	v40 =	vld [tilespmem:s7+$0xFFFFFED0]  }
0x18c: {  	v41 =	vld [tilespmem:s14+$0xFFFFFED0]  }
0x18d: {  	v42 =	vld [tilespmem:s24+$0xFFFFFED0]  }
0x18e: {  	v43 =	vld [tilespmem:s7+$0xFFFFFEE0]  }
0x18f: {  	v44 =	vld [tilespmem:s14+$0xFFFFFEE0]  }
0x190: {  	v45 =	vld [tilespmem:s24+$0xFFFFFEE0]  }
0x191: {  	v46 =	vld [tilespmem:s7+$0xFFFFFEF0]  }
0x192: {  	v47 =	vld [tilespmem:s14+$0xFFFFFEF0]  }
0x193: {  	v4 =	vld [tilespmem:s24+$0xFFFFFEF0]  }
0x194: {  	v48 =	vld [tilespmem:s7+$0xFFFFFF00]  }
0x195: {  	v49 =	vld [tilespmem:s14+$0xFFFFFF00]  }
0x196: {  	v50 =	vld [tilespmem:s24+$0xFFFFFF00]  }
0x197: {  	v51 =	vld [tilespmem:s7+$0xFFFFFF10]  }
0x198: {  	v52 =	vld [tilespmem:s14+$0xFFFFFF10]  }
0x199: {  	v53 =	vld [tilespmem:s24+$0xFFFFFF10]  }
0x19a: {  	v54 =	vld [tilespmem:s7+$0xFFFFFF20]  }
0x19b: {  	v55 =	vld [tilespmem:s14+$0xFFFFFF20]  }
0x19c: {  	v56 =	vld [tilespmem:s24+$0xFFFFFF20]  }
0x19d: {  	v57 =	vld [tilespmem:s7+$0xFFFFFF30]  }
0x19e: {  	v58 =	vld [tilespmem:s14+$0xFFFFFF30]  }
0x19f: {  	v63 =	vld [tilespmem:s24+$0xFFFFFF40]  }
0x1a0: {  	v59 =	vld [tilespmem:s24+$0xFFFFFF30]  }
0x1a1: {  	v62 =	vld [tilespmem:s24+$0xFFFFFF50]  }
0x1a2: {  	v60 =	vld [tilespmem:s7+$0xFFFFFF40]  }
0x1a3: {  	v61 =	vld [tilespmem:s14+$0xFFFFFF40]  }
0x1a4: {  	[tilespmem:$0x1FE80] =	vst v63;
	v63 =	vld [tilespmem:s7+$0xFFFFFF50]  }
0x1a5: {  	[tilespmem:$0x1FEC0] =	vst v4;
	v4 =	vld [tilespmem:s14+$0xFFFFFF50]  }
0x1a6: {  	[tilespmem:$0x1FE90] =	vst v62;
	v62 =	vld [tilespmem:s7+$0xFFFFFF60]  }
0x1a7: {  	v0 =	vmul.f32 v1, v0;
	v1 =	vmul.f32 v5, v3;
	v3 =	vld [tilespmem:s24+$0xFFFFFF60]  }
0x1a8: {  	v17 =	vmul.f32 v17, v16;
	v16 =	vld [tilespmem:s14+$0xFFFFFF90]  }
0x1a9: {  	v20 =	vmul.f32 v20, v19;
	v19 =	vld [tilespmem:s24+$0xFFFFFF90]  }
0x1aa: {  	v32 =	vmul.f32 v32, v31;
	v31 =	vmul.f32 v35, v34;
	v35 =	vld [tilespmem:s7+$0xFFFFFFB0]  }
0x1ab: {  	v29 =	vmul.f32 v29, v28;
	v34 =	vmul.f32 v41, v40;
	v40 =	vld [tilespmem:s14+$0xFFFFFFB0]  }
0x1ac: {  	v0 =	vmul.f32 v2, v0;
	v1 =	vmul.f32 v6, v1;
	v2 =	vld [tilespmem:s14+$0xFFFFFF70]  }
0x1ad: {  	v6 =	vmul.f32 v11, v10;
	v11 =	vld [tilespmem:s14+$0xFFFFFF80];
	v10 =	vmul.f32 v18, v17  }
0x1ae: {  	v18 =	vmul.f32 v30, v29;
	v30 =	vmul.f32 v33, v32;
	v32 =	vld [tilespmem:s24+$0xFFFFFFA0]  }
0x1af: {  	v33 =	vmul.f32 v38, v37;
	v38 =	vmul.f32 v44, v43;
	v43 =	vld [tilespmem:s24+$0xFFFFFFB0]  }
0x1b0: {  	v26 =	vmul.f32 v26, v25;
	v44 =	vmul.f32 v49, v48;
	v49 =	vld [tilespmem:s24+$0xFFFFFFC0]  }
0x1b1: {  	[tilespmem:$0x1FEB0] =	vst v62;
	v62 =	vld [tilespmem:s14+$0xFFFFFF60]  }
0x1b2: {  	v17 =	vmul.f32 v27, v26;
	v27 =	vld [tilespmem:s7+$0xFFFFFFE0]  }
0x1b3: {  	v37 =	vmul.f32 v36, v31;
	v31 =	vld [tilespmem:s14+$0xFFFFFFE0]  }
0x1b4: {  	v23 =	vmul.f32 v23, v22;
	v42 =	vmul.f32 v42, v34;
	v34 =	vld [tilespmem:s24+$0xFFFFFFE0]  }
0x1b5: {  	v6 =	vmul.f32 v12, v6;
	v12 =	vmul.f32 v21, v20;
	v20 =	vld [tilespmem:s7+$0xFFFFFFA0]  }
0x1b6: {  	[tilespmem:$0x1FEA0] =	vst v62;
	v62 =	vmul.f32 v8, v7;
	v8 =	vld [tilespmem:s7+$0xFFFFFF80]  }
0x1b7: {  	v0 =	vadd.f32 v1, v0;
	v1 =	vmul.f32 v24, v23;
	v41 =	vmul.f32 v39, v33;
	v7 =	vld [tilespmem:s7+$0xFFFFFF70]  }
0x1b8: {  	v39 =	vld [tilespmem:s14+$0xFFFFFFF0];
	v5 =	vmul.f32 v9, v62;
	v62 =	vmul.f32 v14, v13  }
0x1b9: {  	v17 =	vadd.f32 v18, v17;
	v48 =	vmul.f32 v50, v44;
	v33 =	vmul.f32 v61, v60;
	v14 =	vld [tilespmem:s7+$0xFFFFFF90]  }
0x1ba: {  	v4 =	vmul.f32 v4, v63;
	v13 =	vld [tilespmem:s24+$0xFFFFFF80];
	v9 =	vmul.f32 v15, v62;
	v0 =	vadd.f32 v5, v0  }
0x1bb: {  	v62 =	vld [tilespmem:s14+$0xFFFFFFA0];
	v5 =	vadd.f32 v30, v17;
	v30 =	vmul.f32 v40, v35;
	v8 =	vmul.f32 v11, v8  }
0x1bc: {  	v2 =	vmul.f32 v2, v7;
	v0 =	vadd.f32 v6, v0;
	v6 =	vmul.f32 v47, v46;
	v47 =	vld [tilespmem:s14+$0xFFFFFFC0]  }
0x1bd: {  	v46 =	vmul.f32 v52, v51;
	v51 =	vld [tilespmem:s7+$0xFFFFFFD0];
	v52 =	vmul.f32 v55, v54  }
0x1be: {  	v5 =	vadd.f32 v37, v5;
	v55 =	vld [tilespmem:s24+$0xFFFFFFD0];
	v35 =	vmul.f32 v43, v30;
	v14 =	vmul.f32 v16, v14  }
0x1bf: {  	v8 =	vmul.f32 v13, v8;
	v0 =	vadd.f32 v9, v0;
	v9 =	vmul.f32 v45, v38;
	v45 =	vld [tilespmem:s7+$0xFFFFFFC0]  }
0x1c0: {  	v50 =	vmul.f32 v53, v46;
	v53 =	vld [tilespmem:s14+$0xFFFFFFD0];
	v14 =	vmul.f32 v19, v14  }
0x1c1: {  	v5 =	vadd.f32 v41, v5;
	v38 =	vld [tilespmem:$0x1FE80];
	v54 =	vmul.f32 v62, v20;
	v0 =	vadd.f32 v10, v0  }
0x1c2: {  	v43 =	vld [tilespmem:$0x1FEB0];
	v62 =	vmul.f32 v58, v57;
	v10 =	vadd.f32 v50, v48;
	v8 =	vadd.f32 v14, v8  }
0x1c3: {  	v41 =	vld [tilespmem:$0x1FE90];
	v29 =	vmul.f32 v32, v54;
	v0 =	vadd.f32 v12, v0;
	v12 =	vmul.f32 v56, v52  }
0x1c4: {  	v46 =	vmul.f32 v31, v27;
	v5 =	vadd.f32 v42, v5;
	v42 =	vld [tilespmem:$0x1FEA0];
	v32 =	vmul.f32 v59, v62  }
0x1c5: {  	v37 =	vld [tilespmem:s7+$0xFFFFFFF0];
	v8 =	vadd.f32 v29, v8;
	v36 =	vmul.f32 v47, v45;
	v10 =	vadd.f32 v12, v10  }
0x1c6: {  	v40 =	vld [tilespmem:s24+$0xFFFFFF70];
	v13 =	vmul.f32 v53, v51;
	v12 =	vmul.f32 v38, v33  }
0x1c7: {  	v50 =	vld [tilespmem:$0x1FEC0];
	v8 =	vadd.f32 v35, v8;
	v11 =	vmul.f32 v49, v36;
	v10 =	vadd.f32 v32, v10  }
0x1c8: {  	v44 =	vld [tilespmem:s24+$0xFFFFFFF0];
	v4 =	vmul.f32 v41, v4;
	v45 =	vmul.f32 v55, v13  }
0x1c9: {  	v8 =	vadd.f32 v11, v8;
	v10 =	vadd.f32 v12, v10;
	v12 =	vmul.f32 v42, v43  }
0x1ca: {  	v48 =	vmul.f32 v34, v46;
	v49 =	vmul.f32 v39, v37  }
0x1cb: {  	v47 =	vadd.f32 v45, v8;
	v4 =	vadd.f32 v4, v10;
	v3 =	vmul.f32 v3, v12  }
0x1cc: {  	v2 =	vmul.f32 v40, v2;
	v57 =	vld [tilespmem:$0x1FFC0];
	v5 =	vadd.f32 v9, v5;
	v6 =	vmul.f32 v50, v6  }
0x1cd: {  	v58 =	vld [tilespmem:$0x1FFC0];
	v52 =	vmul.f32 v44, v49;
	v51 =	vadd.f32 v48, v47;
	v3 =	vadd.f32 v3, v4  }
0x1ce: {  	v0 =	vadd.f32 v1, v0;
	v53 =	vadd.f32 v6, v5  }
0x1cf: {  	v54 =	vadd.f32 v52, v51;
	v2 =	vadd.f32 v2, v3;
	_ =	sdelay $0x1  }
0x1d0: {  	v55 =	vsel vm0, v53, v0;
	v56 =	vsel vm0, v54, v2  }
0x1d1: {  	v61 =	vld [tilespmem:$0x1FFD0];
	v4 =	vperm.xlane v55, v57;
	v5 =	vperm.xlane v56, v58  }
0x1d2: {  	v0 =	vsel vm0, v0, v53;
	v59 =	vsel vm0, v2, v54  }
0x1d3: {  	v0 =	vadd.f32 v4, v0;
	v1 =	vadd.f32 v59, v5;
	_ =	sdelay $0x1  }
0x1d4: {  	v60 =	vsel vm1, v1, v0  }
0x1d5: {  	v2 =	vperm.xlane v60, v61  }
0x1d6: {  	v0 =	vsel vm1, v0, v1  }
0x1d7: {  	v0 =	vadd.f32 v0, v2;
	_ =	sdelay $0x1  }
0x1d8: {  	[tilespmem:s8+$0xFFFFFF80] =	vst v0  }
0x1d9: {  	v0 =	vld [tilespmem:s7+$0x0]  }
0x1da: {  	v1 =	vld [tilespmem:s14+$0x0]  }
0x1db: {  	v2 =	vld [tilespmem:s24+$0x0]  }
0x1dc: {  	v3 =	vld [tilespmem:s7+$0x10]  }
0x1dd: {  	v5 =	vld [tilespmem:s14+$0x10]  }
0x1de: {  	v6 =	vld [tilespmem:s24+$0x10]  }
0x1df: {  	v7 =	vld [tilespmem:s7+$0x20]  }
0x1e0: {  	v8 =	vld [tilespmem:s14+$0x20]  }
0x1e1: {  	v9 =	vld [tilespmem:s24+$0x20]  }
0x1e2: {  	v10 =	vld [tilespmem:s7+$0x30]  }
0x1e3: {  	v11 =	vld [tilespmem:s14+$0x30]  }
0x1e4: {  	v12 =	vld [tilespmem:s24+$0x30]  }
0x1e5: {  	v13 =	vld [tilespmem:s7+$0x40]  }
0x1e6: {  	v14 =	vld [tilespmem:s14+$0x40]  }
0x1e7: {  	v15 =	vld [tilespmem:s24+$0x40]  }
0x1e8: {  	v16 =	vld [tilespmem:s7+$0x50]  }
0x1e9: {  	v17 =	vld [tilespmem:s14+$0x50]  }
0x1ea: {  	v18 =	vld [tilespmem:s24+$0x50]  }
0x1eb: {  	v19 =	vld [tilespmem:s7+$0x60]  }
0x1ec: {  	v20 =	vld [tilespmem:s14+$0x60]  }
0x1ed: {  	v21 =	vld [tilespmem:s24+$0x60]  }
0x1ee: {  	v22 =	vld [tilespmem:s7+$0x70]  }
0x1ef: {  	v23 =	vld [tilespmem:s14+$0x70]  }
0x1f0: {  	v24 =	vld [tilespmem:s24+$0x70]  }
0x1f1: {  	v25 =	vld [tilespmem:s7+$0x80]  }
0x1f2: {  	v26 =	vld [tilespmem:s14+$0x80]  }
0x1f3: {  	v27 =	vld [tilespmem:s24+$0x80]  }
0x1f4: {  	v28 =	vld [tilespmem:s7+$0x90]  }
0x1f5: {  	v29 =	vld [tilespmem:s14+$0x90]  }
0x1f6: {  	v30 =	vld [tilespmem:s24+$0x90]  }
0x1f7: {  	v31 =	vld [tilespmem:s7+$0xA0]  }
0x1f8: {  	v32 =	vld [tilespmem:s14+$0xA0]  }
0x1f9: {  	v33 =	vld [tilespmem:s24+$0xA0]  }
0x1fa: {  	v34 =	vld [tilespmem:s7+$0xB0]  }
0x1fb: {  	v35 =	vld [tilespmem:s14+$0xB0]  }
0x1fc: {  	v36 =	vld [tilespmem:s24+$0xB0]  }
0x1fd: {  	v37 =	vld [tilespmem:s7+$0xC0]  }
0x1fe: {  	v38 =	vld [tilespmem:s14+$0xC0]  }
0x1ff: {  	v39 =	vld [tilespmem:s24+$0xC0]  }
0x200: {  	v40 =	vld [tilespmem:s7+$0xD0]  }
0x201: {  	v41 =	vld [tilespmem:s14+$0xD0]  }
0x202: {  	v42 =	vld [tilespmem:s24+$0xD0]  }
0x203: {  	v43 =	vld [tilespmem:s7+$0xE0]  }
0x204: {  	v44 =	vld [tilespmem:s14+$0xE0]  }
0x205: {  	v45 =	vld [tilespmem:s24+$0xE0]  }
0x206: {  	v46 =	vld [tilespmem:s7+$0xF0]  }
0x207: {  	v47 =	vld [tilespmem:s14+$0xF0]  }
0x208: {  	v62 =	vld [tilespmem:s24+$0xF0]  }
0x209: {  	v48 =	vld [tilespmem:s7+$0x100]  }
0x20a: {  	v49 =	vld [tilespmem:s14+$0x100]  }
0x20b: {  	v50 =	vld [tilespmem:s24+$0x100]  }
0x20c: {  	v51 =	vld [tilespmem:s7+$0x110]  }
0x20d: {  	v52 =	vld [tilespmem:s14+$0x110]  }
0x20e: {  	v53 =	vld [tilespmem:s24+$0x110]  }
0x20f: {  	v54 =	vld [tilespmem:s7+$0x120]  }
0x210: {  	v55 =	vld [tilespmem:s14+$0x120]  }
0x211: {  	v56 =	vld [tilespmem:s24+$0x120]  }
0x212: {  	v57 =	vld [tilespmem:s7+$0x130]  }
0x213: {  	v58 =	vld [tilespmem:s14+$0x130]  }
0x214: {  	v63 =	vld [tilespmem:s24+$0x140]  }
0x215: {  	v59 =	vld [tilespmem:s24+$0x130]  }
0x216: {  	v60 =	vld [tilespmem:s7+$0x140]  }
0x217: {  	v61 =	vld [tilespmem:s14+$0x140]  }
0x218: {  	v4 =	vld [tilespmem:s14+$0x150]  }
0x219: {  	[tilespmem:$0x1FED0] =	vst v63;
	v63 =	vld [tilespmem:s7+$0x150]  }
0x21a: {  	[tilespmem:$0x1FF10] =	vst v62;
	v62 =	vld [tilespmem:s24+$0x150]  }
0x21b: {  	v0 =	vmul.f32 v1, v0;
	v1 =	vmul.f32 v5, v3;
	v3 =	vld [tilespmem:s24+$0x160]  }
0x21c: {  	v20 =	vmul.f32 v20, v19;
	v19 =	vld [tilespmem:s24+$0x190]  }
0x21d: {  	v28 =	vmul.f32 v29, v28;
	v29 =	vmul.f32 v32, v31;
	v32 =	vld [tilespmem:s24+$0x1A0]  }
0x21e: {  	v31 =	vmul.f32 v35, v34;
	v35 =	vld [tilespmem:s7+$0x1B0]  }
0x21f: {  	v17 =	vmul.f32 v17, v16;
	v34 =	vmul.f32 v41, v40;
	v40 =	vld [tilespmem:s14+$0x1B0]  }
0x220: {  	v0 =	vmul.f32 v2, v0;
	v1 =	vmul.f32 v6, v1;
	v2 =	vld [tilespmem:s14+$0x170]  }
0x221: {  	v6 =	vmul.f32 v11, v10;
	v10 =	vmul.f32 v18, v17;
	[tilespmem:$0x1FEE0] =	vst v62;
	v62 =	vld [tilespmem:s7+$0x160]  }
0x222: {  	v11 =	vld [tilespmem:s14+$0x180];
	v18 =	vmul.f32 v30, v28;
	v30 =	vmul.f32 v33, v29  }
0x223: {  	v33 =	vmul.f32 v38, v37;
	v38 =	vmul.f32 v44, v43;
	v43 =	vld [tilespmem:s24+$0x1B0]  }
0x224: {  	v44 =	vmul.f32 v49, v48;
	v49 =	vld [tilespmem:s14+$0x1C0]  }
0x225: {  	v48 =	vmul.f32 v52, v51;
	v51 =	vld [tilespmem:s24+$0x1C0]  }
0x226: {  	[tilespmem:$0x1FF00] =	vst v62;
	v62 =	vld [tilespmem:s14+$0x160]  }
0x227: {  	v29 =	vld [tilespmem:s24+$0x1D0]  }
0x228: {  	v37 =	vmul.f32 v36, v31;
	v31 =	vld [tilespmem:s7+$0x1E0]  }
0x229: {  	v26 =	vmul.f32 v26, v25;
	v42 =	vmul.f32 v42, v34;
	v34 =	vld [tilespmem:s14+$0x1E0]  }
0x22a: {  	v6 =	vmul.f32 v12, v6;
	v12 =	vmul.f32 v21, v20;
	v20 =	vld [tilespmem:s7+$0x1A0]  }
0x22b: {  	v21 =	vld [tilespmem:s14+$0x1A0];
	[tilespmem:$0x1FEF0] =	vst v62;
	v62 =	vmul.f32 v8, v7  }
0x22c: {  	v17 =	vmul.f32 v27, v26;
	v52 =	vmul.f32 v53, v48;
	v53 =	vld [tilespmem:s7+$0x1D0]  }
0x22d: {  	v8 =	vld [tilespmem:s7+$0x180];
	v5 =	vmul.f32 v9, v62;
	v62 =	vmul.f32 v14, v13  }
0x22e: {  	v23 =	vmul.f32 v23, v22;
	v55 =	vmul.f32 v55, v54;
	v0 =	vadd.f32 v1, v0;
	v14 =	vld [tilespmem:s7+$0x190]  }
0x22f: {  	v36 =	vmul.f32 v61, v60;
	v17 =	vadd.f32 v18, v17;
	v9 =	vmul.f32 v15, v62;
	v62 =	vld [tilespmem:s14+$0x190]  }
0x230: {  	v1 =	vmul.f32 v24, v23;
	v50 =	vmul.f32 v50, v44;
	v44 =	vld [tilespmem:$0x1FEE0];
	v0 =	vadd.f32 v5, v0  }
0x231: {  	v41 =	vmul.f32 v39, v33;
	v27 =	vmul.f32 v21, v20;
	v13 =	vld [tilespmem:s24+$0x180];
	v5 =	vadd.f32 v30, v17  }
0x232: {  	v33 =	vmul.f32 v40, v35;
	v4 =	vmul.f32 v4, v63;
	v7 =	vld [tilespmem:s7+$0x170];
	v0 =	vadd.f32 v6, v0  }
0x233: {  	v40 =	vld [tilespmem:s7+$0x1F0];
	v32 =	vmul.f32 v32, v27;
	v8 =	vmul.f32 v11, v8;
	v5 =	vadd.f32 v37, v5  }
0x234: {  	v0 =	vadd.f32 v9, v0;
	v9 =	vmul.f32 v45, v38;
	v45 =	vld [tilespmem:s7+$0x1C0];
	v14 =	vmul.f32 v62, v14  }
0x235: {  	v4 =	vmul.f32 v44, v4;
	v30 =	vmul.f32 v58, v57;
	v5 =	vadd.f32 v41, v5;
	v41 =	vld [tilespmem:$0x1FED0]  }
0x236: {  	v8 =	vmul.f32 v13, v8;
	v62 =	vld [tilespmem:s14+$0x1D0];
	v0 =	vadd.f32 v10, v0;
	v14 =	vmul.f32 v19, v14  }
0x237: {  	v2 =	vmul.f32 v2, v7;
	v6 =	vmul.f32 v47, v46;
	v37 =	vld [tilespmem:s24+$0x1E0];
	v10 =	vadd.f32 v52, v50  }
0x238: {  	v46 =	vld [tilespmem:$0x1FF00];
	v0 =	vadd.f32 v12, v0;
	v12 =	vmul.f32 v56, v55;
	v8 =	vadd.f32 v14, v8  }
0x239: {  	v35 =	vmul.f32 v59, v30;
	v5 =	vadd.f32 v42, v5;
	v39 =	vmul.f32 v49, v45;
	v45 =	vld [tilespmem:$0x1FEF0]  }
0x23a: {  	v38 =	vmul.f32 v43, v33;
	v42 =	vld [tilespmem:s14+$0x1F0];
	v10 =	vadd.f32 v12, v10;
	v8 =	vadd.f32 v32, v8  }
0x23b: {  	v43 =	vld [tilespmem:s24+$0x170];
	v12 =	vmul.f32 v41, v36;
	v13 =	vmul.f32 v62, v53  }
0x23c: {  	v53 =	vld [tilespmem:$0x1FF10];
	v11 =	vmul.f32 v51, v39;
	v10 =	vadd.f32 v35, v10;
	v8 =	vadd.f32 v38, v8  }
0x23d: {  	v47 =	vld [tilespmem:s24+$0x1F0];
	v49 =	vmul.f32 v34, v31;
	v48 =	vmul.f32 v29, v13  }
0x23e: {  	v10 =	vadd.f32 v12, v10;
	v12 =	vmul.f32 v45, v46;
	v8 =	vadd.f32 v11, v8  }
0x23f: {  	v51 =	vmul.f32 v37, v49;
	v52 =	vmul.f32 v42, v40  }
0x240: {  	v4 =	vadd.f32 v4, v10;
	v3 =	vmul.f32 v3, v12;
	v50 =	vadd.f32 v48, v8  }
0x241: {  	v5 =	vadd.f32 v9, v5;
	v2 =	vmul.f32 v43, v2;
	v6 =	vmul.f32 v53, v6  }
0x242: {  	v59 =	vld [tilespmem:$0x1FFC0];
	v56 =	vmul.f32 v47, v52;
	v3 =	vadd.f32 v3, v4;
	v54 =	vadd.f32 v51, v50  }
0x243: {  	v0 =	vadd.f32 v1, v0;
	v57 =	vadd.f32 v6, v5  }
0x244: {  	v2 =	vadd.f32 v2, v3;
	v58 =	vadd.f32 v56, v54;
	_ =	sdelay $0x1  }
0x245: {  	v60 =	vsel vm0, v57, v0;
	v61 =	vsel vm0, v58, v2  }
0x246: {  	v55 =	vld [tilespmem:$0x1FFD0];
	v4 =	vperm.xlane v60, v59;
	v5 =	vperm.xlane v61, v59  }
0x247: {  	v0 =	vsel vm0, v0, v57;
	v62 =	vsel vm0, v2, v58  }
0x248: {  	v0 =	vadd.f32 v4, v0;
	v1 =	vadd.f32 v62, v5  }
0x249: {  	s23 =	sadd.s32 $0x2, s23  }
0x24a: {  	p0 =	slt.u32 s23, $0xE;
	v63 =	vsel vm1, v1, v0  }
.Ltmp2:
0x24b: {  	v2 =	vperm.xlane v63, v55;
	(pc) =	sbr.rel @p0 .LBB2_7-.Ltmp2, $4  }
0x24c: {  	v0 =	vsel vm1, v0, v1  }
0x24d: {  	v0 =	vadd.f32 v0, v2  }
0x24e: {  	s24 =	sadd.s32 $0x400, s24  }
0x24f: {  	s7 =	sadd.s32 $0x400, s7;
	s14 =	sadd.s32 $0x400, s14;
	[tilespmem:s8+$0x0] =	vst v0;
	s8 =	sadd.s32 $0x100, s8  }
0x250: {  	s8 =	sadd.s32 $0x600, s18;
	v9 =	vld [tilespmem:$0x1FFE0]  }
0x251: {  	s7 =	simm.s32 $0x0;
	p0 =	por $0x1, $0x1;
	v10 =	vld [tilespmem:$0x1FFF0];
	v4 =	vmov s8  }
.LBB2_9:
0x252: {  	s8 =	sshll.u32 s7, $0x9  }
0x253: {  	s8 =	sand.u32 $0x3FFFFE00, s8  }
0x254: {  	v0 =	vld [tilespmem:s8+$0x800]  }
0x255: {  	v1 =	vld [tilespmem:s8+$0x880]  }
0x256: {  	v2 =	vld [tilespmem:s8+$0x900]  }
0x257: {  	v3 =	vld [tilespmem:s8+$0x980];
	_ =	sdelay $0x4  }
0x258: {  	v5 =	vsel vm2, v1, v0;
	v6 =	vsel vm2, v3, v2  }
0x259: {  	v5 =	vperm.xlane v5, v9;
	v6 =	vperm.xlane v6, v9  }
0x25a: {  	v0 =	vsel vm2, v0, v1;
	v58 =	vsel vm2, v2, v3  }
0x25b: {  	v0 =	vadd.f32 v5, v0;
	v1 =	vadd.f32 v6, v58;
	_ =	sdelay $0x1  }
0x25c: {  	v59 =	vsel vm3, v1, v0  }
0x25d: {  	v2 =	vperm.xlane v59, v10  }
0x25e: {  	v0 =	vsel vm3, v0, v1  }
0x25f: {  	s18 =	sshll.u32 s7, $0x4;
	s23 =	sor.u32 $0x1, s7;
	v0 =	vadd.f32 v0, v2  }
0x260: {  	s14 =	sshll.u32 s23, $0x9;
	s8 =	sand.u32 $0x3FFFFFF0, s18  }
0x261: {  	s24 =	sand.u32 $0x3FFFFE00, s14;
	[tilespmem:v4+s8+$0x0 ss:$0x1] =	vst.idx.msk $0xffff, v0  }
0x262: {  	v0 =	vld [tilespmem:s24+$0x800]  }
0x263: {  	v60 =	vld [tilespmem:s24+$0x880]  }
0x264: {  	v61 =	vld [tilespmem:s24+$0x900]  }
0x265: {  	v3 =	vld [tilespmem:s24+$0x980];
	_ =	sdelay $0x4  }
0x266: {  	v5 =	vsel vm2, v60, v0;
	v6 =	vsel vm2, v3, v61  }
0x267: {  	v5 =	vperm.xlane v5, v9;
	v6 =	vperm.xlane v6, v9  }
0x268: {  	v0 =	vsel vm2, v0, v60;
	v62 =	vsel vm2, v61, v3  }
0x269: {  	v0 =	vadd.f32 v5, v0;
	v1 =	vadd.f32 v6, v62;
	_ =	sdelay $0x1  }
0x26a: {  	p1 =	por p0, p0;
	v63 =	vsel vm3, v1, v0  }
.Ltmp3:
0x26b: {  	v2 =	vperm.xlane v63, v10;
	(pc) =	sbr.rel @p1 .LBB2_9-.Ltmp3, $4  }
0x26c: {  	v0 =	vsel vm3, v0, v1  }
0x26d: {  	s7 =	sshll.u32 s23, $0x4;
	v0 =	vadd.f32 v0, v2  }
0x26e: {  	s7 =	sand.u32 $0x3FFFFFF0, s7  }
0x26f: {  	p0 =	por $0x0, $0x0;
	[tilespmem:v4+s7+$0x0 ss:$0x1] =	vst.idx.msk $0xffff, v0;
	s7 =	simm.s32 $0x2  }
0x270: {  	p0 =	sne.s32 s22, $0x4  }
.Ltmp4:
0x271: {  	_ = 	snop;
	(pc) =	sbr.rel @p0 .LBB2_2-.Ltmp4, $4  }
0x272: {  	s7 =	sor.u32 s6, s17  }
0x273: {  	s8 =	sand.u32 $0x3FFFFF80, s17;
	s7 =	sshrl.u32 s7, $0x3  }
0x274: {  	s8 =	sadd.s32 $0x600, s8;
	s7 =	sadd.s32 s3, s7  }
0x275: {  	[hbm4b:s7+s5] =	stream.linear.scatter [tilespmem:s8], [sflag:$0x7], $0x80, $0x38;
	[tilespmem:$0xD000] =	vst v63  }
0x276: {  	_ =	swait.ge [sflag:s1], $0x80  }
0x277: {  	[sflag:s1] =	ssyncset.done $0x0  }
0x278: {  	[sflag:s1] =	ssyncadd.s32 $0xFFFFFF80  }
0x279: {  	_ =	swait.ge [sflag:s1], $0x80  }
0x27a: {  	[sflag:s1] =	ssyncset.done $0x0  }
0x27b: {  	s4 =	sadd.s32 $0x1, s4;
	[sflag:s1] =	ssyncadd.s32 $0xFFFFFF80  }
0x27c: {  	p0 =	sne.s32 s4, s13;
	_ =	swait.ge [sflag:s1], $0x80  }
.Ltmp5:
0x27d: {  	[sflag:s1] =	ssyncset.done $0x0;
	(pc) =	sbr.rel @p0 .LBB2_1-.Ltmp5, $4  }
0x27e: {  	[sflag:s1] =	ssyncadd.s32 $0xFFFFFF80  }
0x27f: {  	_ =	swait.ge [sflag:s1], $0x80  }
0x280: {  	[sflag:s1] =	ssyncset.done $0x0  }
0x281: {  	[sflag:s1] =	ssyncadd.s32 $0xFFFFFF80  }
0x282: {  	_ =	sfence.sel $0x180000  }
0x283: {  	[bflag:$0x0] =	sbarrier.arrive $0xFFFF  }
0x284: {  	_ =	strace $0x90000047  }
0x285: {  	s0 =	stileid.u32;
	[bflag:$0x2] =	sbarrier.arrive $0xFFFF  }
0x286: {  	p0 =	sne.s32 s0, $0x0;
	s0 =	rddreg [dreg:$0x6]  }
0x287: {  	s0 =	sadd.s32 @!p0 $0x100000, s0  }
0x288: {  	[sflag:s0] =	ssyncadd.tile.s32 @!p0 $0x1;
	_ =	shalt  }
.Lfunc_end2:
_tile_overlayer_lowered:
.L_overlay_start_2:
0x289: {  	(tag) =	ssettag $0x2  }
0x28a: {  	s0 =	rddreg [dreg:$0x0];
	s2 =	stileid.u32  }
0x28b: {  	s1 =	rddreg [dreg:$0x1];
	p0 =	sne.s32 s2, $0x0  }
0x28c: {  	s3 =	rddreg [dreg:$0x2];
	[bflag:$0x3] =	sbarrier.arrive $0xFFFF;
	s2 =	simm.s32 @!p0 $0x1C08  }
0x28d: {  	[timem:s3], [sflag:s2] =	dma.local @!p0 [hbm:s0], s1  }
0x28e: {  	s0 =	simm.s32 @!p0 $0x8  }
0x28f: {  	_ =	swait.ge @!p0 [sflag:s0], s1  }
0x290: {  	s1 =	ssub.s32 @!p0 $0x0, s1;
	[sflag:s0] =	ssyncset.done @!p0 $0x0  }
0x291: {  	[sflag:s0] =	ssyncadd.s32 @!p0 s1  }
0x292: {  	[bflag:$0x3] =	sbarrier.arrive $0xFFFF  }
0x293: {  	_ =	shalt  }

</sc_bundles>
